<compile_context>
chip_gen: v7x
topology: tpu7x:2x2x1
jax: 0.10.2.dev20260603
libtpu: 0.0.44.dev20260713+nightly
codegen_flags: <defaults>
</compile_context>

<pallas_src>
import functools

import jax
import jax.numpy as jnp
from jax import lax
from jax.experimental import pallas as pl
from jax.experimental.pallas import tpu as pltpu
from jax.experimental.pallas import tpu_sc as plsc

_LANES = 16
_DEPTH = 16


@functools.lru_cache(maxsize=None)
def _make_sc_gather_t(B, V, D):
    info = plsc.get_sparse_core_info()
    num_workers = info.num_cores * info.num_subcores
    b_per_w = B // num_workers
    n_groups = b_per_w // _LANES
    mesh = plsc.VectorSubcoreMesh(core_axis_name="c", subcore_axis_name="s")

    @functools.partial(
        pl.kernel,
        mesh=mesh,
        out_type=jax.ShapeDtypeStruct((D, B), jnp.float32),
        compiler_params=pltpu.CompilerParams(
            use_tc_tiling_on_sc=True, needs_layout_passes=False
        ),
        scratch_types=[
            pltpu.VMEM((b_per_w,), jnp.int32),
            pltpu.VMEM((_DEPTH, D, 128), jnp.float32),
            pltpu.VMEM((D, b_per_w), jnp.float32),
        ]
        + [pltpu.SemaphoreType.DMA] * _DEPTH,
    )
    def gather_kernel(table_t_hbm, idx_hbm, out_hbm, idx_v, fbuf, stage_v, *sems):
        wid = lax.axis_index("s") * info.num_cores + lax.axis_index("c")
        base = wid * b_per_w
        pltpu.sync_copy(idx_hbm.at[pl.ds(base, b_per_w)], idx_v)
        d_lo = lax.iota(jnp.int32, _LANES)
        d_hi = d_lo + _LANES

        def fetch(xj, slot):
            col0 = pl.multiple_of((xj >> 7) << 7, 128)
            return pltpu.async_copy(
                table_t_hbm.at[:, pl.ds(col0, 128)], fbuf.at[slot], sems[slot]
            )

        def wait_slot(slot):
            pltpu.make_async_copy(
                table_t_hbm.at[:, pl.ds(0, 128)], fbuf.at[slot], sems[slot]
            ).wait()

        vec0 = idx_v[pl.ds(0, _LANES)]
        for k in range(_DEPTH - 1):
            fetch(vec0[k], k % _DEPTH)

        def body(g, _):
            vec_cur = idx_v[pl.ds(g * _LANES, _LANES)]
            g1 = jnp.minimum(g + 1, n_groups - 1)
            vec_nxt = idx_v[pl.ds(g1 * _LANES, _LANES)]
            for k in range(_LANES):
                ahead = k + _DEPTH - 1
                xa = vec_cur[ahead] if ahead < _LANES else vec_nxt[ahead - _LANES]
                fetch(xa, ahead % _DEPTH)
                wait_slot(k % _DEPTH)
                xj = vec_cur[k]
                c_sp = jnp.full((_LANES,), xj & 127, jnp.int32)
                i_sp = jnp.full((_LANES,), g * _LANES + k, jnp.int32)
                fb = fbuf.at[k % _DEPTH]
                plsc.store_scatter(
                    stage_v, [d_lo, i_sp], plsc.load_gather(fb, [d_lo, c_sp])
                )
                plsc.store_scatter(
                    stage_v, [d_hi, i_sp], plsc.load_gather(fb, [d_hi, c_sp])
                )
            return _

        lax.fori_loop(0, n_groups, body, None)
        for j in range(_DEPTH - 1):
            wait_slot(j % _DEPTH)
        pltpu.sync_copy(stage_v, out_hbm.at[:, pl.ds(base, b_per_w)])

    return gather_kernel


def _tc_linear_t_body(h_ref, wmt_ref, bm_ref, wlt_ref, bl_ref, mu_ref, lv_ref):
    hb = h_ref[...]
    mu_ref[...] = (
        jnp.dot(wmt_ref[...], hb, preferred_element_type=jnp.float32) + bm_ref[...]
    )
    lv_ref[...] = (
        jnp.dot(wlt_ref[...], hb, preferred_element_type=jnp.float32) + bl_ref[...]
    )


@functools.lru_cache(maxsize=None)
def _make_tc_linear_t(B, D, O, grid):
    blk = B // grid
    return pl.pallas_call(
        _tc_linear_t_body,
        grid=(grid,),
        in_specs=[
            pl.BlockSpec((D, blk), lambda i: (0, i)),
            pl.BlockSpec((O, D), lambda i: (0, 0)),
            pl.BlockSpec((O, 1), lambda i: (0, 0)),
            pl.BlockSpec((O, D), lambda i: (0, 0)),
            pl.BlockSpec((O, 1), lambda i: (0, 0)),
        ],
        out_specs=[
            pl.BlockSpec((O, blk), lambda i: (0, i)),
            pl.BlockSpec((O, blk), lambda i: (0, i)),
        ],
        out_shape=[
            jax.ShapeDtypeStruct((O, B), jnp.float32),
            jax.ShapeDtypeStruct((O, B), jnp.float32),
        ],
    )


def kernel(x, table, W_mu, b_mu, W_logvar, b_logvar):
    B = x.shape[0]
    V, D = table.shape
    O = W_mu.shape[1]
    h_t = _make_sc_gather_t(B, V, D)(table.T, x)
    mu_t, lv_t = _make_tc_linear_t(B, D, O, 8)(
        h_t, W_mu.T, b_mu.reshape(O, 1), W_logvar.T, b_logvar.reshape(O, 1)
    )
    return (mu_t.T, lv_t.T)

# --- scband reference (transcript-rebuilt; emitter-appended) ---
"""Pipeline reference for scband-encoder-c-90151363543051 (READ-ONLY COPY).

The authoritative reference and input builder live on the scoring server;
editing this copy changes nothing except your own understanding.
"""

import jax, jax.numpy as jnp
import numpy as np

N_SITES = 1000000
EMBED_DIM = 32
LATENT_DIM = 32
BATCH = 16384


def setup_inputs(seed: int = 0) -> dict:
    key = jax.random.key(seed)
    ks = jax.random.split(key, 6)
    x = jax.random.randint(ks[0], (BATCH,), 0, N_SITES, dtype=jnp.int32)
    table = jax.random.normal(ks[1], (N_SITES, EMBED_DIM), dtype=jnp.float32) * 0.02
    lim = 1.0 / np.sqrt(EMBED_DIM)
    W_mu = jax.random.uniform(ks[2], (EMBED_DIM, LATENT_DIM), minval=-lim, maxval=lim, dtype=jnp.float32)
    b_mu = jax.random.uniform(ks[3], (LATENT_DIM,), minval=-lim, maxval=lim, dtype=jnp.float32)
    W_logvar = jax.random.uniform(ks[4], (EMBED_DIM, LATENT_DIM), minval=-lim, maxval=lim, dtype=jnp.float32)
    b_logvar = jax.random.uniform(ks[5], (LATENT_DIM,), minval=-lim, maxval=lim, dtype=jnp.float32)
    return {"x": x, "table": table, "W_mu": W_mu, "b_mu": b_mu, "W_logvar": W_logvar, "b_logvar": b_logvar}


def reference(x, table, W_mu, b_mu, W_logvar, b_logvar):
    # h = embedding(x)
    h = jnp.take(table, x, axis=0)
    # mu = fc_mu(h); logvar = fc_logvar(h)
    mu = h @ W_mu + b_mu
    logvar = h @ W_logvar + b_logvar
    return (mu, logvar)

if __name__ == "__main__":
    import jax
    _d = setup_inputs()
    print(jax.jit(kernel)(*tuple(_d.values())))

</pallas_src>

<mosaic_0001>
#map = affine_map<(d0, d1) -> (0, 0)>
#map1 = affine_map<(d0, d1) -> (0)>
module attributes {stable_mosaic.version = 14 : i64} {
  func.func @gather_kernel(%arg0: i32, %arg1: i32, %arg2: memref<32x1000000xf32, #tpu.memory_space<hbm>>, %arg3: memref<16384xi32, #tpu.memory_space<hbm>>, %arg4: memref<32x16384xf32, #tpu.memory_space<hbm>>, %arg5: memref<512xi32, #tpu.memory_space<vmem>>, %arg6: memref<16x32x128xf32, #tpu.memory_space<vmem>>, %arg7: memref<32x512xf32, #tpu.memory_space<vmem>>, %arg8: memref<!tpu.dma_semaphore, #tpu.memory_space<semaphore_mem>>, %arg9: memref<!tpu.dma_semaphore, #tpu.memory_space<semaphore_mem>>, %arg10: memref<!tpu.dma_semaphore, #tpu.memory_space<semaphore_mem>>, %arg11: memref<!tpu.dma_semaphore, #tpu.memory_space<semaphore_mem>>, %arg12: memref<!tpu.dma_semaphore, #tpu.memory_space<semaphore_mem>>, %arg13: memref<!tpu.dma_semaphore, #tpu.memory_space<semaphore_mem>>, %arg14: memref<!tpu.dma_semaphore, #tpu.memory_space<semaphore_mem>>, %arg15: memref<!tpu.dma_semaphore, #tpu.memory_space<semaphore_mem>>, %arg16: memref<!tpu.dma_semaphore, #tpu.memory_space<semaphore_mem>>, %arg17: memref<!tpu.dma_semaphore, #tpu.memory_space<semaphore_mem>>, %arg18: memref<!tpu.dma_semaphore, #tpu.memory_space<semaphore_mem>>, %arg19: memref<!tpu.dma_semaphore, #tpu.memory_space<semaphore_mem>>, %arg20: memref<!tpu.dma_semaphore, #tpu.memory_space<semaphore_mem>>, %arg21: memref<!tpu.dma_semaphore, #tpu.memory_space<semaphore_mem>>, %arg22: memref<!tpu.dma_semaphore, #tpu.memory_space<semaphore_mem>>, %arg23: memref<!tpu.dma_semaphore, #tpu.memory_space<semaphore_mem>>) attributes {dimension_semantics = [#tpu.dimension_semantics<core_parallel>, #tpu.dimension_semantics<subcore_parallel>], iteration_bounds = array<i64: 2, 16>, scalar_prefetch = 0 : i64, scratch_operands = 19 : i64, tpu.core_type = #tpu.core_type<sc_vector_subcore>, window_params = [{transform_indices = #map}, {transform_indices = #map1}, {transform_indices = #map}]} {
    %mul3A = arith.constant 2 : i32
    %mul3A_0 = arith.muli %arg1, %mul3A : i32
    %add3A = arith.addi %mul3A_0, %arg0 : i32
    %mul3A_1 = arith.constant 512 : i32
    %mul3A_2 = arith.muli %add3A, %mul3A_1 : i32
    "tpu.region"() ({
      %run_scoped3A = tpu.sem_alloc : memref<!tpu.dma_semaphore, #tpu.memory_space<semaphore_mem>>
      %dma_start3A_529 = tpu.memref_slice %arg3[%mul3A_2] : memref<16384xi32, #tpu.memory_space<hbm>> -> memref<512xi32, #tpu.memory_space<hbm>>
      %dma_start3A_530 = tpu.memref_slice %arg3[%mul3A_2] : memref<16384xi32, #tpu.memory_space<hbm>> -> memref<512xi32, #tpu.memory_space<hbm>>
      tpu.enqueue_dma source(%dma_start3A_530 : memref<512xi32, #tpu.memory_space<hbm>>) target(%arg5 : memref<512xi32, #tpu.memory_space<vmem>>) target_semaphore(%run_scoped3A : memref<!tpu.dma_semaphore, #tpu.memory_space<semaphore_mem>>)
      %dma_wait3A_531 = tpu.memref_slice %arg3[%mul3A_2] : memref<16384xi32, #tpu.memory_space<hbm>> -> memref<512xi32, #tpu.memory_space<hbm>>
      %dma_wait3A_532 = tpu.memref_slice %arg3[%mul3A_2] : memref<16384xi32, #tpu.memory_space<hbm>> -> memref<512xi32, #tpu.memory_space<hbm>>
      tpu.wait_dma2 semaphore(%run_scoped3A : memref<!tpu.dma_semaphore, #tpu.memory_space<semaphore_mem>>) src(%dma_wait3A_532 : memref<512xi32, #tpu.memory_space<hbm>>) dst(%arg5 : memref<512xi32, #tpu.memory_space<vmem>>)
      tpu.yield
    }) : () -> ()
    %iota3A = tpu.iota {dimensions = array<i32: 0>} : vector<16xi32>
    %add3A_3 = arith.constant 16 : i32
    %add3A_4 = vector.broadcast %add3A_3 : i32 to vector<16xi32>
    %add3A_5 = arith.addi %iota3A, %add3A_4 : vector<16xi32>
    %get3A = arith.constant 0 : index
    %get3A_6 = tpu.vector_load %arg5[%get3A] {strides = array<i32>} : memref<512xi32, #tpu.memory_space<vmem>>, vector<16xi32>,
    %slice3A = vector.extract_strided_slice %get3A_6 {offsets = [0], sizes = [1], strides = [1]} : vector<16xi32> to vector<1xi32>
    %squeeze3A = vector.extract %slice3A[0] : i32 from vector<1xi32>
    %shift_right_arithmetic3A = arith.constant 7 : i32
    %shift_right_arithmetic3A_7 = arith.shrsi %squeeze3A, %shift_right_arithmetic3A : i32
    %shift_left3A = arith.constant 7 : i32
    %shift_left3A_8 = arith.shli %shift_right_arithmetic3A_7, %shift_left3A : i32
    %multiple_of3A = tpu.assume_multiple %shift_left3A_8, 128 : i32
    %dma_start3A = arith.constant 0 : i32
    %dma_start3A_9 = arith.constant 0 : i32
    %dma_start3A_10 = arith.constant 0 : i32
    %dma_start3A_11 = tpu.memref_slice %arg6[%dma_start3A, %dma_start3A_9, %dma_start3A_10] : memref<16x32x128xf32, #tpu.memory_space<vmem>> -> memref<1x32x128xf32, #tpu.memory_space<vmem>>
    %dma_start3A_12 = tpu.memref_squeeze %dma_start3A_11 : memref<1x32x128xf32, #tpu.memory_space<vmem>> -> memref<32x128xf32, #tpu.memory_space<vmem>>
    %dma_start3A_13 = arith.constant 0 : i32
    %dma_start3A_14 = tpu.memref_slice %arg2[%dma_start3A_13, %multiple_of3A] : memref<32x1000000xf32, #tpu.memory_space<hbm>> -> memref<32x128xf32, #tpu.memory_space<hbm>>
    %dma_start3A_15 = arith.constant 0 : i32
    %dma_start3A_16 = arith.constant 0 : i32
    %dma_start3A_17 = tpu.memref_slice %arg6[%dma_start3A, %dma_start3A_15, %dma_start3A_16] : memref<16x32x128xf32, #tpu.memory_space<vmem>> -> memref<1x32x128xf32, #tpu.memory_space<vmem>>
    %dma_start3A_18 = tpu.memref_squeeze %dma_start3A_17 : memref<1x32x128xf32, #tpu.memory_space<vmem>> -> memref<32x128xf32, #tpu.memory_space<vmem>>
    %dma_start3A_19 = arith.constant 0 : i32
    %dma_start3A_20 = tpu.memref_slice %arg2[%dma_start3A_19, %multiple_of3A] : memref<32x1000000xf32, #tpu.memory_space<hbm>> -> memref<32x128xf32, #tpu.memory_space<hbm>>
    tpu.enqueue_dma source(%dma_start3A_20 : memref<32x128xf32, #tpu.memory_space<hbm>>) target(%dma_start3A_18 : memref<32x128xf32, #tpu.memory_space<vmem>>) target_semaphore(%arg8 : memref<!tpu.dma_semaphore, #tpu.memory_space<semaphore_mem>>)
    %slice3A_21 = vector.extract_strided_slice %get3A_6 {offsets = [1], sizes = [1], strides = [1]} : vector<16xi32> to vector<1xi32>
    %squeeze3A_22 = vector.extract %slice3A_21[0] : i32 from vector<1xi32>
    %shift_right_arithmetic3A_23 = arith.constant 7 : i32
    %shift_right_arithmetic3A_24 = arith.shrsi %squeeze3A_22, %shift_right_arithmetic3A_23 : i32
    %shift_left3A_25 = arith.constant 7 : i32
    %shift_left3A_26 = arith.shli %shift_right_arithmetic3A_24, %shift_left3A_25 : i32
    %multiple_of3A_27 = tpu.assume_multiple %shift_left3A_26, 128 : i32
    %dma_start3A_28 = arith.constant 1 : i32
    %dma_start3A_29 = arith.constant 0 : i32
    %dma_start3A_30 = arith.constant 0 : i32
    %dma_start3A_31 = tpu.memref_slice %arg6[%dma_start3A_28, %dma_start3A_29, %dma_start3A_30] : memref<16x32x128xf32, #tpu.memory_space<vmem>> -> memref<1x32x128xf32, #tpu.memory_space<vmem>>
    %dma_start3A_32 = tpu.memref_squeeze %dma_start3A_31 : memref<1x32x128xf32, #tpu.memory_space<vmem>> -> memref<32x128xf32, #tpu.memory_space<vmem>>
    %dma_start3A_33 = arith.constant 0 : i32
    %dma_start3A_34 = tpu.memref_slice %arg2[%dma_start3A_33, %multiple_of3A_27] : memref<32x1000000xf32, #tpu.memory_space<hbm>> -> memref<32x128xf32, #tpu.memory_space<hbm>>
    %dma_start3A_35 = arith.constant 0 : i32
    %dma_start3A_36 = arith.constant 0 : i32
    %dma_start3A_37 = tpu.memref_slice %arg6[%dma_start3A_28, %dma_start3A_35, %dma_start3A_36] : memref<16x32x128xf32, #tpu.memory_space<vmem>> -> memref<1x32x128xf32, #tpu.memory_space<vmem>>
    %dma_start3A_38 = tpu.memref_squeeze %dma_start3A_37 : memref<1x32x128xf32, #tpu.memory_space<vmem>> -> memref<32x128xf32, #tpu.memory_space<vmem>>
    %dma_start3A_39 = arith.constant 0 : i32
    %dma_start3A_40 = tpu.memref_slice %arg2[%dma_start3A_39, %multiple_of3A_27] : memref<32x1000000xf32, #tpu.memory_space<hbm>> -> memref<32x128xf32, #tpu.memory_space<hbm>>
    tpu.enqueue_dma source(%dma_start3A_40 : memref<32x128xf32, #tpu.memory_space<hbm>>) target(%dma_start3A_38 : memref<32x128xf32, #tpu.memory_space<vmem>>) target_semaphore(%arg9 : memref<!tpu.dma_semaphore, #tpu.memory_space<semaphore_mem>>)
    %slice3A_41 = vector.extract_strided_slice %get3A_6 {offsets = [2], sizes = [1], strides = [1]} : vector<16xi32> to vector<1xi32>
    %squeeze3A_42 = vector.extract %slice3A_41[0] : i32 from vector<1xi32>
    %shift_right_arithmetic3A_43 = arith.constant 7 : i32
    %shift_right_arithmetic3A_44 = arith.shrsi %squeeze3A_42, %shift_right_arithmetic3A_43 : i32
    %shift_left3A_45 = arith.constant 7 : i32
    %shift_left3A_46 = arith.shli %shift_right_arithmetic3A_44, %shift_left3A_45 : i32
    %multiple_of3A_47 = tpu.assume_multiple %shift_left3A_46, 128 : i32
    %dma_start3A_48 = arith.constant 2 : i32
    %dma_start3A_49 = arith.constant 0 : i32
    %dma_start3A_50 = arith.constant 0 : i32
    %dma_start3A_51 = tpu.memref_slice %arg6[%dma_start3A_48, %dma_start3A_49, %dma_start3A_50] : memref<16x32x128xf32, #tpu.memory_space<vmem>> -> memref<1x32x128xf32, #tpu.memory_space<vmem>>
    %dma_start3A_52 = tpu.memref_squeeze %dma_start3A_51 : memref<1x32x128xf32, #tpu.memory_space<vmem>> -> memref<32x128xf32, #tpu.memory_space<vmem>>
    %dma_start3A_53 = arith.constant 0 : i32
    %dma_start3A_54 = tpu.memref_slice %arg2[%dma_start3A_53, %multiple_of3A_47] : memref<32x1000000xf32, #tpu.memory_space<hbm>> -> memref<32x128xf32, #tpu.memory_space<hbm>>
    %dma_start3A_55 = arith.constant 0 : i32
    %dma_start3A_56 = arith.constant 0 : i32
    %dma_start3A_57 = tpu.memref_slice %arg6[%dma_start3A_48, %dma_start3A_55, %dma_start3A_56] : memref<16x32x128xf32, #tpu.memory_space<vmem>> -> memref<1x32x128xf32, #tpu.memory_space<vmem>>
    %dma_start3A_58 = tpu.memref_squeeze %dma_start3A_57 : memref<1x32x128xf32, #tpu.memory_space<vmem>> -> memref<32x128xf32, #tpu.memory_space<vmem>>
    %dma_start3A_59 = arith.constant 0 : i32
    %dma_start3A_60 = tpu.memref_slice %arg2[%dma_start3A_59, %multiple_of3A_47] : memref<32x1000000xf32, #tpu.memory_space<hbm>> -> memref<32x128xf32, #tpu.memory_space<hbm>>
    tpu.enqueue_dma source(%dma_start3A_60 : memref<32x128xf32, #tpu.memory_space<hbm>>) target(%dma_start3A_58 : memref<32x128xf32, #tpu.memory_space<vmem>>) target_semaphore(%arg10 : memref<!tpu.dma_semaphore, #tpu.memory_space<semaphore_mem>>)
    %slice3A_61 = vector.extract_strided_slice %get3A_6 {offsets = [3], sizes = [1], strides = [1]} : vector<16xi32> to vector<1xi32>
    %squeeze3A_62 = vector.extract %slice3A_61[0] : i32 from vector<1xi32>
    %shift_right_arithmetic3A_63 = arith.constant 7 : i32
    %shift_right_arithmetic3A_64 = arith.shrsi %squeeze3A_62, %shift_right_arithmetic3A_63 : i32
    %shift_left3A_65 = arith.constant 7 : i32
    %shift_left3A_66 = arith.shli %shift_right_arithmetic3A_64, %shift_left3A_65 : i32
    %multiple_of3A_67 = tpu.assume_multiple %shift_left3A_66, 128 : i32
    %dma_start3A_68 = arith.constant 3 : i32
    %dma_start3A_69 = arith.constant 0 : i32
    %dma_start3A_70 = arith.constant 0 : i32
    %dma_start3A_71 = tpu.memref_slice %arg6[%dma_start3A_68, %dma_start3A_69, %dma_start3A_70] : memref<16x32x128xf32, #tpu.memory_space<vmem>> -> memref<1x32x128xf32, #tpu.memory_space<vmem>>
    %dma_start3A_72 = tpu.memref_squeeze %dma_start3A_71 : memref<1x32x128xf32, #tpu.memory_space<vmem>> -> memref<32x128xf32, #tpu.memory_space<vmem>>
    %dma_start3A_73 = arith.constant 0 : i32
    %dma_start3A_74 = tpu.memref_slice %arg2[%dma_start3A_73, %multiple_of3A_67] : memref<32x1000000xf32, #tpu.memory_space<hbm>> -> memref<32x128xf32, #tpu.memory_space<hbm>>
    %dma_start3A_75 = arith.constant 0 : i32
    %dma_start3A_76 = arith.constant 0 : i32
    %dma_start3A_77 = tpu.memref_slice %arg6[%dma_start3A_68, %dma_start3A_75, %dma_start3A_76] : memref<16x32x128xf32, #tpu.memory_space<vmem>> -> memref<1x32x128xf32, #tpu.memory_space<vmem>>
    %dma_start3A_78 = tpu.memref_squeeze %dma_start3A_77 : memref<1x32x128xf32, #tpu.memory_space<vmem>> -> memref<32x128xf32, #tpu.memory_space<vmem>>
    %dma_start3A_79 = arith.constant 0 : i32
    %dma_start3A_80 = tpu.memref_slice %arg2[%dma_start3A_79, %multiple_of3A_67] : memref<32x1000000xf32, #tpu.memory_space<hbm>> -> memref<32x128xf32, #tpu.memory_space<hbm>>
    tpu.enqueue_dma source(%dma_start3A_80 : memref<32x128xf32, #tpu.memory_space<hbm>>) target(%dma_start3A_78 : memref<32x128xf32, #tpu.memory_space<vmem>>) target_semaphore(%arg11 : memref<!tpu.dma_semaphore, #tpu.memory_space<semaphore_mem>>)
    %slice3A_81 = vector.extract_strided_slice %get3A_6 {offsets = [4], sizes = [1], strides = [1]} : vector<16xi32> to vector<1xi32>
    %squeeze3A_82 = vector.extract %slice3A_81[0] : i32 from vector<1xi32>
    %shift_right_arithmetic3A_83 = arith.constant 7 : i32
    %shift_right_arithmetic3A_84 = arith.shrsi %squeeze3A_82, %shift_right_arithmetic3A_83 : i32
    %shift_left3A_85 = arith.constant 7 : i32
    %shift_left3A_86 = arith.shli %shift_right_arithmetic3A_84, %shift_left3A_85 : i32
    %multiple_of3A_87 = tpu.assume_multiple %shift_left3A_86, 128 : i32
    %dma_start3A_88 = arith.constant 4 : i32
    %dma_start3A_89 = arith.constant 0 : i32
    %dma_start3A_90 = arith.constant 0 : i32
    %dma_start3A_91 = tpu.memref_slice %arg6[%dma_start3A_88, %dma_start3A_89, %dma_start3A_90] : memref<16x32x128xf32, #tpu.memory_space<vmem>> -> memref<1x32x128xf32, #tpu.memory_space<vmem>>
    %dma_start3A_92 = tpu.memref_squeeze %dma_start3A_91 : memref<1x32x128xf32, #tpu.memory_space<vmem>> -> memref<32x128xf32, #tpu.memory_space<vmem>>
    %dma_start3A_93 = arith.constant 0 : i32
    %dma_start3A_94 = tpu.memref_slice %arg2[%dma_start3A_93, %multiple_of3A_87] : memref<32x1000000xf32, #tpu.memory_space<hbm>> -> memref<32x128xf32, #tpu.memory_space<hbm>>
    %dma_start3A_95 = arith.constant 0 : i32
    %dma_start3A_96 = arith.constant 0 : i32
    %dma_start3A_97 = tpu.memref_slice %arg6[%dma_start3A_88, %dma_start3A_95, %dma_start3A_96] : memref<16x32x128xf32, #tpu.memory_space<vmem>> -> memref<1x32x128xf32, #tpu.memory_space<vmem>>
    %dma_start3A_98 = tpu.memref_squeeze %dma_start3A_97 : memref<1x32x128xf32, #tpu.memory_space<vmem>> -> memref<32x128xf32, #tpu.memory_space<vmem>>
    %dma_start3A_99 = arith.constant 0 : i32
    %dma_start3A_100 = tpu.memref_slice %arg2[%dma_start3A_99, %multiple_of3A_87] : memref<32x1000000xf32, #tpu.memory_space<hbm>> -> memref<32x128xf32, #tpu.memory_space<hbm>>
    tpu.enqueue_dma source(%dma_start3A_100 : memref<32x128xf32, #tpu.memory_space<hbm>>) target(%dma_start3A_98 : memref<32x128xf32, #tpu.memory_space<vmem>>) target_semaphore(%arg12 : memref<!tpu.dma_semaphore, #tpu.memory_space<semaphore_mem>>)
    %slice3A_101 = vector.extract_strided_slice %get3A_6 {offsets = [5], sizes = [1], strides = [1]} : vector<16xi32> to vector<1xi32>
    %squeeze3A_102 = vector.extract %slice3A_101[0] : i32 from vector<1xi32>
    %shift_right_arithmetic3A_103 = arith.constant 7 : i32
    %shift_right_arithmetic3A_104 = arith.shrsi %squeeze3A_102, %shift_right_arithmetic3A_103 : i32
    %shift_left3A_105 = arith.constant 7 : i32
    %shift_left3A_106 = arith.shli %shift_right_arithmetic3A_104, %shift_left3A_105 : i32
    %multiple_of3A_107 = tpu.assume_multiple %shift_left3A_106, 128 : i32
    %dma_start3A_108 = arith.constant 5 : i32
    %dma_start3A_109 = arith.constant 0 : i32
    %dma_start3A_110 = arith.constant 0 : i32
    %dma_start3A_111 = tpu.memref_slice %arg6[%dma_start3A_108, %dma_start3A_109, %dma_start3A_110] : memref<16x32x128xf32, #tpu.memory_space<vmem>> -> memref<1x32x128xf32, #tpu.memory_space<vmem>>
    %dma_start3A_112 = tpu.memref_squeeze %dma_start3A_111 : memref<1x32x128xf32, #tpu.memory_space<vmem>> -> memref<32x128xf32, #tpu.memory_space<vmem>>
    %dma_start3A_113 = arith.constant 0 : i32
    %dma_start3A_114 = tpu.memref_slice %arg2[%dma_start3A_113, %multiple_of3A_107] : memref<32x1000000xf32, #tpu.memory_space<hbm>> -> memref<32x128xf32, #tpu.memory_space<hbm>>
    %dma_start3A_115 = arith.constant 0 : i32
    %dma_start3A_116 = arith.constant 0 : i32
    %dma_start3A_117 = tpu.memref_slice %arg6[%dma_start3A_108, %dma_start3A_115, %dma_start3A_116] : memref<16x32x128xf32, #tpu.memory_space<vmem>> -> memref<1x32x128xf32, #tpu.memory_space<vmem>>
    %dma_start3A_118 = tpu.memref_squeeze %dma_start3A_117 : memref<1x32x128xf32, #tpu.memory_space<vmem>> -> memref<32x128xf32, #tpu.memory_space<vmem>>
    %dma_start3A_119 = arith.constant 0 : i32
    %dma_start3A_120 = tpu.memref_slice %arg2[%dma_start3A_119, %multiple_of3A_107] : memref<32x1000000xf32, #tpu.memory_space<hbm>> -> memref<32x128xf32, #tpu.memory_space<hbm>>
    tpu.enqueue_dma source(%dma_start3A_120 : memref<32x128xf32, #tpu.memory_space<hbm>>) target(%dma_start3A_118 : memref<32x128xf32, #tpu.memory_space<vmem>>) target_semaphore(%arg13 : memref<!tpu.dma_semaphore, #tpu.memory_space<semaphore_mem>>)
    %slice3A_121 = vector.extract_strided_slice %get3A_6 {offsets = [6], sizes = [1], strides = [1]} : vector<16xi32> to vector<1xi32>
    %squeeze3A_122 = vector.extract %slice3A_121[0] : i32 from vector<1xi32>
    %shift_right_arithmetic3A_123 = arith.constant 7 : i32
    %shift_right_arithmetic3A_124 = arith.shrsi %squeeze3A_122, %shift_right_arithmetic3A_123 : i32
    %shift_left3A_125 = arith.constant 7 : i32
    %shift_left3A_126 = arith.shli %shift_right_arithmetic3A_124, %shift_left3A_125 : i32
    %multiple_of3A_127 = tpu.assume_multiple %shift_left3A_126, 128 : i32
    %dma_start3A_128 = arith.constant 6 : i32
    %dma_start3A_129 = arith.constant 0 : i32
    %dma_start3A_130 = arith.constant 0 : i32
    %dma_start3A_131 = tpu.memref_slice %arg6[%dma_start3A_128, %dma_start3A_129, %dma_start3A_130] : memref<16x32x128xf32, #tpu.memory_space<vmem>> -> memref<1x32x128xf32, #tpu.memory_space<vmem>>
    %dma_start3A_132 = tpu.memref_squeeze %dma_start3A_131 : memref<1x32x128xf32, #tpu.memory_space<vmem>> -> memref<32x128xf32, #tpu.memory_space<vmem>>
    %dma_start3A_133 = arith.constant 0 : i32
    %dma_start3A_134 = tpu.memref_slice %arg2[%dma_start3A_133, %multiple_of3A_127] : memref<32x1000000xf32, #tpu.memory_space<hbm>> -> memref<32x128xf32, #tpu.memory_space<hbm>>
    %dma_start3A_135 = arith.constant 0 : i32
    %dma_start3A_136 = arith.constant 0 : i32
    %dma_start3A_137 = tpu.memref_slice %arg6[%dma_start3A_128, %dma_start3A_135, %dma_start3A_136] : memref<16x32x128xf32, #tpu.memory_space<vmem>> -> memref<1x32x128xf32, #tpu.memory_space<vmem>>
    %dma_start3A_138 = tpu.memref_squeeze %dma_start3A_137 : memref<1x32x128xf32, #tpu.memory_space<vmem>> -> memref<32x128xf32, #tpu.memory_space<vmem>>
    %dma_start3A_139 = arith.constant 0 : i32
    %dma_start3A_140 = tpu.memref_slice %arg2[%dma_start3A_139, %multiple_of3A_127] : memref<32x1000000xf32, #tpu.memory_space<hbm>> -> memref<32x128xf32, #tpu.memory_space<hbm>>
    tpu.enqueue_dma source(%dma_start3A_140 : memref<32x128xf32, #tpu.memory_space<hbm>>) target(%dma_start3A_138 : memref<32x128xf32, #tpu.memory_space<vmem>>) target_semaphore(%arg14 : memref<!tpu.dma_semaphore, #tpu.memory_space<semaphore_mem>>)
    %slice3A_141 = vector.extract_strided_slice %get3A_6 {offsets = [7], sizes = [1], strides = [1]} : vector<16xi32> to vector<1xi32>
    %squeeze3A_142 = vector.extract %slice3A_141[0] : i32 from vector<1xi32>
    %shift_right_arithmetic3A_143 = arith.constant 7 : i32
    %shift_right_arithmetic3A_144 = arith.shrsi %squeeze3A_142, %shift_right_arithmetic3A_143 : i32
    %shift_left3A_145 = arith.constant 7 : i32
    %shift_left3A_146 = arith.shli %shift_right_arithmetic3A_144, %shift_left3A_145 : i32
    %multiple_of3A_147 = tpu.assume_multiple %shift_left3A_146, 128 : i32
    %dma_start3A_148 = arith.constant 7 : i32
    %dma_start3A_149 = arith.constant 0 : i32
    %dma_start3A_150 = arith.constant 0 : i32
    %dma_start3A_151 = tpu.memref_slice %arg6[%dma_start3A_148, %dma_start3A_149, %dma_start3A_150] : memref<16x32x128xf32, #tpu.memory_space<vmem>> -> memref<1x32x128xf32, #tpu.memory_space<vmem>>
    %dma_start3A_152 = tpu.memref_squeeze %dma_start3A_151 : memref<1x32x128xf32, #tpu.memory_space<vmem>> -> memref<32x128xf32, #tpu.memory_space<vmem>>
    %dma_start3A_153 = arith.constant 0 : i32
    %dma_start3A_154 = tpu.memref_slice %arg2[%dma_start3A_153, %multiple_of3A_147] : memref<32x1000000xf32, #tpu.memory_space<hbm>> -> memref<32x128xf32, #tpu.memory_space<hbm>>
    %dma_start3A_155 = arith.constant 0 : i32
    %dma_start3A_156 = arith.constant 0 : i32
    %dma_start3A_157 = tpu.memref_slice %arg6[%dma_start3A_148, %dma_start3A_155, %dma_start3A_156] : memref<16x32x128xf32, #tpu.memory_space<vmem>> -> memref<1x32x128xf32, #tpu.memory_space<vmem>>
    %dma_start3A_158 = tpu.memref_squeeze %dma_start3A_157 : memref<1x32x128xf32, #tpu.memory_space<vmem>> -> memref<32x128xf32, #tpu.memory_space<vmem>>
    %dma_start3A_159 = arith.constant 0 : i32
    %dma_start3A_160 = tpu.memref_slice %arg2[%dma_start3A_159, %multiple_of3A_147] : memref<32x1000000xf32, #tpu.memory_space<hbm>> -> memref<32x128xf32, #tpu.memory_space<hbm>>
    tpu.enqueue_dma source(%dma_start3A_160 : memref<32x128xf32, #tpu.memory_space<hbm>>) target(%dma_start3A_158 : memref<32x128xf32, #tpu.memory_space<vmem>>) target_semaphore(%arg15 : memref<!tpu.dma_semaphore, #tpu.memory_space<semaphore_mem>>)
    %slice3A_161 = vector.extract_strided_slice %get3A_6 {offsets = [8], sizes = [1], strides = [1]} : vector<16xi32> to vector<1xi32>
    %squeeze3A_162 = vector.extract %slice3A_161[0] : i32 from vector<1xi32>
    %shift_right_arithmetic3A_163 = arith.constant 7 : i32
    %shift_right_arithmetic3A_164 = arith.shrsi %squeeze3A_162, %shift_right_arithmetic3A_163 : i32
    %shift_left3A_165 = arith.constant 7 : i32
    %shift_left3A_166 = arith.shli %shift_right_arithmetic3A_164, %shift_left3A_165 : i32
    %multiple_of3A_167 = tpu.assume_multiple %shift_left3A_166, 128 : i32
    %dma_start3A_168 = arith.constant 8 : i32
    %dma_start3A_169 = arith.constant 0 : i32
    %dma_start3A_170 = arith.constant 0 : i32
    %dma_start3A_171 = tpu.memref_slice %arg6[%dma_start3A_168, %dma_start3A_169, %dma_start3A_170] : memref<16x32x128xf32, #tpu.memory_space<vmem>> -> memref<1x32x128xf32, #tpu.memory_space<vmem>>
    %dma_start3A_172 = tpu.memref_squeeze %dma_start3A_171 : memref<1x32x128xf32, #tpu.memory_space<vmem>> -> memref<32x128xf32, #tpu.memory_space<vmem>>
    %dma_start3A_173 = arith.constant 0 : i32
    %dma_start3A_174 = tpu.memref_slice %arg2[%dma_start3A_173, %multiple_of3A_167] : memref<32x1000000xf32, #tpu.memory_space<hbm>> -> memref<32x128xf32, #tpu.memory_space<hbm>>
    %dma_start3A_175 = arith.constant 0 : i32
    %dma_start3A_176 = arith.constant 0 : i32
    %dma_start3A_177 = tpu.memref_slice %arg6[%dma_start3A_168, %dma_start3A_175, %dma_start3A_176] : memref<16x32x128xf32, #tpu.memory_space<vmem>> -> memref<1x32x128xf32, #tpu.memory_space<vmem>>
    %dma_start3A_178 = tpu.memref_squeeze %dma_start3A_177 : memref<1x32x128xf32, #tpu.memory_space<vmem>> -> memref<32x128xf32, #tpu.memory_space<vmem>>
    %dma_start3A_179 = arith.constant 0 : i32
    %dma_start3A_180 = tpu.memref_slice %arg2[%dma_start3A_179, %multiple_of3A_167] : memref<32x1000000xf32, #tpu.memory_space<hbm>> -> memref<32x128xf32, #tpu.memory_space<hbm>>
    tpu.enqueue_dma source(%dma_start3A_180 : memref<32x128xf32, #tpu.memory_space<hbm>>) target(%dma_start3A_178 : memref<32x128xf32, #tpu.memory_space<vmem>>) target_semaphore(%arg16 : memref<!tpu.dma_semaphore, #tpu.memory_space<semaphore_mem>>)
    %slice3A_181 = vector.extract_strided_slice %get3A_6 {offsets = [9], sizes = [1], strides = [1]} : vector<16xi32> to vector<1xi32>
    %squeeze3A_182 = vector.extract %slice3A_181[0] : i32 from vector<1xi32>
    %shift_right_arithmetic3A_183 = arith.constant 7 : i32
    %shift_right_arithmetic3A_184 = arith.shrsi %squeeze3A_182, %shift_right_arithmetic3A_183 : i32
    %shift_left3A_185 = arith.constant 7 : i32
    %shift_left3A_186 = arith.shli %shift_right_arithmetic3A_184, %shift_left3A_185 : i32
    %multiple_of3A_187 = tpu.assume_multiple %shift_left3A_186, 128 : i32
    %dma_start3A_188 = arith.constant 9 : i32
    %dma_start3A_189 = arith.constant 0 : i32
    %dma_start3A_190 = arith.constant 0 : i32
    %dma_start3A_191 = tpu.memref_slice %arg6[%dma_start3A_188, %dma_start3A_189, %dma_start3A_190] : memref<16x32x128xf32, #tpu.memory_space<vmem>> -> memref<1x32x128xf32, #tpu.memory_space<vmem>>
    %dma_start3A_192 = tpu.memref_squeeze %dma_start3A_191 : memref<1x32x128xf32, #tpu.memory_space<vmem>> -> memref<32x128xf32, #tpu.memory_space<vmem>>
    %dma_start3A_193 = arith.constant 0 : i32
    %dma_start3A_194 = tpu.memref_slice %arg2[%dma_start3A_193, %multiple_of3A_187] : memref<32x1000000xf32, #tpu.memory_space<hbm>> -> memref<32x128xf32, #tpu.memory_space<hbm>>
    %dma_start3A_195 = arith.constant 0 : i32
    %dma_start3A_196 = arith.constant 0 : i32
    %dma_start3A_197 = tpu.memref_slice %arg6[%dma_start3A_188, %dma_start3A_195, %dma_start3A_196] : memref<16x32x128xf32, #tpu.memory_space<vmem>> -> memref<1x32x128xf32, #tpu.memory_space<vmem>>
    %dma_start3A_198 = tpu.memref_squeeze %dma_start3A_197 : memref<1x32x128xf32, #tpu.memory_space<vmem>> -> memref<32x128xf32, #tpu.memory_space<vmem>>
    %dma_start3A_199 = arith.constant 0 : i32
    %dma_start3A_200 = tpu.memref_slice %arg2[%dma_start3A_199, %multiple_of3A_187] : memref<32x1000000xf32, #tpu.memory_space<hbm>> -> memref<32x128xf32, #tpu.memory_space<hbm>>
    tpu.enqueue_dma source(%dma_start3A_200 : memref<32x128xf32, #tpu.memory_space<hbm>>) target(%dma_start3A_198 : memref<32x128xf32, #tpu.memory_space<vmem>>) target_semaphore(%arg17 : memref<!tpu.dma_semaphore, #tpu.memory_space<semaphore_mem>>)
    %slice3A_201 = vector.extract_strided_slice %get3A_6 {offsets = [10], sizes = [1], strides = [1]} : vector<16xi32> to vector<1xi32>
    %squeeze3A_202 = vector.extract %slice3A_201[0] : i32 from vector<1xi32>
    %shift_right_arithmetic3A_203 = arith.constant 7 : i32
    %shift_right_arithmetic3A_204 = arith.shrsi %squeeze3A_202, %shift_right_arithmetic3A_203 : i32
    %shift_left3A_205 = arith.constant 7 : i32
    %shift_left3A_206 = arith.shli %shift_right_arithmetic3A_204, %shift_left3A_205 : i32
    %multiple_of3A_207 = tpu.assume_multiple %shift_left3A_206, 128 : i32
    %dma_start3A_208 = arith.constant 10 : i32
    %dma_start3A_209 = arith.constant 0 : i32
    %dma_start3A_210 = arith.constant 0 : i32
    %dma_start3A_211 = tpu.memref_slice %arg6[%dma_start3A_208, %dma_start3A_209, %dma_start3A_210] : memref<16x32x128xf32, #tpu.memory_space<vmem>> -> memref<1x32x128xf32, #tpu.memory_space<vmem>>
    %dma_start3A_212 = tpu.memref_squeeze %dma_start3A_211 : memref<1x32x128xf32, #tpu.memory_space<vmem>> -> memref<32x128xf32, #tpu.memory_space<vmem>>
    %dma_start3A_213 = arith.constant 0 : i32
    %dma_start3A_214 = tpu.memref_slice %arg2[%dma_start3A_213, %multiple_of3A_207] : memref<32x1000000xf32, #tpu.memory_space<hbm>> -> memref<32x128xf32, #tpu.memory_space<hbm>>
    %dma_start3A_215 = arith.constant 0 : i32
    %dma_start3A_216 = arith.constant 0 : i32
    %dma_start3A_217 = tpu.memref_slice %arg6[%dma_start3A_208, %dma_start3A_215, %dma_start3A_216] : memref<16x32x128xf32, #tpu.memory_space<vmem>> -> memref<1x32x128xf32, #tpu.memory_space<vmem>>
    %dma_start3A_218 = tpu.memref_squeeze %dma_start3A_217 : memref<1x32x128xf32, #tpu.memory_space<vmem>> -> memref<32x128xf32, #tpu.memory_space<vmem>>
    %dma_start3A_219 = arith.constant 0 : i32
    %dma_start3A_220 = tpu.memref_slice %arg2[%dma_start3A_219, %multiple_of3A_207] : memref<32x1000000xf32, #tpu.memory_space<hbm>> -> memref<32x128xf32, #tpu.memory_space<hbm>>
    tpu.enqueue_dma source(%dma_start3A_220 : memref<32x128xf32, #tpu.memory_space<hbm>>) target(%dma_start3A_218 : memref<32x128xf32, #tpu.memory_space<vmem>>) target_semaphore(%arg18 : memref<!tpu.dma_semaphore, #tpu.memory_space<semaphore_mem>>)
    %slice3A_221 = vector.extract_strided_slice %get3A_6 {offsets = [11], sizes = [1], strides = [1]} : vector<16xi32> to vector<1xi32>
    %squeeze3A_222 = vector.extract %slice3A_221[0] : i32 from vector<1xi32>
    %shift_right_arithmetic3A_223 = arith.constant 7 : i32
    %shift_right_arithmetic3A_224 = arith.shrsi %squeeze3A_222, %shift_right_arithmetic3A_223 : i32
    %shift_left3A_225 = arith.constant 7 : i32
    %shift_left3A_226 = arith.shli %shift_right_arithmetic3A_224, %shift_left3A_225 : i32
    %multiple_of3A_227 = tpu.assume_multiple %shift_left3A_226, 128 : i32
    %dma_start3A_228 = arith.constant 11 : i32
    %dma_start3A_229 = arith.constant 0 : i32
    %dma_start3A_230 = arith.constant 0 : i32
    %dma_start3A_231 = tpu.memref_slice %arg6[%dma_start3A_228, %dma_start3A_229, %dma_start3A_230] : memref<16x32x128xf32, #tpu.memory_space<vmem>> -> memref<1x32x128xf32, #tpu.memory_space<vmem>>
    %dma_start3A_232 = tpu.memref_squeeze %dma_start3A_231 : memref<1x32x128xf32, #tpu.memory_space<vmem>> -> memref<32x128xf32, #tpu.memory_space<vmem>>
    %dma_start3A_233 = arith.constant 0 : i32
    %dma_start3A_234 = tpu.memref_slice %arg2[%dma_start3A_233, %multiple_of3A_227] : memref<32x1000000xf32, #tpu.memory_space<hbm>> -> memref<32x128xf32, #tpu.memory_space<hbm>>
    %dma_start3A_235 = arith.constant 0 : i32
    %dma_start3A_236 = arith.constant 0 : i32
    %dma_start3A_237 = tpu.memref_slice %arg6[%dma_start3A_228, %dma_start3A_235, %dma_start3A_236] : memref<16x32x128xf32, #tpu.memory_space<vmem>> -> memref<1x32x128xf32, #tpu.memory_space<vmem>>
    %dma_start3A_238 = tpu.memref_squeeze %dma_start3A_237 : memref<1x32x128xf32, #tpu.memory_space<vmem>> -> memref<32x128xf32, #tpu.memory_space<vmem>>
    %dma_start3A_239 = arith.constant 0 : i32
    %dma_start3A_240 = tpu.memref_slice %arg2[%dma_start3A_239, %multiple_of3A_227] : memref<32x1000000xf32, #tpu.memory_space<hbm>> -> memref<32x128xf32, #tpu.memory_space<hbm>>
    tpu.enqueue_dma source(%dma_start3A_240 : memref<32x128xf32, #tpu.memory_space<hbm>>) target(%dma_start3A_238 : memref<32x128xf32, #tpu.memory_space<vmem>>) target_semaphore(%arg19 : memref<!tpu.dma_semaphore, #tpu.memory_space<semaphore_mem>>)
    %slice3A_241 = vector.extract_strided_slice %get3A_6 {offsets = [12], sizes = [1], strides = [1]} : vector<16xi32> to vector<1xi32>
    %squeeze3A_242 = vector.extract %slice3A_241[0] : i32 from vector<1xi32>
    %shift_right_arithmetic3A_243 = arith.constant 7 : i32
    %shift_right_arithmetic3A_244 = arith.shrsi %squeeze3A_242, %shift_right_arithmetic3A_243 : i32
    %shift_left3A_245 = arith.constant 7 : i32
    %shift_left3A_246 = arith.shli %shift_right_arithmetic3A_244, %shift_left3A_245 : i32
    %multiple_of3A_247 = tpu.assume_multiple %shift_left3A_246, 128 : i32
    %dma_start3A_248 = arith.constant 12 : i32
    %dma_start3A_249 = arith.constant 0 : i32
    %dma_start3A_250 = arith.constant 0 : i32
    %dma_start3A_251 = tpu.memref_slice %arg6[%dma_start3A_248, %dma_start3A_249, %dma_start3A_250] : memref<16x32x128xf32, #tpu.memory_space<vmem>> -> memref<1x32x128xf32, #tpu.memory_space<vmem>>
    %dma_start3A_252 = tpu.memref_squeeze %dma_start3A_251 : memref<1x32x128xf32, #tpu.memory_space<vmem>> -> memref<32x128xf32, #tpu.memory_space<vmem>>
    %dma_start3A_253 = arith.constant 0 : i32
    %dma_start3A_254 = tpu.memref_slice %arg2[%dma_start3A_253, %multiple_of3A_247] : memref<32x1000000xf32, #tpu.memory_space<hbm>> -> memref<32x128xf32, #tpu.memory_space<hbm>>
    %dma_start3A_255 = arith.constant 0 : i32
    %dma_start3A_256 = arith.constant 0 : i32
    %dma_start3A_257 = tpu.memref_slice %arg6[%dma_start3A_248, %dma_start3A_255, %dma_start3A_256] : memref<16x32x128xf32, #tpu.memory_space<vmem>> -> memref<1x32x128xf32, #tpu.memory_space<vmem>>
    %dma_start3A_258 = tpu.memref_squeeze %dma_start3A_257 : memref<1x32x128xf32, #tpu.memory_space<vmem>> -> memref<32x128xf32, #tpu.memory_space<vmem>>
    %dma_start3A_259 = arith.constant 0 : i32
    %dma_start3A_260 = tpu.memref_slice %arg2[%dma_start3A_259, %multiple_of3A_247] : memref<32x1000000xf32, #tpu.memory_space<hbm>> -> memref<32x128xf32, #tpu.memory_space<hbm>>
    tpu.enqueue_dma source(%dma_start3A_260 : memref<32x128xf32, #tpu.memory_space<hbm>>) target(%dma_start3A_258 : memref<32x128xf32, #tpu.memory_space<vmem>>) target_semaphore(%arg20 : memref<!tpu.dma_semaphore, #tpu.memory_space<semaphore_mem>>)
    %slice3A_261 = vector.extract_strided_slice %get3A_6 {offsets = [13], sizes = [1], strides = [1]} : vector<16xi32> to vector<1xi32>
    %squeeze3A_262 = vector.extract %slice3A_261[0] : i32 from vector<1xi32>
    %shift_right_arithmetic3A_263 = arith.constant 7 : i32
    %shift_right_arithmetic3A_264 = arith.shrsi %squeeze3A_262, %shift_right_arithmetic3A_263 : i32
    %shift_left3A_265 = arith.constant 7 : i32
    %shift_left3A_266 = arith.shli %shift_right_arithmetic3A_264, %shift_left3A_265 : i32
    %multiple_of3A_267 = tpu.assume_multiple %shift_left3A_266, 128 : i32
    %dma_start3A_268 = arith.constant 13 : i32
    %dma_start3A_269 = arith.constant 0 : i32
    %dma_start3A_270 = arith.constant 0 : i32
    %dma_start3A_271 = tpu.memref_slice %arg6[%dma_start3A_268, %dma_start3A_269, %dma_start3A_270] : memref<16x32x128xf32, #tpu.memory_space<vmem>> -> memref<1x32x128xf32, #tpu.memory_space<vmem>>
    %dma_start3A_272 = tpu.memref_squeeze %dma_start3A_271 : memref<1x32x128xf32, #tpu.memory_space<vmem>> -> memref<32x128xf32, #tpu.memory_space<vmem>>
    %dma_start3A_273 = arith.constant 0 : i32
    %dma_start3A_274 = tpu.memref_slice %arg2[%dma_start3A_273, %multiple_of3A_267] : memref<32x1000000xf32, #tpu.memory_space<hbm>> -> memref<32x128xf32, #tpu.memory_space<hbm>>
    %dma_start3A_275 = arith.constant 0 : i32
    %dma_start3A_276 = arith.constant 0 : i32
    %dma_start3A_277 = tpu.memref_slice %arg6[%dma_start3A_268, %dma_start3A_275, %dma_start3A_276] : memref<16x32x128xf32, #tpu.memory_space<vmem>> -> memref<1x32x128xf32, #tpu.memory_space<vmem>>
    %dma_start3A_278 = tpu.memref_squeeze %dma_start3A_277 : memref<1x32x128xf32, #tpu.memory_space<vmem>> -> memref<32x128xf32, #tpu.memory_space<vmem>>
    %dma_start3A_279 = arith.constant 0 : i32
    %dma_start3A_280 = tpu.memref_slice %arg2[%dma_start3A_279, %multiple_of3A_267] : memref<32x1000000xf32, #tpu.memory_space<hbm>> -> memref<32x128xf32, #tpu.memory_space<hbm>>
    tpu.enqueue_dma source(%dma_start3A_280 : memref<32x128xf32, #tpu.memory_space<hbm>>) target(%dma_start3A_278 : memref<32x128xf32, #tpu.memory_space<vmem>>) target_semaphore(%arg21 : memref<!tpu.dma_semaphore, #tpu.memory_space<semaphore_mem>>)
    %slice3A_281 = vector.extract_strided_slice %get3A_6 {offsets = [14], sizes = [1], strides = [1]} : vector<16xi32> to vector<1xi32>
    %squeeze3A_282 = vector.extract %slice3A_281[0] : i32 from vector<1xi32>
    %shift_right_arithmetic3A_283 = arith.constant 7 : i32
    %shift_right_arithmetic3A_284 = arith.shrsi %squeeze3A_282, %shift_right_arithmetic3A_283 : i32
    %shift_left3A_285 = arith.constant 7 : i32
    %shift_left3A_286 = arith.shli %shift_right_arithmetic3A_284, %shift_left3A_285 : i32
    %multiple_of3A_287 = tpu.assume_multiple %shift_left3A_286, 128 : i32
    %dma_start3A_288 = arith.constant 14 : i32
    %dma_start3A_289 = arith.constant 0 : i32
    %dma_start3A_290 = arith.constant 0 : i32
    %dma_start3A_291 = tpu.memref_slice %arg6[%dma_start3A_288, %dma_start3A_289, %dma_start3A_290] : memref<16x32x128xf32, #tpu.memory_space<vmem>> -> memref<1x32x128xf32, #tpu.memory_space<vmem>>
    %dma_start3A_292 = tpu.memref_squeeze %dma_start3A_291 : memref<1x32x128xf32, #tpu.memory_space<vmem>> -> memref<32x128xf32, #tpu.memory_space<vmem>>
    %dma_start3A_293 = arith.constant 0 : i32
    %dma_start3A_294 = tpu.memref_slice %arg2[%dma_start3A_293, %multiple_of3A_287] : memref<32x1000000xf32, #tpu.memory_space<hbm>> -> memref<32x128xf32, #tpu.memory_space<hbm>>
    %dma_start3A_295 = arith.constant 0 : i32
    %dma_start3A_296 = arith.constant 0 : i32
    %dma_start3A_297 = tpu.memref_slice %arg6[%dma_start3A_288, %dma_start3A_295, %dma_start3A_296] : memref<16x32x128xf32, #tpu.memory_space<vmem>> -> memref<1x32x128xf32, #tpu.memory_space<vmem>>
    %dma_start3A_298 = tpu.memref_squeeze %dma_start3A_297 : memref<1x32x128xf32, #tpu.memory_space<vmem>> -> memref<32x128xf32, #tpu.memory_space<vmem>>
    %dma_start3A_299 = arith.constant 0 : i32
    %dma_start3A_300 = tpu.memref_slice %arg2[%dma_start3A_299, %multiple_of3A_287] : memref<32x1000000xf32, #tpu.memory_space<hbm>> -> memref<32x128xf32, #tpu.memory_space<hbm>>
    tpu.enqueue_dma source(%dma_start3A_300 : memref<32x128xf32, #tpu.memory_space<hbm>>) target(%dma_start3A_298 : memref<32x128xf32, #tpu.memory_space<vmem>>) target_semaphore(%arg22 : memref<!tpu.dma_semaphore, #tpu.memory_space<semaphore_mem>>)
    %scan3A = arith.constant 0 : i32
    %scan3A_301 = arith.constant 32 : i32
    %scan3A_302 = arith.addi %scan3A, %scan3A_301 : i32
    %scan3A_303 = arith.constant 1 : i32
    scf.for %scan3A_529 = %scan3A to %scan3A_302 step %scan3A_303  : i32 {
      %mul3A_530 = arith.constant 16 : i32
      %mul3A_531 = arith.muli %scan3A_529, %mul3A_530 : i32
      %get3A_532 = arith.index_cast %mul3A_531 : i32 to index
      %get3A_533 = tpu.vector_load %arg5[%get3A_532] {strides = array<i32>} : memref<512xi32, #tpu.memory_space<vmem>>, vector<16xi32>,
      %add3A_534 = arith.constant 1 : i32
      %add3A_535 = arith.addi %scan3A_529, %add3A_534 : i32
      %min3A = arith.constant 31 : i32
      %min3A_536 = arith.minsi %add3A_535, %min3A : i32
      %mul3A_537 = arith.constant 16 : i32
      %mul3A_538 = arith.muli %min3A_536, %mul3A_537 : i32
      %get3A_539 = arith.index_cast %mul3A_538 : i32 to index
      %get3A_540 = tpu.vector_load %arg5[%get3A_539] {strides = array<i32>} : memref<512xi32, #tpu.memory_space<vmem>>, vector<16xi32>,
      %slice3A_541 = vector.extract_strided_slice %get3A_533 {offsets = [15], sizes = [1], strides = [1]} : vector<16xi32> to vector<1xi32>
      %squeeze3A_542 = vector.extract %slice3A_541[0] : i32 from vector<1xi32>
      %shift_right_arithmetic3A_543 = arith.constant 7 : i32
      %shift_right_arithmetic3A_544 = arith.shrsi %squeeze3A_542, %shift_right_arithmetic3A_543 : i32
      %shift_left3A_545 = arith.constant 7 : i32
      %shift_left3A_546 = arith.shli %shift_right_arithmetic3A_544, %shift_left3A_545 : i32
      %multiple_of3A_547 = tpu.assume_multiple %shift_left3A_546, 128 : i32
      %dma_start3A_548 = arith.constant 15 : i32
      %dma_start3A_549 = arith.constant 0 : i32
      %dma_start3A_550 = arith.constant 0 : i32
      %dma_start3A_551 = tpu.memref_slice %arg6[%dma_start3A_548, %dma_start3A_549, %dma_start3A_550] : memref<16x32x128xf32, #tpu.memory_space<vmem>> -> memref<1x32x128xf32, #tpu.memory_space<vmem>>
      %dma_start3A_552 = tpu.memref_squeeze %dma_start3A_551 : memref<1x32x128xf32, #tpu.memory_space<vmem>> -> memref<32x128xf32, #tpu.memory_space<vmem>>
      %dma_start3A_553 = arith.constant 0 : i32
      %dma_start3A_554 = tpu.memref_slice %arg2[%dma_start3A_553, %multiple_of3A_547] : memref<32x1000000xf32, #tpu.memory_space<hbm>> -> memref<32x128xf32, #tpu.memory_space<hbm>>
      %dma_start3A_555 = arith.constant 0 : i32
      %dma_start3A_556 = arith.constant 0 : i32
      %dma_start3A_557 = tpu.memref_slice %arg6[%dma_start3A_548, %dma_start3A_555, %dma_start3A_556] : memref<16x32x128xf32, #tpu.memory_space<vmem>> -> memref<1x32x128xf32, #tpu.memory_space<vmem>>
      %dma_start3A_558 = tpu.memref_squeeze %dma_start3A_557 : memref<1x32x128xf32, #tpu.memory_space<vmem>> -> memref<32x128xf32, #tpu.memory_space<vmem>>
      %dma_start3A_559 = arith.constant 0 : i32
      %dma_start3A_560 = tpu.memref_slice %arg2[%dma_start3A_559, %multiple_of3A_547] : memref<32x1000000xf32, #tpu.memory_space<hbm>> -> memref<32x128xf32, #tpu.memory_space<hbm>>
      tpu.enqueue_dma source(%dma_start3A_560 : memref<32x128xf32, #tpu.memory_space<hbm>>) target(%dma_start3A_558 : memref<32x128xf32, #tpu.memory_space<vmem>>) target_semaphore(%arg23 : memref<!tpu.dma_semaphore, #tpu.memory_space<semaphore_mem>>)
      %dma_wait3A_561 = arith.constant 0 : i32
      %dma_wait3A_562 = arith.constant 0 : i32
      %dma_wait3A_563 = arith.constant 0 : i32
      %dma_wait3A_564 = tpu.memref_slice %arg6[%dma_wait3A_561, %dma_wait3A_562, %dma_wait3A_563] : memref<16x32x128xf32, #tpu.memory_space<vmem>> -> memref<1x32x128xf32, #tpu.memory_space<vmem>>
      %dma_wait3A_565 = tpu.memref_squeeze %dma_wait3A_564 : memref<1x32x128xf32, #tpu.memory_space<vmem>> -> memref<32x128xf32, #tpu.memory_space<vmem>>
      %dma_wait3A_566 = arith.constant 0 : i32
      %dma_wait3A_567 = arith.constant 0 : i32
      %dma_wait3A_568 = tpu.memref_slice %arg2[%dma_wait3A_566, %dma_wait3A_567] : memref<32x1000000xf32, #tpu.memory_space<hbm>> -> memref<32x128xf32, #tpu.memory_space<hbm>>
      %dma_wait3A_569 = arith.constant 0 : i32
      %dma_wait3A_570 = arith.constant 0 : i32
      %dma_wait3A_571 = tpu.memref_slice %arg6[%dma_wait3A_561, %dma_wait3A_569, %dma_wait3A_570] : memref<16x32x128xf32, #tpu.memory_space<vmem>> -> memref<1x32x128xf32, #tpu.memory_space<vmem>>
      %dma_wait3A_572 = tpu.memref_squeeze %dma_wait3A_571 : memref<1x32x128xf32, #tpu.memory_space<vmem>> -> memref<32x128xf32, #tpu.memory_space<vmem>>
      %dma_wait3A_573 = arith.constant 0 : i32
      %dma_wait3A_574 = arith.constant 0 : i32
      %dma_wait3A_575 = tpu.memref_slice %arg2[%dma_wait3A_573, %dma_wait3A_574] : memref<32x1000000xf32, #tpu.memory_space<hbm>> -> memref<32x128xf32, #tpu.memory_space<hbm>>
      tpu.wait_dma2 semaphore(%arg8 : memref<!tpu.dma_semaphore, #tpu.memory_space<semaphore_mem>>) src(%dma_wait3A_575 : memref<32x128xf32, #tpu.memory_space<hbm>>) dst(%dma_wait3A_572 : memref<32x128xf32, #tpu.memory_space<vmem>>)
      %slice3A_576 = vector.extract_strided_slice %get3A_533 {offsets = [0], sizes = [1], strides = [1]} : vector<16xi32> to vector<1xi32>
      %squeeze3A_577 = vector.extract %slice3A_576[0] : i32 from vector<1xi32>
      %and3A = arith.constant 127 : i32
      %and3A_578 = arith.andi %squeeze3A_577, %and3A : i32
      %broadcast_in_dim3A = vector.broadcast %and3A_578 : i32 to vector<16xi32>
      %mul3A_579 = arith.constant 16 : i32
      %mul3A_580 = arith.muli %scan3A_529, %mul3A_579 : i32
      %add3A_581 = arith.constant 0 : i32
      %add3A_582 = arith.addi %mul3A_580, %add3A_581 : i32
      %broadcast_in_dim3A_583 = vector.broadcast %add3A_582 : i32 to vector<16xi32>
      %gather3A = arith.constant 0 : i32
      %gather3A_584 = arith.constant 0 : i32
      %gather3A_585 = arith.constant 0 : i32
      %gather3A_586 = tpu.memref_slice %arg6[%gather3A, %gather3A_584, %gather3A_585] : memref<16x32x128xf32, #tpu.memory_space<vmem>> -> memref<1x32x128xf32, #tpu.memory_space<vmem>>
      %gather3A_587 = tpu.memref_squeeze %gather3A_586 : memref<1x32x128xf32, #tpu.memory_space<vmem>> -> memref<32x128xf32, #tpu.memory_space<vmem>>
      %gather3A_588 = tpu.vector_load_idx %gather3A_587[%iota3A, %broadcast_in_dim3A] : memref<32x128xf32, #tpu.memory_space<vmem>>[vector<16xi32>, vector<16xi32>], vector<16xf32>,
      tpu.vector_store_idx %arg7[%iota3A, %broadcast_in_dim3A_583], %gather3A_588 : memref<32x512xf32, #tpu.memory_space<vmem>>[vector<16xi32>, vector<16xi32>], vector<16xf32>,
      %gather3A_589 = arith.constant 0 : i32
      %gather3A_590 = arith.constant 0 : i32
      %gather3A_591 = arith.constant 0 : i32
      %gather3A_592 = tpu.memref_slice %arg6[%gather3A_589, %gather3A_590, %gather3A_591] : memref<16x32x128xf32, #tpu.memory_space<vmem>> -> memref<1x32x128xf32, #tpu.memory_space<vmem>>
      %gather3A_593 = tpu.memref_squeeze %gather3A_592 : memref<1x32x128xf32, #tpu.memory_space<vmem>> -> memref<32x128xf32, #tpu.memory_space<vmem>>
      %gather3A_594 = tpu.vector_load_idx %gather3A_593[%add3A_5, %broadcast_in_dim3A] : memref<32x128xf32, #tpu.memory_space<vmem>>[vector<16xi32>, vector<16xi32>], vector<16xf32>,
      tpu.vector_store_idx %arg7[%add3A_5, %broadcast_in_dim3A_583], %gather3A_594 : memref<32x512xf32, #tpu.memory_space<vmem>>[vector<16xi32>, vector<16xi32>], vector<16xf32>,
      %slice3A_595 = vector.extract_strided_slice %get3A_540 {offsets = [0], sizes = [1], strides = [1]} : vector<16xi32> to vector<1xi32>
      %squeeze3A_596 = vector.extract %slice3A_595[0] : i32 from vector<1xi32>
      %shift_right_arithmetic3A_597 = arith.constant 7 : i32
      %shift_right_arithmetic3A_598 = arith.shrsi %squeeze3A_596, %shift_right_arithmetic3A_597 : i32
      %shift_left3A_599 = arith.constant 7 : i32
      %shift_left3A_600 = arith.shli %shift_right_arithmetic3A_598, %shift_left3A_599 : i32
      %multiple_of3A_601 = tpu.assume_multiple %shift_left3A_600, 128 : i32
      %dma_start3A_602 = arith.constant 0 : i32
      %dma_start3A_603 = arith.constant 0 : i32
      %dma_start3A_604 = arith.constant 0 : i32
      %dma_start3A_605 = tpu.memref_slice %arg6[%dma_start3A_602, %dma_start3A_603, %dma_start3A_604] : memref<16x32x128xf32, #tpu.memory_space<vmem>> -> memref<1x32x128xf32, #tpu.memory_space<vmem>>
      %dma_start3A_606 = tpu.memref_squeeze %dma_start3A_605 : memref<1x32x128xf32, #tpu.memory_space<vmem>> -> memref<32x128xf32, #tpu.memory_space<vmem>>
      %dma_start3A_607 = arith.constant 0 : i32
      %dma_start3A_608 = tpu.memref_slice %arg2[%dma_start3A_607, %multiple_of3A_601] : memref<32x1000000xf32, #tpu.memory_space<hbm>> -> memref<32x128xf32, #tpu.memory_space<hbm>>
      %dma_start3A_609 = arith.constant 0 : i32
      %dma_start3A_610 = arith.constant 0 : i32
      %dma_start3A_611 = tpu.memref_slice %arg6[%dma_start3A_602, %dma_start3A_609, %dma_start3A_610] : memref<16x32x128xf32, #tpu.memory_space<vmem>> -> memref<1x32x128xf32, #tpu.memory_space<vmem>>
      %dma_start3A_612 = tpu.memref_squeeze %dma_start3A_611 : memref<1x32x128xf32, #tpu.memory_space<vmem>> -> memref<32x128xf32, #tpu.memory_space<vmem>>
      %dma_start3A_613 = arith.constant 0 : i32
      %dma_start3A_614 = tpu.memref_slice %arg2[%dma_start3A_613, %multiple_of3A_601] : memref<32x1000000xf32, #tpu.memory_space<hbm>> -> memref<32x128xf32, #tpu.memory_space<hbm>>
      tpu.enqueue_dma source(%dma_start3A_614 : memref<32x128xf32, #tpu.memory_space<hbm>>) target(%dma_start3A_612 : memref<32x128xf32, #tpu.memory_space<vmem>>) target_semaphore(%arg8 : memref<!tpu.dma_semaphore, #tpu.memory_space<semaphore_mem>>)
      %dma_wait3A_615 = arith.constant 1 : i32
      %dma_wait3A_616 = arith.constant 0 : i32
      %dma_wait3A_617 = arith.constant 0 : i32
      %dma_wait3A_618 = tpu.memref_slice %arg6[%dma_wait3A_615, %dma_wait3A_616, %dma_wait3A_617] : memref<16x32x128xf32, #tpu.memory_space<vmem>> -> memref<1x32x128xf32, #tpu.memory_space<vmem>>
      %dma_wait3A_619 = tpu.memref_squeeze %dma_wait3A_618 : memref<1x32x128xf32, #tpu.memory_space<vmem>> -> memref<32x128xf32, #tpu.memory_space<vmem>>
      %dma_wait3A_620 = arith.constant 0 : i32
      %dma_wait3A_621 = arith.constant 0 : i32
      %dma_wait3A_622 = tpu.memref_slice %arg2[%dma_wait3A_620, %dma_wait3A_621] : memref<32x1000000xf32, #tpu.memory_space<hbm>> -> memref<32x128xf32, #tpu.memory_space<hbm>>
      %dma_wait3A_623 = arith.constant 0 : i32
      %dma_wait3A_624 = arith.constant 0 : i32
      %dma_wait3A_625 = tpu.memref_slice %arg6[%dma_wait3A_615, %dma_wait3A_623, %dma_wait3A_624] : memref<16x32x128xf32, #tpu.memory_space<vmem>> -> memref<1x32x128xf32, #tpu.memory_space<vmem>>
      %dma_wait3A_626 = tpu.memref_squeeze %dma_wait3A_625 : memref<1x32x128xf32, #tpu.memory_space<vmem>> -> memref<32x128xf32, #tpu.memory_space<vmem>>
      %dma_wait3A_627 = arith.constant 0 : i32
      %dma_wait3A_628 = arith.constant 0 : i32
      %dma_wait3A_629 = tpu.memref_slice %arg2[%dma_wait3A_627, %dma_wait3A_628] : memref<32x1000000xf32, #tpu.memory_space<hbm>> -> memref<32x128xf32, #tpu.memory_space<hbm>>
      tpu.wait_dma2 semaphore(%arg9 : memref<!tpu.dma_semaphore, #tpu.memory_space<semaphore_mem>>) src(%dma_wait3A_629 : memref<32x128xf32, #tpu.memory_space<hbm>>) dst(%dma_wait3A_626 : memref<32x128xf32, #tpu.memory_space<vmem>>)
      %slice3A_630 = vector.extract_strided_slice %get3A_533 {offsets = [1], sizes = [1], strides = [1]} : vector<16xi32> to vector<1xi32>
      %squeeze3A_631 = vector.extract %slice3A_630[0] : i32 from vector<1xi32>
      %and3A_632 = arith.constant 127 : i32
      %and3A_633 = arith.andi %squeeze3A_631, %and3A_632 : i32
      %broadcast_in_dim3A_634 = vector.broadcast %and3A_633 : i32 to vector<16xi32>
      %mul3A_635 = arith.constant 16 : i32
      %mul3A_636 = arith.muli %scan3A_529, %mul3A_635 : i32
      %add3A_637 = arith.constant 1 : i32
      %add3A_638 = arith.addi %mul3A_636, %add3A_637 : i32
      %broadcast_in_dim3A_639 = vector.broadcast %add3A_638 : i32 to vector<16xi32>
      %gather3A_640 = arith.constant 1 : i32
      %gather3A_641 = arith.constant 0 : i32
      %gather3A_642 = arith.constant 0 : i32
      %gather3A_643 = tpu.memref_slice %arg6[%gather3A_640, %gather3A_641, %gather3A_642] : memref<16x32x128xf32, #tpu.memory_space<vmem>> -> memref<1x32x128xf32, #tpu.memory_space<vmem>>
      %gather3A_644 = tpu.memref_squeeze %gather3A_643 : memref<1x32x128xf32, #tpu.memory_space<vmem>> -> memref<32x128xf32, #tpu.memory_space<vmem>>
      %gather3A_645 = tpu.vector_load_idx %gather3A_644[%iota3A, %broadcast_in_dim3A_634] : memref<32x128xf32, #tpu.memory_space<vmem>>[vector<16xi32>, vector<16xi32>], vector<16xf32>,
      tpu.vector_store_idx %arg7[%iota3A, %broadcast_in_dim3A_639], %gather3A_645 : memref<32x512xf32, #tpu.memory_space<vmem>>[vector<16xi32>, vector<16xi32>], vector<16xf32>,
      %gather3A_646 = arith.constant 1 : i32
      %gather3A_647 = arith.constant 0 : i32
      %gather3A_648 = arith.constant 0 : i32
      %gather3A_649 = tpu.memref_slice %arg6[%gather3A_646, %gather3A_647, %gather3A_648] : memref<16x32x128xf32, #tpu.memory_space<vmem>> -> memref<1x32x128xf32, #tpu.memory_space<vmem>>
      %gather3A_650 = tpu.memref_squeeze %gather3A_649 : memref<1x32x128xf32, #tpu.memory_space<vmem>> -> memref<32x128xf32, #tpu.memory_space<vmem>>
      %gather3A_651 = tpu.vector_load_idx %gather3A_650[%add3A_5, %broadcast_in_dim3A_634] : memref<32x128xf32, #tpu.memory_space<vmem>>[vector<16xi32>, vector<16xi32>], vector<16xf32>,
      tpu.vector_store_idx %arg7[%add3A_5, %broadcast_in_dim3A_639], %gather3A_651 : memref<32x512xf32, #tpu.memory_space<vmem>>[vector<16xi32>, vector<16xi32>], vector<16xf32>,
      %slice3A_652 = vector.extract_strided_slice %get3A_540 {offsets = [1], sizes = [1], strides = [1]} : vector<16xi32> to vector<1xi32>
      %squeeze3A_653 = vector.extract %slice3A_652[0] : i32 from vector<1xi32>
      %shift_right_arithmetic3A_654 = arith.constant 7 : i32
      %shift_right_arithmetic3A_655 = arith.shrsi %squeeze3A_653, %shift_right_arithmetic3A_654 : i32
      %shift_left3A_656 = arith.constant 7 : i32
      %shift_left3A_657 = arith.shli %shift_right_arithmetic3A_655, %shift_left3A_656 : i32
      %multiple_of3A_658 = tpu.assume_multiple %shift_left3A_657, 128 : i32
      %dma_start3A_659 = arith.constant 1 : i32
      %dma_start3A_660 = arith.constant 0 : i32
      %dma_start3A_661 = arith.constant 0 : i32
      %dma_start3A_662 = tpu.memref_slice %arg6[%dma_start3A_659, %dma_start3A_660, %dma_start3A_661] : memref<16x32x128xf32, #tpu.memory_space<vmem>> -> memref<1x32x128xf32, #tpu.memory_space<vmem>>
      %dma_start3A_663 = tpu.memref_squeeze %dma_start3A_662 : memref<1x32x128xf32, #tpu.memory_space<vmem>> -> memref<32x128xf32, #tpu.memory_space<vmem>>
      %dma_start3A_664 = arith.constant 0 : i32
      %dma_start3A_665 = tpu.memref_slice %arg2[%dma_start3A_664, %multiple_of3A_658] : memref<32x1000000xf32, #tpu.memory_space<hbm>> -> memref<32x128xf32, #tpu.memory_space<hbm>>
      %dma_start3A_666 = arith.constant 0 : i32
      %dma_start3A_667 = arith.constant 0 : i32
      %dma_start3A_668 = tpu.memref_slice %arg6[%dma_start3A_659, %dma_start3A_666, %dma_start3A_667] : memref<16x32x128xf32, #tpu.memory_space<vmem>> -> memref<1x32x128xf32, #tpu.memory_space<vmem>>
      %dma_start3A_669 = tpu.memref_squeeze %dma_start3A_668 : memref<1x32x128xf32, #tpu.memory_space<vmem>> -> memref<32x128xf32, #tpu.memory_space<vmem>>
      %dma_start3A_670 = arith.constant 0 : i32
      %dma_start3A_671 = tpu.memref_slice %arg2[%dma_start3A_670, %multiple_of3A_658] : memref<32x1000000xf32, #tpu.memory_space<hbm>> -> memref<32x128xf32, #tpu.memory_space<hbm>>
      tpu.enqueue_dma source(%dma_start3A_671 : memref<32x128xf32, #tpu.memory_space<hbm>>) target(%dma_start3A_669 : memref<32x128xf32, #tpu.memory_space<vmem>>) target_semaphore(%arg9 : memref<!tpu.dma_semaphore, #tpu.memory_space<semaphore_mem>>)
      %dma_wait3A_672 = arith.constant 2 : i32
      %dma_wait3A_673 = arith.constant 0 : i32
      %dma_wait3A_674 = arith.constant 0 : i32
      %dma_wait3A_675 = tpu.memref_slice %arg6[%dma_wait3A_672, %dma_wait3A_673, %dma_wait3A_674] : memref<16x32x128xf32, #tpu.memory_space<vmem>> -> memref<1x32x128xf32, #tpu.memory_space<vmem>>
      %dma_wait3A_676 = tpu.memref_squeeze %dma_wait3A_675 : memref<1x32x128xf32, #tpu.memory_space<vmem>> -> memref<32x128xf32, #tpu.memory_space<vmem>>
      %dma_wait3A_677 = arith.constant 0 : i32
      %dma_wait3A_678 = arith.constant 0 : i32
      %dma_wait3A_679 = tpu.memref_slice %arg2[%dma_wait3A_677, %dma_wait3A_678] : memref<32x1000000xf32, #tpu.memory_space<hbm>> -> memref<32x128xf32, #tpu.memory_space<hbm>>
      %dma_wait3A_680 = arith.constant 0 : i32
      %dma_wait3A_681 = arith.constant 0 : i32
      %dma_wait3A_682 = tpu.memref_slice %arg6[%dma_wait3A_672, %dma_wait3A_680, %dma_wait3A_681] : memref<16x32x128xf32, #tpu.memory_space<vmem>> -> memref<1x32x128xf32, #tpu.memory_space<vmem>>
      %dma_wait3A_683 = tpu.memref_squeeze %dma_wait3A_682 : memref<1x32x128xf32, #tpu.memory_space<vmem>> -> memref<32x128xf32, #tpu.memory_space<vmem>>
      %dma_wait3A_684 = arith.constant 0 : i32
      %dma_wait3A_685 = arith.constant 0 : i32
      %dma_wait3A_686 = tpu.memref_slice %arg2[%dma_wait3A_684, %dma_wait3A_685] : memref<32x1000000xf32, #tpu.memory_space<hbm>> -> memref<32x128xf32, #tpu.memory_space<hbm>>
      tpu.wait_dma2 semaphore(%arg10 : memref<!tpu.dma_semaphore, #tpu.memory_space<semaphore_mem>>) src(%dma_wait3A_686 : memref<32x128xf32, #tpu.memory_space<hbm>>) dst(%dma_wait3A_683 : memref<32x128xf32, #tpu.memory_space<vmem>>)
      %slice3A_687 = vector.extract_strided_slice %get3A_533 {offsets = [2], sizes = [1], strides = [1]} : vector<16xi32> to vector<1xi32>
      %squeeze3A_688 = vector.extract %slice3A_687[0] : i32 from vector<1xi32>
      %and3A_689 = arith.constant 127 : i32
      %and3A_690 = arith.andi %squeeze3A_688, %and3A_689 : i32
      %broadcast_in_dim3A_691 = vector.broadcast %and3A_690 : i32 to vector<16xi32>
      %mul3A_692 = arith.constant 16 : i32
      %mul3A_693 = arith.muli %scan3A_529, %mul3A_692 : i32
      %add3A_694 = arith.constant 2 : i32
      %add3A_695 = arith.addi %mul3A_693, %add3A_694 : i32
      %broadcast_in_dim3A_696 = vector.broadcast %add3A_695 : i32 to vector<16xi32>
      %gather3A_697 = arith.constant 2 : i32
      %gather3A_698 = arith.constant 0 : i32
      %gather3A_699 = arith.constant 0 : i32
      %gather3A_700 = tpu.memref_slice %arg6[%gather3A_697, %gather3A_698, %gather3A_699] : memref<16x32x128xf32, #tpu.memory_space<vmem>> -> memref<1x32x128xf32, #tpu.memory_space<vmem>>
      %gather3A_701 = tpu.memref_squeeze %gather3A_700 : memref<1x32x128xf32, #tpu.memory_space<vmem>> -> memref<32x128xf32, #tpu.memory_space<vmem>>
      %gather3A_702 = tpu.vector_load_idx %gather3A_701[%iota3A, %broadcast_in_dim3A_691] : memref<32x128xf32, #tpu.memory_space<vmem>>[vector<16xi32>, vector<16xi32>], vector<16xf32>,
      tpu.vector_store_idx %arg7[%iota3A, %broadcast_in_dim3A_696], %gather3A_702 : memref<32x512xf32, #tpu.memory_space<vmem>>[vector<16xi32>, vector<16xi32>], vector<16xf32>,
      %gather3A_703 = arith.constant 2 : i32
      %gather3A_704 = arith.constant 0 : i32
      %gather3A_705 = arith.constant 0 : i32
      %gather3A_706 = tpu.memref_slice %arg6[%gather3A_703, %gather3A_704, %gather3A_705] : memref<16x32x128xf32, #tpu.memory_space<vmem>> -> memref<1x32x128xf32, #tpu.memory_space<vmem>>
      %gather3A_707 = tpu.memref_squeeze %gather3A_706 : memref<1x32x128xf32, #tpu.memory_space<vmem>> -> memref<32x128xf32, #tpu.memory_space<vmem>>
      %gather3A_708 = tpu.vector_load_idx %gather3A_707[%add3A_5, %broadcast_in_dim3A_691] : memref<32x128xf32, #tpu.memory_space<vmem>>[vector<16xi32>, vector<16xi32>], vector<16xf32>,
      tpu.vector_store_idx %arg7[%add3A_5, %broadcast_in_dim3A_696], %gather3A_708 : memref<32x512xf32, #tpu.memory_space<vmem>>[vector<16xi32>, vector<16xi32>], vector<16xf32>,
      %slice3A_709 = vector.extract_strided_slice %get3A_540 {offsets = [2], sizes = [1], strides = [1]} : vector<16xi32> to vector<1xi32>
      %squeeze3A_710 = vector.extract %slice3A_709[0] : i32 from vector<1xi32>
      %shift_right_arithmetic3A_711 = arith.constant 7 : i32
      %shift_right_arithmetic3A_712 = arith.shrsi %squeeze3A_710, %shift_right_arithmetic3A_711 : i32
      %shift_left3A_713 = arith.constant 7 : i32
      %shift_left3A_714 = arith.shli %shift_right_arithmetic3A_712, %shift_left3A_713 : i32
      %multiple_of3A_715 = tpu.assume_multiple %shift_left3A_714, 128 : i32
      %dma_start3A_716 = arith.constant 2 : i32
      %dma_start3A_717 = arith.constant 0 : i32
      %dma_start3A_718 = arith.constant 0 : i32
      %dma_start3A_719 = tpu.memref_slice %arg6[%dma_start3A_716, %dma_start3A_717, %dma_start3A_718] : memref<16x32x128xf32, #tpu.memory_space<vmem>> -> memref<1x32x128xf32, #tpu.memory_space<vmem>>
      %dma_start3A_720 = tpu.memref_squeeze %dma_start3A_719 : memref<1x32x128xf32, #tpu.memory_space<vmem>> -> memref<32x128xf32, #tpu.memory_space<vmem>>
      %dma_start3A_721 = arith.constant 0 : i32
      %dma_start3A_722 = tpu.memref_slice %arg2[%dma_start3A_721, %multiple_of3A_715] : memref<32x1000000xf32, #tpu.memory_space<hbm>> -> memref<32x128xf32, #tpu.memory_space<hbm>>
      %dma_start3A_723 = arith.constant 0 : i32
      %dma_start3A_724 = arith.constant 0 : i32
      %dma_start3A_725 = tpu.memref_slice %arg6[%dma_start3A_716, %dma_start3A_723, %dma_start3A_724] : memref<16x32x128xf32, #tpu.memory_space<vmem>> -> memref<1x32x128xf32, #tpu.memory_space<vmem>>
      %dma_start3A_726 = tpu.memref_squeeze %dma_start3A_725 : memref<1x32x128xf32, #tpu.memory_space<vmem>> -> memref<32x128xf32, #tpu.memory_space<vmem>>
      %dma_start3A_727 = arith.constant 0 : i32
      %dma_start3A_728 = tpu.memref_slice %arg2[%dma_start3A_727, %multiple_of3A_715] : memref<32x1000000xf32, #tpu.memory_space<hbm>> -> memref<32x128xf32, #tpu.memory_space<hbm>>
      tpu.enqueue_dma source(%dma_start3A_728 : memref<32x128xf32, #tpu.memory_space<hbm>>) target(%dma_start3A_726 : memref<32x128xf32, #tpu.memory_space<vmem>>) target_semaphore(%arg10 : memref<!tpu.dma_semaphore, #tpu.memory_space<semaphore_mem>>)
      %dma_wait3A_729 = arith.constant 3 : i32
      %dma_wait3A_730 = arith.constant 0 : i32
      %dma_wait3A_731 = arith.constant 0 : i32
      %dma_wait3A_732 = tpu.memref_slice %arg6[%dma_wait3A_729, %dma_wait3A_730, %dma_wait3A_731] : memref<16x32x128xf32, #tpu.memory_space<vmem>> -> memref<1x32x128xf32, #tpu.memory_space<vmem>>
      %dma_wait3A_733 = tpu.memref_squeeze %dma_wait3A_732 : memref<1x32x128xf32, #tpu.memory_space<vmem>> -> memref<32x128xf32, #tpu.memory_space<vmem>>
      %dma_wait3A_734 = arith.constant 0 : i32
      %dma_wait3A_735 = arith.constant 0 : i32
      %dma_wait3A_736 = tpu.memref_slice %arg2[%dma_wait3A_734, %dma_wait3A_735] : memref<32x1000000xf32, #tpu.memory_space<hbm>> -> memref<32x128xf32, #tpu.memory_space<hbm>>
      %dma_wait3A_737 = arith.constant 0 : i32
      %dma_wait3A_738 = arith.constant 0 : i32
      %dma_wait3A_739 = tpu.memref_slice %arg6[%dma_wait3A_729, %dma_wait3A_737, %dma_wait3A_738] : memref<16x32x128xf32, #tpu.memory_space<vmem>> -> memref<1x32x128xf32, #tpu.memory_space<vmem>>
      %dma_wait3A_740 = tpu.memref_squeeze %dma_wait3A_739 : memref<1x32x128xf32, #tpu.memory_space<vmem>> -> memref<32x128xf32, #tpu.memory_space<vmem>>
      %dma_wait3A_741 = arith.constant 0 : i32
      %dma_wait3A_742 = arith.constant 0 : i32
      %dma_wait3A_743 = tpu.memref_slice %arg2[%dma_wait3A_741, %dma_wait3A_742] : memref<32x1000000xf32, #tpu.memory_space<hbm>> -> memref<32x128xf32, #tpu.memory_space<hbm>>
      tpu.wait_dma2 semaphore(%arg11 : memref<!tpu.dma_semaphore, #tpu.memory_space<semaphore_mem>>) src(%dma_wait3A_743 : memref<32x128xf32, #tpu.memory_space<hbm>>) dst(%dma_wait3A_740 : memref<32x128xf32, #tpu.memory_space<vmem>>)
      %slice3A_744 = vector.extract_strided_slice %get3A_533 {offsets = [3], sizes = [1], strides = [1]} : vector<16xi32> to vector<1xi32>
      %squeeze3A_745 = vector.extract %slice3A_744[0] : i32 from vector<1xi32>
      %and3A_746 = arith.constant 127 : i32
      %and3A_747 = arith.andi %squeeze3A_745, %and3A_746 : i32
      %broadcast_in_dim3A_748 = vector.broadcast %and3A_747 : i32 to vector<16xi32>
      %mul3A_749 = arith.constant 16 : i32
      %mul3A_750 = arith.muli %scan3A_529, %mul3A_749 : i32
      %add3A_751 = arith.constant 3 : i32
      %add3A_752 = arith.addi %mul3A_750, %add3A_751 : i32
      %broadcast_in_dim3A_753 = vector.broadcast %add3A_752 : i32 to vector<16xi32>
      %gather3A_754 = arith.constant 3 : i32
      %gather3A_755 = arith.constant 0 : i32
      %gather3A_756 = arith.constant 0 : i32
      %gather3A_757 = tpu.memref_slice %arg6[%gather3A_754, %gather3A_755, %gather3A_756] : memref<16x32x128xf32, #tpu.memory_space<vmem>> -> memref<1x32x128xf32, #tpu.memory_space<vmem>>
      %gather3A_758 = tpu.memref_squeeze %gather3A_757 : memref<1x32x128xf32, #tpu.memory_space<vmem>> -> memref<32x128xf32, #tpu.memory_space<vmem>>
      %gather3A_759 = tpu.vector_load_idx %gather3A_758[%iota3A, %broadcast_in_dim3A_748] : memref<32x128xf32, #tpu.memory_space<vmem>>[vector<16xi32>, vector<16xi32>], vector<16xf32>,
      tpu.vector_store_idx %arg7[%iota3A, %broadcast_in_dim3A_753], %gather3A_759 : memref<32x512xf32, #tpu.memory_space<vmem>>[vector<16xi32>, vector<16xi32>], vector<16xf32>,
      %gather3A_760 = arith.constant 3 : i32
      %gather3A_761 = arith.constant 0 : i32
      %gather3A_762 = arith.constant 0 : i32
      %gather3A_763 = tpu.memref_slice %arg6[%gather3A_760, %gather3A_761, %gather3A_762] : memref<16x32x128xf32, #tpu.memory_space<vmem>> -> memref<1x32x128xf32, #tpu.memory_space<vmem>>
      %gather3A_764 = tpu.memref_squeeze %gather3A_763 : memref<1x32x128xf32, #tpu.memory_space<vmem>> -> memref<32x128xf32, #tpu.memory_space<vmem>>
      %gather3A_765 = tpu.vector_load_idx %gather3A_764[%add3A_5, %broadcast_in_dim3A_748] : memref<32x128xf32, #tpu.memory_space<vmem>>[vector<16xi32>, vector<16xi32>], vector<16xf32>,
      tpu.vector_store_idx %arg7[%add3A_5, %broadcast_in_dim3A_753], %gather3A_765 : memref<32x512xf32, #tpu.memory_space<vmem>>[vector<16xi32>, vector<16xi32>], vector<16xf32>,
      %slice3A_766 = vector.extract_strided_slice %get3A_540 {offsets = [3], sizes = [1], strides = [1]} : vector<16xi32> to vector<1xi32>
      %squeeze3A_767 = vector.extract %slice3A_766[0] : i32 from vector<1xi32>
      %shift_right_arithmetic3A_768 = arith.constant 7 : i32
      %shift_right_arithmetic3A_769 = arith.shrsi %squeeze3A_767, %shift_right_arithmetic3A_768 : i32
      %shift_left3A_770 = arith.constant 7 : i32
      %shift_left3A_771 = arith.shli %shift_right_arithmetic3A_769, %shift_left3A_770 : i32
      %multiple_of3A_772 = tpu.assume_multiple %shift_left3A_771, 128 : i32
      %dma_start3A_773 = arith.constant 3 : i32
      %dma_start3A_774 = arith.constant 0 : i32
      %dma_start3A_775 = arith.constant 0 : i32
      %dma_start3A_776 = tpu.memref_slice %arg6[%dma_start3A_773, %dma_start3A_774, %dma_start3A_775] : memref<16x32x128xf32, #tpu.memory_space<vmem>> -> memref<1x32x128xf32, #tpu.memory_space<vmem>>
      %dma_start3A_777 = tpu.memref_squeeze %dma_start3A_776 : memref<1x32x128xf32, #tpu.memory_space<vmem>> -> memref<32x128xf32, #tpu.memory_space<vmem>>
      %dma_start3A_778 = arith.constant 0 : i32
      %dma_start3A_779 = tpu.memref_slice %arg2[%dma_start3A_778, %multiple_of3A_772] : memref<32x1000000xf32, #tpu.memory_space<hbm>> -> memref<32x128xf32, #tpu.memory_space<hbm>>
      %dma_start3A_780 = arith.constant 0 : i32
      %dma_start3A_781 = arith.constant 0 : i32
      %dma_start3A_782 = tpu.memref_slice %arg6[%dma_start3A_773, %dma_start3A_780, %dma_start3A_781] : memref<16x32x128xf32, #tpu.memory_space<vmem>> -> memref<1x32x128xf32, #tpu.memory_space<vmem>>
      %dma_start3A_783 = tpu.memref_squeeze %dma_start3A_782 : memref<1x32x128xf32, #tpu.memory_space<vmem>> -> memref<32x128xf32, #tpu.memory_space<vmem>>
      %dma_start3A_784 = arith.constant 0 : i32
      %dma_start3A_785 = tpu.memref_slice %arg2[%dma_start3A_784, %multiple_of3A_772] : memref<32x1000000xf32, #tpu.memory_space<hbm>> -> memref<32x128xf32, #tpu.memory_space<hbm>>
      tpu.enqueue_dma source(%dma_start3A_785 : memref<32x128xf32, #tpu.memory_space<hbm>>) target(%dma_start3A_783 : memref<32x128xf32, #tpu.memory_space<vmem>>) target_semaphore(%arg11 : memref<!tpu.dma_semaphore, #tpu.memory_space<semaphore_mem>>)
      %dma_wait3A_786 = arith.constant 4 : i32
      %dma_wait3A_787 = arith.constant 0 : i32
      %dma_wait3A_788 = arith.constant 0 : i32
      %dma_wait3A_789 = tpu.memref_slice %arg6[%dma_wait3A_786, %dma_wait3A_787, %dma_wait3A_788] : memref<16x32x128xf32, #tpu.memory_space<vmem>> -> memref<1x32x128xf32, #tpu.memory_space<vmem>>
      %dma_wait3A_790 = tpu.memref_squeeze %dma_wait3A_789 : memref<1x32x128xf32, #tpu.memory_space<vmem>> -> memref<32x128xf32, #tpu.memory_space<vmem>>
      %dma_wait3A_791 = arith.constant 0 : i32
      %dma_wait3A_792 = arith.constant 0 : i32
      %dma_wait3A_793 = tpu.memref_slice %arg2[%dma_wait3A_791, %dma_wait3A_792] : memref<32x1000000xf32, #tpu.memory_space<hbm>> -> memref<32x128xf32, #tpu.memory_space<hbm>>
      %dma_wait3A_794 = arith.constant 0 : i32
      %dma_wait3A_795 = arith.constant 0 : i32
      %dma_wait3A_796 = tpu.memref_slice %arg6[%dma_wait3A_786, %dma_wait3A_794, %dma_wait3A_795] : memref<16x32x128xf32, #tpu.memory_space<vmem>> -> memref<1x32x128xf32, #tpu.memory_space<vmem>>
      %dma_wait3A_797 = tpu.memref_squeeze %dma_wait3A_796 : memref<1x32x128xf32, #tpu.memory_space<vmem>> -> memref<32x128xf32, #tpu.memory_space<vmem>>
      %dma_wait3A_798 = arith.constant 0 : i32
      %dma_wait3A_799 = arith.constant 0 : i32
      %dma_wait3A_800 = tpu.memref_slice %arg2[%dma_wait3A_798, %dma_wait3A_799] : memref<32x1000000xf32, #tpu.memory_space<hbm>> -> memref<32x128xf32, #tpu.memory_space<hbm>>
      tpu.wait_dma2 semaphore(%arg12 : memref<!tpu.dma_semaphore, #tpu.memory_space<semaphore_mem>>) src(%dma_wait3A_800 : memref<32x128xf32, #tpu.memory_space<hbm>>) dst(%dma_wait3A_797 : memref<32x128xf32, #tpu.memory_space<vmem>>)
      %slice3A_801 = vector.extract_strided_slice %get3A_533 {offsets = [4], sizes = [1], strides = [1]} : vector<16xi32> to vector<1xi32>
      %squeeze3A_802 = vector.extract %slice3A_801[0] : i32 from vector<1xi32>
      %and3A_803 = arith.constant 127 : i32
      %and3A_804 = arith.andi %squeeze3A_802, %and3A_803 : i32
      %broadcast_in_dim3A_805 = vector.broadcast %and3A_804 : i32 to vector<16xi32>
      %mul3A_806 = arith.constant 16 : i32
      %mul3A_807 = arith.muli %scan3A_529, %mul3A_806 : i32
      %add3A_808 = arith.constant 4 : i32
      %add3A_809 = arith.addi %mul3A_807, %add3A_808 : i32
      %broadcast_in_dim3A_810 = vector.broadcast %add3A_809 : i32 to vector<16xi32>
      %gather3A_811 = arith.constant 4 : i32
      %gather3A_812 = arith.constant 0 : i32
      %gather3A_813 = arith.constant 0 : i32
      %gather3A_814 = tpu.memref_slice %arg6[%gather3A_811, %gather3A_812, %gather3A_813] : memref<16x32x128xf32, #tpu.memory_space<vmem>> -> memref<1x32x128xf32, #tpu.memory_space<vmem>>
      %gather3A_815 = tpu.memref_squeeze %gather3A_814 : memref<1x32x128xf32, #tpu.memory_space<vmem>> -> memref<32x128xf32, #tpu.memory_space<vmem>>
      %gather3A_816 = tpu.vector_load_idx %gather3A_815[%iota3A, %broadcast_in_dim3A_805] : memref<32x128xf32, #tpu.memory_space<vmem>>[vector<16xi32>, vector<16xi32>], vector<16xf32>,
      tpu.vector_store_idx %arg7[%iota3A, %broadcast_in_dim3A_810], %gather3A_816 : memref<32x512xf32, #tpu.memory_space<vmem>>[vector<16xi32>, vector<16xi32>], vector<16xf32>,
      %gather3A_817 = arith.constant 4 : i32
      %gather3A_818 = arith.constant 0 : i32
      %gather3A_819 = arith.constant 0 : i32
      %gather3A_820 = tpu.memref_slice %arg6[%gather3A_817, %gather3A_818, %gather3A_819] : memref<16x32x128xf32, #tpu.memory_space<vmem>> -> memref<1x32x128xf32, #tpu.memory_space<vmem>>
      %gather3A_821 = tpu.memref_squeeze %gather3A_820 : memref<1x32x128xf32, #tpu.memory_space<vmem>> -> memref<32x128xf32, #tpu.memory_space<vmem>>
      %gather3A_822 = tpu.vector_load_idx %gather3A_821[%add3A_5, %broadcast_in_dim3A_805] : memref<32x128xf32, #tpu.memory_space<vmem>>[vector<16xi32>, vector<16xi32>], vector<16xf32>,
      tpu.vector_store_idx %arg7[%add3A_5, %broadcast_in_dim3A_810], %gather3A_822 : memref<32x512xf32, #tpu.memory_space<vmem>>[vector<16xi32>, vector<16xi32>], vector<16xf32>,
      %slice3A_823 = vector.extract_strided_slice %get3A_540 {offsets = [4], sizes = [1], strides = [1]} : vector<16xi32> to vector<1xi32>
      %squeeze3A_824 = vector.extract %slice3A_823[0] : i32 from vector<1xi32>
      %shift_right_arithmetic3A_825 = arith.constant 7 : i32
      %shift_right_arithmetic3A_826 = arith.shrsi %squeeze3A_824, %shift_right_arithmetic3A_825 : i32
      %shift_left3A_827 = arith.constant 7 : i32
      %shift_left3A_828 = arith.shli %shift_right_arithmetic3A_826, %shift_left3A_827 : i32
      %multiple_of3A_829 = tpu.assume_multiple %shift_left3A_828, 128 : i32
      %dma_start3A_830 = arith.constant 4 : i32
      %dma_start3A_831 = arith.constant 0 : i32
      %dma_start3A_832 = arith.constant 0 : i32
      %dma_start3A_833 = tpu.memref_slice %arg6[%dma_start3A_830, %dma_start3A_831, %dma_start3A_832] : memref<16x32x128xf32, #tpu.memory_space<vmem>> -> memref<1x32x128xf32, #tpu.memory_space<vmem>>
      %dma_start3A_834 = tpu.memref_squeeze %dma_start3A_833 : memref<1x32x128xf32, #tpu.memory_space<vmem>> -> memref<32x128xf32, #tpu.memory_space<vmem>>
      %dma_start3A_835 = arith.constant 0 : i32
      %dma_start3A_836 = tpu.memref_slice %arg2[%dma_start3A_835, %multiple_of3A_829] : memref<32x1000000xf32, #tpu.memory_space<hbm>> -> memref<32x128xf32, #tpu.memory_space<hbm>>
      %dma_start3A_837 = arith.constant 0 : i32
      %dma_start3A_838 = arith.constant 0 : i32
      %dma_start3A_839 = tpu.memref_slice %arg6[%dma_start3A_830, %dma_start3A_837, %dma_start3A_838] : memref<16x32x128xf32, #tpu.memory_space<vmem>> -> memref<1x32x128xf32, #tpu.memory_space<vmem>>
      %dma_start3A_840 = tpu.memref_squeeze %dma_start3A_839 : memref<1x32x128xf32, #tpu.memory_space<vmem>> -> memref<32x128xf32, #tpu.memory_space<vmem>>
      %dma_start3A_841 = arith.constant 0 : i32
      %dma_start3A_842 = tpu.memref_slice %arg2[%dma_start3A_841, %multiple_of3A_829] : memref<32x1000000xf32, #tpu.memory_space<hbm>> -> memref<32x128xf32, #tpu.memory_space<hbm>>
      tpu.enqueue_dma source(%dma_start3A_842 : memref<32x128xf32, #tpu.memory_space<hbm>>) target(%dma_start3A_840 : memref<32x128xf32, #tpu.memory_space<vmem>>) target_semaphore(%arg12 : memref<!tpu.dma_semaphore, #tpu.memory_space<semaphore_mem>>)
      %dma_wait3A_843 = arith.constant 5 : i32
      %dma_wait3A_844 = arith.constant 0 : i32
      %dma_wait3A_845 = arith.constant 0 : i32
      %dma_wait3A_846 = tpu.memref_slice %arg6[%dma_wait3A_843, %dma_wait3A_844, %dma_wait3A_845] : memref<16x32x128xf32, #tpu.memory_space<vmem>> -> memref<1x32x128xf32, #tpu.memory_space<vmem>>
      %dma_wait3A_847 = tpu.memref_squeeze %dma_wait3A_846 : memref<1x32x128xf32, #tpu.memory_space<vmem>> -> memref<32x128xf32, #tpu.memory_space<vmem>>
      %dma_wait3A_848 = arith.constant 0 : i32
      %dma_wait3A_849 = arith.constant 0 : i32
      %dma_wait3A_850 = tpu.memref_slice %arg2[%dma_wait3A_848, %dma_wait3A_849] : memref<32x1000000xf32, #tpu.memory_space<hbm>> -> memref<32x128xf32, #tpu.memory_space<hbm>>
      %dma_wait3A_851 = arith.constant 0 : i32
      %dma_wait3A_852 = arith.constant 0 : i32
      %dma_wait3A_853 = tpu.memref_slice %arg6[%dma_wait3A_843, %dma_wait3A_851, %dma_wait3A_852] : memref<16x32x128xf32, #tpu.memory_space<vmem>> -> memref<1x32x128xf32, #tpu.memory_space<vmem>>
      %dma_wait3A_854 = tpu.memref_squeeze %dma_wait3A_853 : memref<1x32x128xf32, #tpu.memory_space<vmem>> -> memref<32x128xf32, #tpu.memory_space<vmem>>
      %dma_wait3A_855 = arith.constant 0 : i32
      %dma_wait3A_856 = arith.constant 0 : i32
      %dma_wait3A_857 = tpu.memref_slice %arg2[%dma_wait3A_855, %dma_wait3A_856] : memref<32x1000000xf32, #tpu.memory_space<hbm>> -> memref<32x128xf32, #tpu.memory_space<hbm>>
      tpu.wait_dma2 semaphore(%arg13 : memref<!tpu.dma_semaphore, #tpu.memory_space<semaphore_mem>>) src(%dma_wait3A_857 : memref<32x128xf32, #tpu.memory_space<hbm>>) dst(%dma_wait3A_854 : memref<32x128xf32, #tpu.memory_space<vmem>>)
      %slice3A_858 = vector.extract_strided_slice %get3A_533 {offsets = [5], sizes = [1], strides = [1]} : vector<16xi32> to vector<1xi32>
      %squeeze3A_859 = vector.extract %slice3A_858[0] : i32 from vector<1xi32>
      %and3A_860 = arith.constant 127 : i32
      %and3A_861 = arith.andi %squeeze3A_859, %and3A_860 : i32
      %broadcast_in_dim3A_862 = vector.broadcast %and3A_861 : i32 to vector<16xi32>
      %mul3A_863 = arith.constant 16 : i32
      %mul3A_864 = arith.muli %scan3A_529, %mul3A_863 : i32
      %add3A_865 = arith.constant 5 : i32
      %add3A_866 = arith.addi %mul3A_864, %add3A_865 : i32
      %broadcast_in_dim3A_867 = vector.broadcast %add3A_866 : i32 to vector<16xi32>
      %gather3A_868 = arith.constant 5 : i32
      %gather3A_869 = arith.constant 0 : i32
      %gather3A_870 = arith.constant 0 : i32
      %gather3A_871 = tpu.memref_slice %arg6[%gather3A_868, %gather3A_869, %gather3A_870] : memref<16x32x128xf32, #tpu.memory_space<vmem>> -> memref<1x32x128xf32, #tpu.memory_space<vmem>>
      %gather3A_872 = tpu.memref_squeeze %gather3A_871 : memref<1x32x128xf32, #tpu.memory_space<vmem>> -> memref<32x128xf32, #tpu.memory_space<vmem>>
      %gather3A_873 = tpu.vector_load_idx %gather3A_872[%iota3A, %broadcast_in_dim3A_862] : memref<32x128xf32, #tpu.memory_space<vmem>>[vector<16xi32>, vector<16xi32>], vector<16xf32>,
      tpu.vector_store_idx %arg7[%iota3A, %broadcast_in_dim3A_867], %gather3A_873 : memref<32x512xf32, #tpu.memory_space<vmem>>[vector<16xi32>, vector<16xi32>], vector<16xf32>,
      %gather3A_874 = arith.constant 5 : i32
      %gather3A_875 = arith.constant 0 : i32
      %gather3A_876 = arith.constant 0 : i32
      %gather3A_877 = tpu.memref_slice %arg6[%gather3A_874, %gather3A_875, %gather3A_876] : memref<16x32x128xf32, #tpu.memory_space<vmem>> -> memref<1x32x128xf32, #tpu.memory_space<vmem>>
      %gather3A_878 = tpu.memref_squeeze %gather3A_877 : memref<1x32x128xf32, #tpu.memory_space<vmem>> -> memref<32x128xf32, #tpu.memory_space<vmem>>
      %gather3A_879 = tpu.vector_load_idx %gather3A_878[%add3A_5, %broadcast_in_dim3A_862] : memref<32x128xf32, #tpu.memory_space<vmem>>[vector<16xi32>, vector<16xi32>], vector<16xf32>,
      tpu.vector_store_idx %arg7[%add3A_5, %broadcast_in_dim3A_867], %gather3A_879 : memref<32x512xf32, #tpu.memory_space<vmem>>[vector<16xi32>, vector<16xi32>], vector<16xf32>,
      %slice3A_880 = vector.extract_strided_slice %get3A_540 {offsets = [5], sizes = [1], strides = [1]} : vector<16xi32> to vector<1xi32>
      %squeeze3A_881 = vector.extract %slice3A_880[0] : i32 from vector<1xi32>
      %shift_right_arithmetic3A_882 = arith.constant 7 : i32
      %shift_right_arithmetic3A_883 = arith.shrsi %squeeze3A_881, %shift_right_arithmetic3A_882 : i32
      %shift_left3A_884 = arith.constant 7 : i32
      %shift_left3A_885 = arith.shli %shift_right_arithmetic3A_883, %shift_left3A_884 : i32
      %multiple_of3A_886 = tpu.assume_multiple %shift_left3A_885, 128 : i32
      %dma_start3A_887 = arith.constant 5 : i32
      %dma_start3A_888 = arith.constant 0 : i32
      %dma_start3A_889 = arith.constant 0 : i32
      %dma_start3A_890 = tpu.memref_slice %arg6[%dma_start3A_887, %dma_start3A_888, %dma_start3A_889] : memref<16x32x128xf32, #tpu.memory_space<vmem>> -> memref<1x32x128xf32, #tpu.memory_space<vmem>>
      %dma_start3A_891 = tpu.memref_squeeze %dma_start3A_890 : memref<1x32x128xf32, #tpu.memory_space<vmem>> -> memref<32x128xf32, #tpu.memory_space<vmem>>
      %dma_start3A_892 = arith.constant 0 : i32
      %dma_start3A_893 = tpu.memref_slice %arg2[%dma_start3A_892, %multiple_of3A_886] : memref<32x1000000xf32, #tpu.memory_space<hbm>> -> memref<32x128xf32, #tpu.memory_space<hbm>>
      %dma_start3A_894 = arith.constant 0 : i32
      %dma_start3A_895 = arith.constant 0 : i32
      %dma_start3A_896 = tpu.memref_slice %arg6[%dma_start3A_887, %dma_start3A_894, %dma_start3A_895] : memref<16x32x128xf32, #tpu.memory_space<vmem>> -> memref<1x32x128xf32, #tpu.memory_space<vmem>>
      %dma_start3A_897 = tpu.memref_squeeze %dma_start3A_896 : memref<1x32x128xf32, #tpu.memory_space<vmem>> -> memref<32x128xf32, #tpu.memory_space<vmem>>
      %dma_start3A_898 = arith.constant 0 : i32
      %dma_start3A_899 = tpu.memref_slice %arg2[%dma_start3A_898, %multiple_of3A_886] : memref<32x1000000xf32, #tpu.memory_space<hbm>> -> memref<32x128xf32, #tpu.memory_space<hbm>>
      tpu.enqueue_dma source(%dma_start3A_899 : memref<32x128xf32, #tpu.memory_space<hbm>>) target(%dma_start3A_897 : memref<32x128xf32, #tpu.memory_space<vmem>>) target_semaphore(%arg13 : memref<!tpu.dma_semaphore, #tpu.memory_space<semaphore_mem>>)
      %dma_wait3A_900 = arith.constant 6 : i32
      %dma_wait3A_901 = arith.constant 0 : i32
      %dma_wait3A_902 = arith.constant 0 : i32
      %dma_wait3A_903 = tpu.memref_slice %arg6[%dma_wait3A_900, %dma_wait3A_901, %dma_wait3A_902] : memref<16x32x128xf32, #tpu.memory_space<vmem>> -> memref<1x32x128xf32, #tpu.memory_space<vmem>>
      %dma_wait3A_904 = tpu.memref_squeeze %dma_wait3A_903 : memref<1x32x128xf32, #tpu.memory_space<vmem>> -> memref<32x128xf32, #tpu.memory_space<vmem>>
      %dma_wait3A_905 = arith.constant 0 : i32
      %dma_wait3A_906 = arith.constant 0 : i32
      %dma_wait3A_907 = tpu.memref_slice %arg2[%dma_wait3A_905, %dma_wait3A_906] : memref<32x1000000xf32, #tpu.memory_space<hbm>> -> memref<32x128xf32, #tpu.memory_space<hbm>>
      %dma_wait3A_908 = arith.constant 0 : i32
      %dma_wait3A_909 = arith.constant 0 : i32
      %dma_wait3A_910 = tpu.memref_slice %arg6[%dma_wait3A_900, %dma_wait3A_908, %dma_wait3A_909] : memref<16x32x128xf32, #tpu.memory_space<vmem>> -> memref<1x32x128xf32, #tpu.memory_space<vmem>>
      %dma_wait3A_911 = tpu.memref_squeeze %dma_wait3A_910 : memref<1x32x128xf32, #tpu.memory_space<vmem>> -> memref<32x128xf32, #tpu.memory_space<vmem>>
      %dma_wait3A_912 = arith.constant 0 : i32
      %dma_wait3A_913 = arith.constant 0 : i32
      %dma_wait3A_914 = tpu.memref_slice %arg2[%dma_wait3A_912, %dma_wait3A_913] : memref<32x1000000xf32, #tpu.memory_space<hbm>> -> memref<32x128xf32, #tpu.memory_space<hbm>>
      tpu.wait_dma2 semaphore(%arg14 : memref<!tpu.dma_semaphore, #tpu.memory_space<semaphore_mem>>) src(%dma_wait3A_914 : memref<32x128xf32, #tpu.memory_space<hbm>>) dst(%dma_wait3A_911 : memref<32x128xf32, #tpu.memory_space<vmem>>)
      %slice3A_915 = vector.extract_strided_slice %get3A_533 {offsets = [6], sizes = [1], strides = [1]} : vector<16xi32> to vector<1xi32>
      %squeeze3A_916 = vector.extract %slice3A_915[0] : i32 from vector<1xi32>
      %and3A_917 = arith.constant 127 : i32
      %and3A_918 = arith.andi %squeeze3A_916, %and3A_917 : i32
      %broadcast_in_dim3A_919 = vector.broadcast %and3A_918 : i32 to vector<16xi32>
      %mul3A_920 = arith.constant 16 : i32
      %mul3A_921 = arith.muli %scan3A_529, %mul3A_920 : i32
      %add3A_922 = arith.constant 6 : i32
      %add3A_923 = arith.addi %mul3A_921, %add3A_922 : i32
      %broadcast_in_dim3A_924 = vector.broadcast %add3A_923 : i32 to vector<16xi32>
      %gather3A_925 = arith.constant 6 : i32
      %gather3A_926 = arith.constant 0 : i32
      %gather3A_927 = arith.constant 0 : i32
      %gather3A_928 = tpu.memref_slice %arg6[%gather3A_925, %gather3A_926, %gather3A_927] : memref<16x32x128xf32, #tpu.memory_space<vmem>> -> memref<1x32x128xf32, #tpu.memory_space<vmem>>
      %gather3A_929 = tpu.memref_squeeze %gather3A_928 : memref<1x32x128xf32, #tpu.memory_space<vmem>> -> memref<32x128xf32, #tpu.memory_space<vmem>>
      %gather3A_930 = tpu.vector_load_idx %gather3A_929[%iota3A, %broadcast_in_dim3A_919] : memref<32x128xf32, #tpu.memory_space<vmem>>[vector<16xi32>, vector<16xi32>], vector<16xf32>,
      tpu.vector_store_idx %arg7[%iota3A, %broadcast_in_dim3A_924], %gather3A_930 : memref<32x512xf32, #tpu.memory_space<vmem>>[vector<16xi32>, vector<16xi32>], vector<16xf32>,
      %gather3A_931 = arith.constant 6 : i32
      %gather3A_932 = arith.constant 0 : i32
      %gather3A_933 = arith.constant 0 : i32
      %gather3A_934 = tpu.memref_slice %arg6[%gather3A_931, %gather3A_932, %gather3A_933] : memref<16x32x128xf32, #tpu.memory_space<vmem>> -> memref<1x32x128xf32, #tpu.memory_space<vmem>>
      %gather3A_935 = tpu.memref_squeeze %gather3A_934 : memref<1x32x128xf32, #tpu.memory_space<vmem>> -> memref<32x128xf32, #tpu.memory_space<vmem>>
      %gather3A_936 = tpu.vector_load_idx %gather3A_935[%add3A_5, %broadcast_in_dim3A_919] : memref<32x128xf32, #tpu.memory_space<vmem>>[vector<16xi32>, vector<16xi32>], vector<16xf32>,
      tpu.vector_store_idx %arg7[%add3A_5, %broadcast_in_dim3A_924], %gather3A_936 : memref<32x512xf32, #tpu.memory_space<vmem>>[vector<16xi32>, vector<16xi32>], vector<16xf32>,
      %slice3A_937 = vector.extract_strided_slice %get3A_540 {offsets = [6], sizes = [1], strides = [1]} : vector<16xi32> to vector<1xi32>
      %squeeze3A_938 = vector.extract %slice3A_937[0] : i32 from vector<1xi32>
      %shift_right_arithmetic3A_939 = arith.constant 7 : i32
      %shift_right_arithmetic3A_940 = arith.shrsi %squeeze3A_938, %shift_right_arithmetic3A_939 : i32
      %shift_left3A_941 = arith.constant 7 : i32
      %shift_left3A_942 = arith.shli %shift_right_arithmetic3A_940, %shift_left3A_941 : i32
      %multiple_of3A_943 = tpu.assume_multiple %shift_left3A_942, 128 : i32
      %dma_start3A_944 = arith.constant 6 : i32
      %dma_start3A_945 = arith.constant 0 : i32
      %dma_start3A_946 = arith.constant 0 : i32
      %dma_start3A_947 = tpu.memref_slice %arg6[%dma_start3A_944, %dma_start3A_945, %dma_start3A_946] : memref<16x32x128xf32, #tpu.memory_space<vmem>> -> memref<1x32x128xf32, #tpu.memory_space<vmem>>
      %dma_start3A_948 = tpu.memref_squeeze %dma_start3A_947 : memref<1x32x128xf32, #tpu.memory_space<vmem>> -> memref<32x128xf32, #tpu.memory_space<vmem>>
      %dma_start3A_949 = arith.constant 0 : i32
      %dma_start3A_950 = tpu.memref_slice %arg2[%dma_start3A_949, %multiple_of3A_943] : memref<32x1000000xf32, #tpu.memory_space<hbm>> -> memref<32x128xf32, #tpu.memory_space<hbm>>
      %dma_start3A_951 = arith.constant 0 : i32
      %dma_start3A_952 = arith.constant 0 : i32
      %dma_start3A_953 = tpu.memref_slice %arg6[%dma_start3A_944, %dma_start3A_951, %dma_start3A_952] : memref<16x32x128xf32, #tpu.memory_space<vmem>> -> memref<1x32x128xf32, #tpu.memory_space<vmem>>
      %dma_start3A_954 = tpu.memref_squeeze %dma_start3A_953 : memref<1x32x128xf32, #tpu.memory_space<vmem>> -> memref<32x128xf32, #tpu.memory_space<vmem>>
      %dma_start3A_955 = arith.constant 0 : i32
      %dma_start3A_956 = tpu.memref_slice %arg2[%dma_start3A_955, %multiple_of3A_943] : memref<32x1000000xf32, #tpu.memory_space<hbm>> -> memref<32x128xf32, #tpu.memory_space<hbm>>
      tpu.enqueue_dma source(%dma_start3A_956 : memref<32x128xf32, #tpu.memory_space<hbm>>) target(%dma_start3A_954 : memref<32x128xf32, #tpu.memory_space<vmem>>) target_semaphore(%arg14 : memref<!tpu.dma_semaphore, #tpu.memory_space<semaphore_mem>>)
      %dma_wait3A_957 = arith.constant 7 : i32
      %dma_wait3A_958 = arith.constant 0 : i32
      %dma_wait3A_959 = arith.constant 0 : i32
      %dma_wait3A_960 = tpu.memref_slice %arg6[%dma_wait3A_957, %dma_wait3A_958, %dma_wait3A_959] : memref<16x32x128xf32, #tpu.memory_space<vmem>> -> memref<1x32x128xf32, #tpu.memory_space<vmem>>
      %dma_wait3A_961 = tpu.memref_squeeze %dma_wait3A_960 : memref<1x32x128xf32, #tpu.memory_space<vmem>> -> memref<32x128xf32, #tpu.memory_space<vmem>>
      %dma_wait3A_962 = arith.constant 0 : i32
      %dma_wait3A_963 = arith.constant 0 : i32
      %dma_wait3A_964 = tpu.memref_slice %arg2[%dma_wait3A_962, %dma_wait3A_963] : memref<32x1000000xf32, #tpu.memory_space<hbm>> -> memref<32x128xf32, #tpu.memory_space<hbm>>
      %dma_wait3A_965 = arith.constant 0 : i32
      %dma_wait3A_966 = arith.constant 0 : i32
      %dma_wait3A_967 = tpu.memref_slice %arg6[%dma_wait3A_957, %dma_wait3A_965, %dma_wait3A_966] : memref<16x32x128xf32, #tpu.memory_space<vmem>> -> memref<1x32x128xf32, #tpu.memory_space<vmem>>
      %dma_wait3A_968 = tpu.memref_squeeze %dma_wait3A_967 : memref<1x32x128xf32, #tpu.memory_space<vmem>> -> memref<32x128xf32, #tpu.memory_space<vmem>>
      %dma_wait3A_969 = arith.constant 0 : i32
      %dma_wait3A_970 = arith.constant 0 : i32
      %dma_wait3A_971 = tpu.memref_slice %arg2[%dma_wait3A_969, %dma_wait3A_970] : memref<32x1000000xf32, #tpu.memory_space<hbm>> -> memref<32x128xf32, #tpu.memory_space<hbm>>
      tpu.wait_dma2 semaphore(%arg15 : memref<!tpu.dma_semaphore, #tpu.memory_space<semaphore_mem>>) src(%dma_wait3A_971 : memref<32x128xf32, #tpu.memory_space<hbm>>) dst(%dma_wait3A_968 : memref<32x128xf32, #tpu.memory_space<vmem>>)
      %slice3A_972 = vector.extract_strided_slice %get3A_533 {offsets = [7], sizes = [1], strides = [1]} : vector<16xi32> to vector<1xi32>
      %squeeze3A_973 = vector.extract %slice3A_972[0] : i32 from vector<1xi32>
      %and3A_974 = arith.constant 127 : i32
      %and3A_975 = arith.andi %squeeze3A_973, %and3A_974 : i32
      %broadcast_in_dim3A_976 = vector.broadcast %and3A_975 : i32 to vector<16xi32>
      %mul3A_977 = arith.constant 16 : i32
      %mul3A_978 = arith.muli %scan3A_529, %mul3A_977 : i32
      %add3A_979 = arith.constant 7 : i32
      %add3A_980 = arith.addi %mul3A_978, %add3A_979 : i32
      %broadcast_in_dim3A_981 = vector.broadcast %add3A_980 : i32 to vector<16xi32>
      %gather3A_982 = arith.constant 7 : i32
      %gather3A_983 = arith.constant 0 : i32
      %gather3A_984 = arith.constant 0 : i32
      %gather3A_985 = tpu.memref_slice %arg6[%gather3A_982, %gather3A_983, %gather3A_984] : memref<16x32x128xf32, #tpu.memory_space<vmem>> -> memref<1x32x128xf32, #tpu.memory_space<vmem>>
      %gather3A_986 = tpu.memref_squeeze %gather3A_985 : memref<1x32x128xf32, #tpu.memory_space<vmem>> -> memref<32x128xf32, #tpu.memory_space<vmem>>
      %gather3A_987 = tpu.vector_load_idx %gather3A_986[%iota3A, %broadcast_in_dim3A_976] : memref<32x128xf32, #tpu.memory_space<vmem>>[vector<16xi32>, vector<16xi32>], vector<16xf32>,
      tpu.vector_store_idx %arg7[%iota3A, %broadcast_in_dim3A_981], %gather3A_987 : memref<32x512xf32, #tpu.memory_space<vmem>>[vector<16xi32>, vector<16xi32>], vector<16xf32>,
      %gather3A_988 = arith.constant 7 : i32
      %gather3A_989 = arith.constant 0 : i32
      %gather3A_990 = arith.constant 0 : i32
      %gather3A_991 = tpu.memref_slice %arg6[%gather3A_988, %gather3A_989, %gather3A_990] : memref<16x32x128xf32, #tpu.memory_space<vmem>> -> memref<1x32x128xf32, #tpu.memory_space<vmem>>
      %gather3A_992 = tpu.memref_squeeze %gather3A_991 : memref<1x32x128xf32, #tpu.memory_space<vmem>> -> memref<32x128xf32, #tpu.memory_space<vmem>>
      %gather3A_993 = tpu.vector_load_idx %gather3A_992[%add3A_5, %broadcast_in_dim3A_976] : memref<32x128xf32, #tpu.memory_space<vmem>>[vector<16xi32>, vector<16xi32>], vector<16xf32>,
      tpu.vector_store_idx %arg7[%add3A_5, %broadcast_in_dim3A_981], %gather3A_993 : memref<32x512xf32, #tpu.memory_space<vmem>>[vector<16xi32>, vector<16xi32>], vector<16xf32>,
      %slice3A_994 = vector.extract_strided_slice %get3A_540 {offsets = [7], sizes = [1], strides = [1]} : vector<16xi32> to vector<1xi32>
      %squeeze3A_995 = vector.extract %slice3A_994[0] : i32 from vector<1xi32>
      %shift_right_arithmetic3A_996 = arith.constant 7 : i32
      %shift_right_arithmetic3A_997 = arith.shrsi %squeeze3A_995, %shift_right_arithmetic3A_996 : i32
      %shift_left3A_998 = arith.constant 7 : i32
      %shift_left3A_999 = arith.shli %shift_right_arithmetic3A_997, %shift_left3A_998 : i32
      %multiple_of3A_1000 = tpu.assume_multiple %shift_left3A_999, 128 : i32
      %dma_start3A_1001 = arith.constant 7 : i32
      %dma_start3A_1002 = arith.constant 0 : i32
      %dma_start3A_1003 = arith.constant 0 : i32
      %dma_start3A_1004 = tpu.memref_slice %arg6[%dma_start3A_1001, %dma_start3A_1002, %dma_start3A_1003] : memref<16x32x128xf32, #tpu.memory_space<vmem>> -> memref<1x32x128xf32, #tpu.memory_space<vmem>>
      %dma_start3A_1005 = tpu.memref_squeeze %dma_start3A_1004 : memref<1x32x128xf32, #tpu.memory_space<vmem>> -> memref<32x128xf32, #tpu.memory_space<vmem>>
      %dma_start3A_1006 = arith.constant 0 : i32
      %dma_start3A_1007 = tpu.memref_slice %arg2[%dma_start3A_1006, %multiple_of3A_1000] : memref<32x1000000xf32, #tpu.memory_space<hbm>> -> memref<32x128xf32, #tpu.memory_space<hbm>>
      %dma_start3A_1008 = arith.constant 0 : i32
      %dma_start3A_1009 = arith.constant 0 : i32
      %dma_start3A_1010 = tpu.memref_slice %arg6[%dma_start3A_1001, %dma_start3A_1008, %dma_start3A_1009] : memref<16x32x128xf32, #tpu.memory_space<vmem>> -> memref<1x32x128xf32, #tpu.memory_space<vmem>>
      %dma_start3A_1011 = tpu.memref_squeeze %dma_start3A_1010 : memref<1x32x128xf32, #tpu.memory_space<vmem>> -> memref<32x128xf32, #tpu.memory_space<vmem>>
      %dma_start3A_1012 = arith.constant 0 : i32
      %dma_start3A_1013 = tpu.memref_slice %arg2[%dma_start3A_1012, %multiple_of3A_1000] : memref<32x1000000xf32, #tpu.memory_space<hbm>> -> memref<32x128xf32, #tpu.memory_space<hbm>>
      tpu.enqueue_dma source(%dma_start3A_1013 : memref<32x128xf32, #tpu.memory_space<hbm>>) target(%dma_start3A_1011 : memref<32x128xf32, #tpu.memory_space<vmem>>) target_semaphore(%arg15 : memref<!tpu.dma_semaphore, #tpu.memory_space<semaphore_mem>>)
      %dma_wait3A_1014 = arith.constant 8 : i32
      %dma_wait3A_1015 = arith.constant 0 : i32
      %dma_wait3A_1016 = arith.constant 0 : i32
      %dma_wait3A_1017 = tpu.memref_slice %arg6[%dma_wait3A_1014, %dma_wait3A_1015, %dma_wait3A_1016] : memref<16x32x128xf32, #tpu.memory_space<vmem>> -> memref<1x32x128xf32, #tpu.memory_space<vmem>>
      %dma_wait3A_1018 = tpu.memref_squeeze %dma_wait3A_1017 : memref<1x32x128xf32, #tpu.memory_space<vmem>> -> memref<32x128xf32, #tpu.memory_space<vmem>>
      %dma_wait3A_1019 = arith.constant 0 : i32
      %dma_wait3A_1020 = arith.constant 0 : i32
      %dma_wait3A_1021 = tpu.memref_slice %arg2[%dma_wait3A_1019, %dma_wait3A_1020] : memref<32x1000000xf32, #tpu.memory_space<hbm>> -> memref<32x128xf32, #tpu.memory_space<hbm>>
      %dma_wait3A_1022 = arith.constant 0 : i32
      %dma_wait3A_1023 = arith.constant 0 : i32
      %dma_wait3A_1024 = tpu.memref_slice %arg6[%dma_wait3A_1014, %dma_wait3A_1022, %dma_wait3A_1023] : memref<16x32x128xf32, #tpu.memory_space<vmem>> -> memref<1x32x128xf32, #tpu.memory_space<vmem>>
      %dma_wait3A_1025 = tpu.memref_squeeze %dma_wait3A_1024 : memref<1x32x128xf32, #tpu.memory_space<vmem>> -> memref<32x128xf32, #tpu.memory_space<vmem>>
      %dma_wait3A_1026 = arith.constant 0 : i32
      %dma_wait3A_1027 = arith.constant 0 : i32
      %dma_wait3A_1028 = tpu.memref_slice %arg2[%dma_wait3A_1026, %dma_wait3A_1027] : memref<32x1000000xf32, #tpu.memory_space<hbm>> -> memref<32x128xf32, #tpu.memory_space<hbm>>
      tpu.wait_dma2 semaphore(%arg16 : memref<!tpu.dma_semaphore, #tpu.memory_space<semaphore_mem>>) src(%dma_wait3A_1028 : memref<32x128xf32, #tpu.memory_space<hbm>>) dst(%dma_wait3A_1025 : memref<32x128xf32, #tpu.memory_space<vmem>>)
      %slice3A_1029 = vector.extract_strided_slice %get3A_533 {offsets = [8], sizes = [1], strides = [1]} : vector<16xi32> to vector<1xi32>
      %squeeze3A_1030 = vector.extract %slice3A_1029[0] : i32 from vector<1xi32>
      %and3A_1031 = arith.constant 127 : i32
      %and3A_1032 = arith.andi %squeeze3A_1030, %and3A_1031 : i32
      %broadcast_in_dim3A_1033 = vector.broadcast %and3A_1032 : i32 to vector<16xi32>
      %mul3A_1034 = arith.constant 16 : i32
      %mul3A_1035 = arith.muli %scan3A_529, %mul3A_1034 : i32
      %add3A_1036 = arith.constant 8 : i32
      %add3A_1037 = arith.addi %mul3A_1035, %add3A_1036 : i32
      %broadcast_in_dim3A_1038 = vector.broadcast %add3A_1037 : i32 to vector<16xi32>
      %gather3A_1039 = arith.constant 8 : i32
      %gather3A_1040 = arith.constant 0 : i32
      %gather3A_1041 = arith.constant 0 : i32
      %gather3A_1042 = tpu.memref_slice %arg6[%gather3A_1039, %gather3A_1040, %gather3A_1041] : memref<16x32x128xf32, #tpu.memory_space<vmem>> -> memref<1x32x128xf32, #tpu.memory_space<vmem>>
      %gather3A_1043 = tpu.memref_squeeze %gather3A_1042 : memref<1x32x128xf32, #tpu.memory_space<vmem>> -> memref<32x128xf32, #tpu.memory_space<vmem>>
      %gather3A_1044 = tpu.vector_load_idx %gather3A_1043[%iota3A, %broadcast_in_dim3A_1033] : memref<32x128xf32, #tpu.memory_space<vmem>>[vector<16xi32>, vector<16xi32>], vector<16xf32>,
      tpu.vector_store_idx %arg7[%iota3A, %broadcast_in_dim3A_1038], %gather3A_1044 : memref<32x512xf32, #tpu.memory_space<vmem>>[vector<16xi32>, vector<16xi32>], vector<16xf32>,
      %gather3A_1045 = arith.constant 8 : i32
      %gather3A_1046 = arith.constant 0 : i32
      %gather3A_1047 = arith.constant 0 : i32
      %gather3A_1048 = tpu.memref_slice %arg6[%gather3A_1045, %gather3A_1046, %gather3A_1047] : memref<16x32x128xf32, #tpu.memory_space<vmem>> -> memref<1x32x128xf32, #tpu.memory_space<vmem>>
      %gather3A_1049 = tpu.memref_squeeze %gather3A_1048 : memref<1x32x128xf32, #tpu.memory_space<vmem>> -> memref<32x128xf32, #tpu.memory_space<vmem>>
      %gather3A_1050 = tpu.vector_load_idx %gather3A_1049[%add3A_5, %broadcast_in_dim3A_1033] : memref<32x128xf32, #tpu.memory_space<vmem>>[vector<16xi32>, vector<16xi32>], vector<16xf32>,
      tpu.vector_store_idx %arg7[%add3A_5, %broadcast_in_dim3A_1038], %gather3A_1050 : memref<32x512xf32, #tpu.memory_space<vmem>>[vector<16xi32>, vector<16xi32>], vector<16xf32>,
      %slice3A_1051 = vector.extract_strided_slice %get3A_540 {offsets = [8], sizes = [1], strides = [1]} : vector<16xi32> to vector<1xi32>
      %squeeze3A_1052 = vector.extract %slice3A_1051[0] : i32 from vector<1xi32>
      %shift_right_arithmetic3A_1053 = arith.constant 7 : i32
      %shift_right_arithmetic3A_1054 = arith.shrsi %squeeze3A_1052, %shift_right_arithmetic3A_1053 : i32
      %shift_left3A_1055 = arith.constant 7 : i32
      %shift_left3A_1056 = arith.shli %shift_right_arithmetic3A_1054, %shift_left3A_1055 : i32
      %multiple_of3A_1057 = tpu.assume_multiple %shift_left3A_1056, 128 : i32
      %dma_start3A_1058 = arith.constant 8 : i32
      %dma_start3A_1059 = arith.constant 0 : i32
      %dma_start3A_1060 = arith.constant 0 : i32
      %dma_start3A_1061 = tpu.memref_slice %arg6[%dma_start3A_1058, %dma_start3A_1059, %dma_start3A_1060] : memref<16x32x128xf32, #tpu.memory_space<vmem>> -> memref<1x32x128xf32, #tpu.memory_space<vmem>>
      %dma_start3A_1062 = tpu.memref_squeeze %dma_start3A_1061 : memref<1x32x128xf32, #tpu.memory_space<vmem>> -> memref<32x128xf32, #tpu.memory_space<vmem>>
      %dma_start3A_1063 = arith.constant 0 : i32
      %dma_start3A_1064 = tpu.memref_slice %arg2[%dma_start3A_1063, %multiple_of3A_1057] : memref<32x1000000xf32, #tpu.memory_space<hbm>> -> memref<32x128xf32, #tpu.memory_space<hbm>>
      %dma_start3A_1065 = arith.constant 0 : i32
      %dma_start3A_1066 = arith.constant 0 : i32
      %dma_start3A_1067 = tpu.memref_slice %arg6[%dma_start3A_1058, %dma_start3A_1065, %dma_start3A_1066] : memref<16x32x128xf32, #tpu.memory_space<vmem>> -> memref<1x32x128xf32, #tpu.memory_space<vmem>>
      %dma_start3A_1068 = tpu.memref_squeeze %dma_start3A_1067 : memref<1x32x128xf32, #tpu.memory_space<vmem>> -> memref<32x128xf32, #tpu.memory_space<vmem>>
      %dma_start3A_1069 = arith.constant 0 : i32
      %dma_start3A_1070 = tpu.memref_slice %arg2[%dma_start3A_1069, %multiple_of3A_1057] : memref<32x1000000xf32, #tpu.memory_space<hbm>> -> memref<32x128xf32, #tpu.memory_space<hbm>>
      tpu.enqueue_dma source(%dma_start3A_1070 : memref<32x128xf32, #tpu.memory_space<hbm>>) target(%dma_start3A_1068 : memref<32x128xf32, #tpu.memory_space<vmem>>) target_semaphore(%arg16 : memref<!tpu.dma_semaphore, #tpu.memory_space<semaphore_mem>>)
      %dma_wait3A_1071 = arith.constant 9 : i32
      %dma_wait3A_1072 = arith.constant 0 : i32
      %dma_wait3A_1073 = arith.constant 0 : i32
      %dma_wait3A_1074 = tpu.memref_slice %arg6[%dma_wait3A_1071, %dma_wait3A_1072, %dma_wait3A_1073] : memref<16x32x128xf32, #tpu.memory_space<vmem>> -> memref<1x32x128xf32, #tpu.memory_space<vmem>>
      %dma_wait3A_1075 = tpu.memref_squeeze %dma_wait3A_1074 : memref<1x32x128xf32, #tpu.memory_space<vmem>> -> memref<32x128xf32, #tpu.memory_space<vmem>>
      %dma_wait3A_1076 = arith.constant 0 : i32
      %dma_wait3A_1077 = arith.constant 0 : i32
      %dma_wait3A_1078 = tpu.memref_slice %arg2[%dma_wait3A_1076, %dma_wait3A_1077] : memref<32x1000000xf32, #tpu.memory_space<hbm>> -> memref<32x128xf32, #tpu.memory_space<hbm>>
      %dma_wait3A_1079 = arith.constant 0 : i32
      %dma_wait3A_1080 = arith.constant 0 : i32
      %dma_wait3A_1081 = tpu.memref_slice %arg6[%dma_wait3A_1071, %dma_wait3A_1079, %dma_wait3A_1080] : memref<16x32x128xf32, #tpu.memory_space<vmem>> -> memref<1x32x128xf32, #tpu.memory_space<vmem>>
      %dma_wait3A_1082 = tpu.memref_squeeze %dma_wait3A_1081 : memref<1x32x128xf32, #tpu.memory_space<vmem>> -> memref<32x128xf32, #tpu.memory_space<vmem>>
      %dma_wait3A_1083 = arith.constant 0 : i32
      %dma_wait3A_1084 = arith.constant 0 : i32
      %dma_wait3A_1085 = tpu.memref_slice %arg2[%dma_wait3A_1083, %dma_wait3A_1084] : memref<32x1000000xf32, #tpu.memory_space<hbm>> -> memref<32x128xf32, #tpu.memory_space<hbm>>
      tpu.wait_dma2 semaphore(%arg17 : memref<!tpu.dma_semaphore, #tpu.memory_space<semaphore_mem>>) src(%dma_wait3A_1085 : memref<32x128xf32, #tpu.memory_space<hbm>>) dst(%dma_wait3A_1082 : memref<32x128xf32, #tpu.memory_space<vmem>>)
      %slice3A_1086 = vector.extract_strided_slice %get3A_533 {offsets = [9], sizes = [1], strides = [1]} : vector<16xi32> to vector<1xi32>
      %squeeze3A_1087 = vector.extract %slice3A_1086[0] : i32 from vector<1xi32>
      %and3A_1088 = arith.constant 127 : i32
      %and3A_1089 = arith.andi %squeeze3A_1087, %and3A_1088 : i32
      %broadcast_in_dim3A_1090 = vector.broadcast %and3A_1089 : i32 to vector<16xi32>
      %mul3A_1091 = arith.constant 16 : i32
      %mul3A_1092 = arith.muli %scan3A_529, %mul3A_1091 : i32
      %add3A_1093 = arith.constant 9 : i32
      %add3A_1094 = arith.addi %mul3A_1092, %add3A_1093 : i32
      %broadcast_in_dim3A_1095 = vector.broadcast %add3A_1094 : i32 to vector<16xi32>
      %gather3A_1096 = arith.constant 9 : i32
      %gather3A_1097 = arith.constant 0 : i32
      %gather3A_1098 = arith.constant 0 : i32
      %gather3A_1099 = tpu.memref_slice %arg6[%gather3A_1096, %gather3A_1097, %gather3A_1098] : memref<16x32x128xf32, #tpu.memory_space<vmem>> -> memref<1x32x128xf32, #tpu.memory_space<vmem>>
      %gather3A_1100 = tpu.memref_squeeze %gather3A_1099 : memref<1x32x128xf32, #tpu.memory_space<vmem>> -> memref<32x128xf32, #tpu.memory_space<vmem>>
      %gather3A_1101 = tpu.vector_load_idx %gather3A_1100[%iota3A, %broadcast_in_dim3A_1090] : memref<32x128xf32, #tpu.memory_space<vmem>>[vector<16xi32>, vector<16xi32>], vector<16xf32>,
      tpu.vector_store_idx %arg7[%iota3A, %broadcast_in_dim3A_1095], %gather3A_1101 : memref<32x512xf32, #tpu.memory_space<vmem>>[vector<16xi32>, vector<16xi32>], vector<16xf32>,
      %gather3A_1102 = arith.constant 9 : i32
      %gather3A_1103 = arith.constant 0 : i32
      %gather3A_1104 = arith.constant 0 : i32
      %gather3A_1105 = tpu.memref_slice %arg6[%gather3A_1102, %gather3A_1103, %gather3A_1104] : memref<16x32x128xf32, #tpu.memory_space<vmem>> -> memref<1x32x128xf32, #tpu.memory_space<vmem>>
      %gather3A_1106 = tpu.memref_squeeze %gather3A_1105 : memref<1x32x128xf32, #tpu.memory_space<vmem>> -> memref<32x128xf32, #tpu.memory_space<vmem>>
      %gather3A_1107 = tpu.vector_load_idx %gather3A_1106[%add3A_5, %broadcast_in_dim3A_1090] : memref<32x128xf32, #tpu.memory_space<vmem>>[vector<16xi32>, vector<16xi32>], vector<16xf32>,
      tpu.vector_store_idx %arg7[%add3A_5, %broadcast_in_dim3A_1095], %gather3A_1107 : memref<32x512xf32, #tpu.memory_space<vmem>>[vector<16xi32>, vector<16xi32>], vector<16xf32>,
      %slice3A_1108 = vector.extract_strided_slice %get3A_540 {offsets = [9], sizes = [1], strides = [1]} : vector<16xi32> to vector<1xi32>
      %squeeze3A_1109 = vector.extract %slice3A_1108[0] : i32 from vector<1xi32>
      %shift_right_arithmetic3A_1110 = arith.constant 7 : i32
      %shift_right_arithmetic3A_1111 = arith.shrsi %squeeze3A_1109, %shift_right_arithmetic3A_1110 : i32
      %shift_left3A_1112 = arith.constant 7 : i32
      %shift_left3A_1113 = arith.shli %shift_right_arithmetic3A_1111, %shift_left3A_1112 : i32
      %multiple_of3A_1114 = tpu.assume_multiple %shift_left3A_1113, 128 : i32
      %dma_start3A_1115 = arith.constant 9 : i32
      %dma_start3A_1116 = arith.constant 0 : i32
      %dma_start3A_1117 = arith.constant 0 : i32
      %dma_start3A_1118 = tpu.memref_slice %arg6[%dma_start3A_1115, %dma_start3A_1116, %dma_start3A_1117] : memref<16x32x128xf32, #tpu.memory_space<vmem>> -> memref<1x32x128xf32, #tpu.memory_space<vmem>>
      %dma_start3A_1119 = tpu.memref_squeeze %dma_start3A_1118 : memref<1x32x128xf32, #tpu.memory_space<vmem>> -> memref<32x128xf32, #tpu.memory_space<vmem>>
      %dma_start3A_1120 = arith.constant 0 : i32
      %dma_start3A_1121 = tpu.memref_slice %arg2[%dma_start3A_1120, %multiple_of3A_1114] : memref<32x1000000xf32, #tpu.memory_space<hbm>> -> memref<32x128xf32, #tpu.memory_space<hbm>>
      %dma_start3A_1122 = arith.constant 0 : i32
      %dma_start3A_1123 = arith.constant 0 : i32
      %dma_start3A_1124 = tpu.memref_slice %arg6[%dma_start3A_1115, %dma_start3A_1122, %dma_start3A_1123] : memref<16x32x128xf32, #tpu.memory_space<vmem>> -> memref<1x32x128xf32, #tpu.memory_space<vmem>>
      %dma_start3A_1125 = tpu.memref_squeeze %dma_start3A_1124 : memref<1x32x128xf32, #tpu.memory_space<vmem>> -> memref<32x128xf32, #tpu.memory_space<vmem>>
      %dma_start3A_1126 = arith.constant 0 : i32
      %dma_start3A_1127 = tpu.memref_slice %arg2[%dma_start3A_1126, %multiple_of3A_1114] : memref<32x1000000xf32, #tpu.memory_space<hbm>> -> memref<32x128xf32, #tpu.memory_space<hbm>>
      tpu.enqueue_dma source(%dma_start3A_1127 : memref<32x128xf32, #tpu.memory_space<hbm>>) target(%dma_start3A_1125 : memref<32x128xf32, #tpu.memory_space<vmem>>) target_semaphore(%arg17 : memref<!tpu.dma_semaphore, #tpu.memory_space<semaphore_mem>>)
      %dma_wait3A_1128 = arith.constant 10 : i32
      %dma_wait3A_1129 = arith.constant 0 : i32
      %dma_wait3A_1130 = arith.constant 0 : i32
      %dma_wait3A_1131 = tpu.memref_slice %arg6[%dma_wait3A_1128, %dma_wait3A_1129, %dma_wait3A_1130] : memref<16x32x128xf32, #tpu.memory_space<vmem>> -> memref<1x32x128xf32, #tpu.memory_space<vmem>>
      %dma_wait3A_1132 = tpu.memref_squeeze %dma_wait3A_1131 : memref<1x32x128xf32, #tpu.memory_space<vmem>> -> memref<32x128xf32, #tpu.memory_space<vmem>>
      %dma_wait3A_1133 = arith.constant 0 : i32
      %dma_wait3A_1134 = arith.constant 0 : i32
      %dma_wait3A_1135 = tpu.memref_slice %arg2[%dma_wait3A_1133, %dma_wait3A_1134] : memref<32x1000000xf32, #tpu.memory_space<hbm>> -> memref<32x128xf32, #tpu.memory_space<hbm>>
      %dma_wait3A_1136 = arith.constant 0 : i32
      %dma_wait3A_1137 = arith.constant 0 : i32
      %dma_wait3A_1138 = tpu.memref_slice %arg6[%dma_wait3A_1128, %dma_wait3A_1136, %dma_wait3A_1137] : memref<16x32x128xf32, #tpu.memory_space<vmem>> -> memref<1x32x128xf32, #tpu.memory_space<vmem>>
      %dma_wait3A_1139 = tpu.memref_squeeze %dma_wait3A_1138 : memref<1x32x128xf32, #tpu.memory_space<vmem>> -> memref<32x128xf32, #tpu.memory_space<vmem>>
      %dma_wait3A_1140 = arith.constant 0 : i32
      %dma_wait3A_1141 = arith.constant 0 : i32
      %dma_wait3A_1142 = tpu.memref_slice %arg2[%dma_wait3A_1140, %dma_wait3A_1141] : memref<32x1000000xf32, #tpu.memory_space<hbm>> -> memref<32x128xf32, #tpu.memory_space<hbm>>
      tpu.wait_dma2 semaphore(%arg18 : memref<!tpu.dma_semaphore, #tpu.memory_space<semaphore_mem>>) src(%dma_wait3A_1142 : memref<32x128xf32, #tpu.memory_space<hbm>>) dst(%dma_wait3A_1139 : memref<32x128xf32, #tpu.memory_space<vmem>>)
      %slice3A_1143 = vector.extract_strided_slice %get3A_533 {offsets = [10], sizes = [1], strides = [1]} : vector<16xi32> to vector<1xi32>
      %squeeze3A_1144 = vector.extract %slice3A_1143[0] : i32 from vector<1xi32>
      %and3A_1145 = arith.constant 127 : i32
      %and3A_1146 = arith.andi %squeeze3A_1144, %and3A_1145 : i32
      %broadcast_in_dim3A_1147 = vector.broadcast %and3A_1146 : i32 to vector<16xi32>
      %mul3A_1148 = arith.constant 16 : i32
      %mul3A_1149 = arith.muli %scan3A_529, %mul3A_1148 : i32
      %add3A_1150 = arith.constant 10 : i32
      %add3A_1151 = arith.addi %mul3A_1149, %add3A_1150 : i32
      %broadcast_in_dim3A_1152 = vector.broadcast %add3A_1151 : i32 to vector<16xi32>
      %gather3A_1153 = arith.constant 10 : i32
      %gather3A_1154 = arith.constant 0 : i32
      %gather3A_1155 = arith.constant 0 : i32
      %gather3A_1156 = tpu.memref_slice %arg6[%gather3A_1153, %gather3A_1154, %gather3A_1155] : memref<16x32x128xf32, #tpu.memory_space<vmem>> -> memref<1x32x128xf32, #tpu.memory_space<vmem>>
      %gather3A_1157 = tpu.memref_squeeze %gather3A_1156 : memref<1x32x128xf32, #tpu.memory_space<vmem>> -> memref<32x128xf32, #tpu.memory_space<vmem>>
      %gather3A_1158 = tpu.vector_load_idx %gather3A_1157[%iota3A, %broadcast_in_dim3A_1147] : memref<32x128xf32, #tpu.memory_space<vmem>>[vector<16xi32>, vector<16xi32>], vector<16xf32>,
      tpu.vector_store_idx %arg7[%iota3A, %broadcast_in_dim3A_1152], %gather3A_1158 : memref<32x512xf32, #tpu.memory_space<vmem>>[vector<16xi32>, vector<16xi32>], vector<16xf32>,
      %gather3A_1159 = arith.constant 10 : i32
      %gather3A_1160 = arith.constant 0 : i32
      %gather3A_1161 = arith.constant 0 : i32
      %gather3A_1162 = tpu.memref_slice %arg6[%gather3A_1159, %gather3A_1160, %gather3A_1161] : memref<16x32x128xf32, #tpu.memory_space<vmem>> -> memref<1x32x128xf32, #tpu.memory_space<vmem>>
      %gather3A_1163 = tpu.memref_squeeze %gather3A_1162 : memref<1x32x128xf32, #tpu.memory_space<vmem>> -> memref<32x128xf32, #tpu.memory_space<vmem>>
      %gather3A_1164 = tpu.vector_load_idx %gather3A_1163[%add3A_5, %broadcast_in_dim3A_1147] : memref<32x128xf32, #tpu.memory_space<vmem>>[vector<16xi32>, vector<16xi32>], vector<16xf32>,
      tpu.vector_store_idx %arg7[%add3A_5, %broadcast_in_dim3A_1152], %gather3A_1164 : memref<32x512xf32, #tpu.memory_space<vmem>>[vector<16xi32>, vector<16xi32>], vector<16xf32>,
      %slice3A_1165 = vector.extract_strided_slice %get3A_540 {offsets = [10], sizes = [1], strides = [1]} : vector<16xi32> to vector<1xi32>
      %squeeze3A_1166 = vector.extract %slice3A_1165[0] : i32 from vector<1xi32>
      %shift_right_arithmetic3A_1167 = arith.constant 7 : i32
      %shift_right_arithmetic3A_1168 = arith.shrsi %squeeze3A_1166, %shift_right_arithmetic3A_1167 : i32
      %shift_left3A_1169 = arith.constant 7 : i32
      %shift_left3A_1170 = arith.shli %shift_right_arithmetic3A_1168, %shift_left3A_1169 : i32
      %multiple_of3A_1171 = tpu.assume_multiple %shift_left3A_1170, 128 : i32
      %dma_start3A_1172 = arith.constant 10 : i32
      %dma_start3A_1173 = arith.constant 0 : i32
      %dma_start3A_1174 = arith.constant 0 : i32
      %dma_start3A_1175 = tpu.memref_slice %arg6[%dma_start3A_1172, %dma_start3A_1173, %dma_start3A_1174] : memref<16x32x128xf32, #tpu.memory_space<vmem>> -> memref<1x32x128xf32, #tpu.memory_space<vmem>>
      %dma_start3A_1176 = tpu.memref_squeeze %dma_start3A_1175 : memref<1x32x128xf32, #tpu.memory_space<vmem>> -> memref<32x128xf32, #tpu.memory_space<vmem>>
      %dma_start3A_1177 = arith.constant 0 : i32
      %dma_start3A_1178 = tpu.memref_slice %arg2[%dma_start3A_1177, %multiple_of3A_1171] : memref<32x1000000xf32, #tpu.memory_space<hbm>> -> memref<32x128xf32, #tpu.memory_space<hbm>>
      %dma_start3A_1179 = arith.constant 0 : i32
      %dma_start3A_1180 = arith.constant 0 : i32
      %dma_start3A_1181 = tpu.memref_slice %arg6[%dma_start3A_1172, %dma_start3A_1179, %dma_start3A_1180] : memref<16x32x128xf32, #tpu.memory_space<vmem>> -> memref<1x32x128xf32, #tpu.memory_space<vmem>>
      %dma_start3A_1182 = tpu.memref_squeeze %dma_start3A_1181 : memref<1x32x128xf32, #tpu.memory_space<vmem>> -> memref<32x128xf32, #tpu.memory_space<vmem>>
      %dma_start3A_1183 = arith.constant 0 : i32
      %dma_start3A_1184 = tpu.memref_slice %arg2[%dma_start3A_1183, %multiple_of3A_1171] : memref<32x1000000xf32, #tpu.memory_space<hbm>> -> memref<32x128xf32, #tpu.memory_space<hbm>>
      tpu.enqueue_dma source(%dma_start3A_1184 : memref<32x128xf32, #tpu.memory_space<hbm>>) target(%dma_start3A_1182 : memref<32x128xf32, #tpu.memory_space<vmem>>) target_semaphore(%arg18 : memref<!tpu.dma_semaphore, #tpu.memory_space<semaphore_mem>>)
      %dma_wait3A_1185 = arith.constant 11 : i32
      %dma_wait3A_1186 = arith.constant 0 : i32
      %dma_wait3A_1187 = arith.constant 0 : i32
      %dma_wait3A_1188 = tpu.memref_slice %arg6[%dma_wait3A_1185, %dma_wait3A_1186, %dma_wait3A_1187] : memref<16x32x128xf32, #tpu.memory_space<vmem>> -> memref<1x32x128xf32, #tpu.memory_space<vmem>>
      %dma_wait3A_1189 = tpu.memref_squeeze %dma_wait3A_1188 : memref<1x32x128xf32, #tpu.memory_space<vmem>> -> memref<32x128xf32, #tpu.memory_space<vmem>>
      %dma_wait3A_1190 = arith.constant 0 : i32
      %dma_wait3A_1191 = arith.constant 0 : i32
      %dma_wait3A_1192 = tpu.memref_slice %arg2[%dma_wait3A_1190, %dma_wait3A_1191] : memref<32x1000000xf32, #tpu.memory_space<hbm>> -> memref<32x128xf32, #tpu.memory_space<hbm>>
      %dma_wait3A_1193 = arith.constant 0 : i32
      %dma_wait3A_1194 = arith.constant 0 : i32
      %dma_wait3A_1195 = tpu.memref_slice %arg6[%dma_wait3A_1185, %dma_wait3A_1193, %dma_wait3A_1194] : memref<16x32x128xf32, #tpu.memory_space<vmem>> -> memref<1x32x128xf32, #tpu.memory_space<vmem>>
      %dma_wait3A_1196 = tpu.memref_squeeze %dma_wait3A_1195 : memref<1x32x128xf32, #tpu.memory_space<vmem>> -> memref<32x128xf32, #tpu.memory_space<vmem>>
      %dma_wait3A_1197 = arith.constant 0 : i32
      %dma_wait3A_1198 = arith.constant 0 : i32
      %dma_wait3A_1199 = tpu.memref_slice %arg2[%dma_wait3A_1197, %dma_wait3A_1198] : memref<32x1000000xf32, #tpu.memory_space<hbm>> -> memref<32x128xf32, #tpu.memory_space<hbm>>
      tpu.wait_dma2 semaphore(%arg19 : memref<!tpu.dma_semaphore, #tpu.memory_space<semaphore_mem>>) src(%dma_wait3A_1199 : memref<32x128xf32, #tpu.memory_space<hbm>>) dst(%dma_wait3A_1196 : memref<32x128xf32, #tpu.memory_space<vmem>>)
      %slice3A_1200 = vector.extract_strided_slice %get3A_533 {offsets = [11], sizes = [1], strides = [1]} : vector<16xi32> to vector<1xi32>
      %squeeze3A_1201 = vector.extract %slice3A_1200[0] : i32 from vector<1xi32>
      %and3A_1202 = arith.constant 127 : i32
      %and3A_1203 = arith.andi %squeeze3A_1201, %and3A_1202 : i32
      %broadcast_in_dim3A_1204 = vector.broadcast %and3A_1203 : i32 to vector<16xi32>
      %mul3A_1205 = arith.constant 16 : i32
      %mul3A_1206 = arith.muli %scan3A_529, %mul3A_1205 : i32
      %add3A_1207 = arith.constant 11 : i32
      %add3A_1208 = arith.addi %mul3A_1206, %add3A_1207 : i32
      %broadcast_in_dim3A_1209 = vector.broadcast %add3A_1208 : i32 to vector<16xi32>
      %gather3A_1210 = arith.constant 11 : i32
      %gather3A_1211 = arith.constant 0 : i32
      %gather3A_1212 = arith.constant 0 : i32
      %gather3A_1213 = tpu.memref_slice %arg6[%gather3A_1210, %gather3A_1211, %gather3A_1212] : memref<16x32x128xf32, #tpu.memory_space<vmem>> -> memref<1x32x128xf32, #tpu.memory_space<vmem>>
      %gather3A_1214 = tpu.memref_squeeze %gather3A_1213 : memref<1x32x128xf32, #tpu.memory_space<vmem>> -> memref<32x128xf32, #tpu.memory_space<vmem>>
      %gather3A_1215 = tpu.vector_load_idx %gather3A_1214[%iota3A, %broadcast_in_dim3A_1204] : memref<32x128xf32, #tpu.memory_space<vmem>>[vector<16xi32>, vector<16xi32>], vector<16xf32>,
      tpu.vector_store_idx %arg7[%iota3A, %broadcast_in_dim3A_1209], %gather3A_1215 : memref<32x512xf32, #tpu.memory_space<vmem>>[vector<16xi32>, vector<16xi32>], vector<16xf32>,
      %gather3A_1216 = arith.constant 11 : i32
      %gather3A_1217 = arith.constant 0 : i32
      %gather3A_1218 = arith.constant 0 : i32
      %gather3A_1219 = tpu.memref_slice %arg6[%gather3A_1216, %gather3A_1217, %gather3A_1218] : memref<16x32x128xf32, #tpu.memory_space<vmem>> -> memref<1x32x128xf32, #tpu.memory_space<vmem>>
      %gather3A_1220 = tpu.memref_squeeze %gather3A_1219 : memref<1x32x128xf32, #tpu.memory_space<vmem>> -> memref<32x128xf32, #tpu.memory_space<vmem>>
      %gather3A_1221 = tpu.vector_load_idx %gather3A_1220[%add3A_5, %broadcast_in_dim3A_1204] : memref<32x128xf32, #tpu.memory_space<vmem>>[vector<16xi32>, vector<16xi32>], vector<16xf32>,
      tpu.vector_store_idx %arg7[%add3A_5, %broadcast_in_dim3A_1209], %gather3A_1221 : memref<32x512xf32, #tpu.memory_space<vmem>>[vector<16xi32>, vector<16xi32>], vector<16xf32>,
      %slice3A_1222 = vector.extract_strided_slice %get3A_540 {offsets = [11], sizes = [1], strides = [1]} : vector<16xi32> to vector<1xi32>
      %squeeze3A_1223 = vector.extract %slice3A_1222[0] : i32 from vector<1xi32>
      %shift_right_arithmetic3A_1224 = arith.constant 7 : i32
      %shift_right_arithmetic3A_1225 = arith.shrsi %squeeze3A_1223, %shift_right_arithmetic3A_1224 : i32
      %shift_left3A_1226 = arith.constant 7 : i32
      %shift_left3A_1227 = arith.shli %shift_right_arithmetic3A_1225, %shift_left3A_1226 : i32
      %multiple_of3A_1228 = tpu.assume_multiple %shift_left3A_1227, 128 : i32
      %dma_start3A_1229 = arith.constant 11 : i32
      %dma_start3A_1230 = arith.constant 0 : i32
      %dma_start3A_1231 = arith.constant 0 : i32
      %dma_start3A_1232 = tpu.memref_slice %arg6[%dma_start3A_1229, %dma_start3A_1230, %dma_start3A_1231] : memref<16x32x128xf32, #tpu.memory_space<vmem>> -> memref<1x32x128xf32, #tpu.memory_space<vmem>>
      %dma_start3A_1233 = tpu.memref_squeeze %dma_start3A_1232 : memref<1x32x128xf32, #tpu.memory_space<vmem>> -> memref<32x128xf32, #tpu.memory_space<vmem>>
      %dma_start3A_1234 = arith.constant 0 : i32
      %dma_start3A_1235 = tpu.memref_slice %arg2[%dma_start3A_1234, %multiple_of3A_1228] : memref<32x1000000xf32, #tpu.memory_space<hbm>> -> memref<32x128xf32, #tpu.memory_space<hbm>>
      %dma_start3A_1236 = arith.constant 0 : i32
      %dma_start3A_1237 = arith.constant 0 : i32
      %dma_start3A_1238 = tpu.memref_slice %arg6[%dma_start3A_1229, %dma_start3A_1236, %dma_start3A_1237] : memref<16x32x128xf32, #tpu.memory_space<vmem>> -> memref<1x32x128xf32, #tpu.memory_space<vmem>>
      %dma_start3A_1239 = tpu.memref_squeeze %dma_start3A_1238 : memref<1x32x128xf32, #tpu.memory_space<vmem>> -> memref<32x128xf32, #tpu.memory_space<vmem>>
      %dma_start3A_1240 = arith.constant 0 : i32
      %dma_start3A_1241 = tpu.memref_slice %arg2[%dma_start3A_1240, %multiple_of3A_1228] : memref<32x1000000xf32, #tpu.memory_space<hbm>> -> memref<32x128xf32, #tpu.memory_space<hbm>>
      tpu.enqueue_dma source(%dma_start3A_1241 : memref<32x128xf32, #tpu.memory_space<hbm>>) target(%dma_start3A_1239 : memref<32x128xf32, #tpu.memory_space<vmem>>) target_semaphore(%arg19 : memref<!tpu.dma_semaphore, #tpu.memory_space<semaphore_mem>>)
      %dma_wait3A_1242 = arith.constant 12 : i32
      %dma_wait3A_1243 = arith.constant 0 : i32
      %dma_wait3A_1244 = arith.constant 0 : i32
      %dma_wait3A_1245 = tpu.memref_slice %arg6[%dma_wait3A_1242, %dma_wait3A_1243, %dma_wait3A_1244] : memref<16x32x128xf32, #tpu.memory_space<vmem>> -> memref<1x32x128xf32, #tpu.memory_space<vmem>>
      %dma_wait3A_1246 = tpu.memref_squeeze %dma_wait3A_1245 : memref<1x32x128xf32, #tpu.memory_space<vmem>> -> memref<32x128xf32, #tpu.memory_space<vmem>>
      %dma_wait3A_1247 = arith.constant 0 : i32
      %dma_wait3A_1248 = arith.constant 0 : i32
      %dma_wait3A_1249 = tpu.memref_slice %arg2[%dma_wait3A_1247, %dma_wait3A_1248] : memref<32x1000000xf32, #tpu.memory_space<hbm>> -> memref<32x128xf32, #tpu.memory_space<hbm>>
      %dma_wait3A_1250 = arith.constant 0 : i32
      %dma_wait3A_1251 = arith.constant 0 : i32
      %dma_wait3A_1252 = tpu.memref_slice %arg6[%dma_wait3A_1242, %dma_wait3A_1250, %dma_wait3A_1251] : memref<16x32x128xf32, #tpu.memory_space<vmem>> -> memref<1x32x128xf32, #tpu.memory_space<vmem>>
      %dma_wait3A_1253 = tpu.memref_squeeze %dma_wait3A_1252 : memref<1x32x128xf32, #tpu.memory_space<vmem>> -> memref<32x128xf32, #tpu.memory_space<vmem>>
      %dma_wait3A_1254 = arith.constant 0 : i32
      %dma_wait3A_1255 = arith.constant 0 : i32
      %dma_wait3A_1256 = tpu.memref_slice %arg2[%dma_wait3A_1254, %dma_wait3A_1255] : memref<32x1000000xf32, #tpu.memory_space<hbm>> -> memref<32x128xf32, #tpu.memory_space<hbm>>
      tpu.wait_dma2 semaphore(%arg20 : memref<!tpu.dma_semaphore, #tpu.memory_space<semaphore_mem>>) src(%dma_wait3A_1256 : memref<32x128xf32, #tpu.memory_space<hbm>>) dst(%dma_wait3A_1253 : memref<32x128xf32, #tpu.memory_space<vmem>>)
      %slice3A_1257 = vector.extract_strided_slice %get3A_533 {offsets = [12], sizes = [1], strides = [1]} : vector<16xi32> to vector<1xi32>
      %squeeze3A_1258 = vector.extract %slice3A_1257[0] : i32 from vector<1xi32>
      %and3A_1259 = arith.constant 127 : i32
      %and3A_1260 = arith.andi %squeeze3A_1258, %and3A_1259 : i32
      %broadcast_in_dim3A_1261 = vector.broadcast %and3A_1260 : i32 to vector<16xi32>
      %mul3A_1262 = arith.constant 16 : i32
      %mul3A_1263 = arith.muli %scan3A_529, %mul3A_1262 : i32
      %add3A_1264 = arith.constant 12 : i32
      %add3A_1265 = arith.addi %mul3A_1263, %add3A_1264 : i32
      %broadcast_in_dim3A_1266 = vector.broadcast %add3A_1265 : i32 to vector<16xi32>
      %gather3A_1267 = arith.constant 12 : i32
      %gather3A_1268 = arith.constant 0 : i32
      %gather3A_1269 = arith.constant 0 : i32
      %gather3A_1270 = tpu.memref_slice %arg6[%gather3A_1267, %gather3A_1268, %gather3A_1269] : memref<16x32x128xf32, #tpu.memory_space<vmem>> -> memref<1x32x128xf32, #tpu.memory_space<vmem>>
      %gather3A_1271 = tpu.memref_squeeze %gather3A_1270 : memref<1x32x128xf32, #tpu.memory_space<vmem>> -> memref<32x128xf32, #tpu.memory_space<vmem>>
      %gather3A_1272 = tpu.vector_load_idx %gather3A_1271[%iota3A, %broadcast_in_dim3A_1261] : memref<32x128xf32, #tpu.memory_space<vmem>>[vector<16xi32>, vector<16xi32>], vector<16xf32>,
      tpu.vector_store_idx %arg7[%iota3A, %broadcast_in_dim3A_1266], %gather3A_1272 : memref<32x512xf32, #tpu.memory_space<vmem>>[vector<16xi32>, vector<16xi32>], vector<16xf32>,
      %gather3A_1273 = arith.constant 12 : i32
      %gather3A_1274 = arith.constant 0 : i32
      %gather3A_1275 = arith.constant 0 : i32
      %gather3A_1276 = tpu.memref_slice %arg6[%gather3A_1273, %gather3A_1274, %gather3A_1275] : memref<16x32x128xf32, #tpu.memory_space<vmem>> -> memref<1x32x128xf32, #tpu.memory_space<vmem>>
      %gather3A_1277 = tpu.memref_squeeze %gather3A_1276 : memref<1x32x128xf32, #tpu.memory_space<vmem>> -> memref<32x128xf32, #tpu.memory_space<vmem>>
      %gather3A_1278 = tpu.vector_load_idx %gather3A_1277[%add3A_5, %broadcast_in_dim3A_1261] : memref<32x128xf32, #tpu.memory_space<vmem>>[vector<16xi32>, vector<16xi32>], vector<16xf32>,
      tpu.vector_store_idx %arg7[%add3A_5, %broadcast_in_dim3A_1266], %gather3A_1278 : memref<32x512xf32, #tpu.memory_space<vmem>>[vector<16xi32>, vector<16xi32>], vector<16xf32>,
      %slice3A_1279 = vector.extract_strided_slice %get3A_540 {offsets = [12], sizes = [1], strides = [1]} : vector<16xi32> to vector<1xi32>
      %squeeze3A_1280 = vector.extract %slice3A_1279[0] : i32 from vector<1xi32>
      %shift_right_arithmetic3A_1281 = arith.constant 7 : i32
      %shift_right_arithmetic3A_1282 = arith.shrsi %squeeze3A_1280, %shift_right_arithmetic3A_1281 : i32
      %shift_left3A_1283 = arith.constant 7 : i32
      %shift_left3A_1284 = arith.shli %shift_right_arithmetic3A_1282, %shift_left3A_1283 : i32
      %multiple_of3A_1285 = tpu.assume_multiple %shift_left3A_1284, 128 : i32
      %dma_start3A_1286 = arith.constant 12 : i32
      %dma_start3A_1287 = arith.constant 0 : i32
      %dma_start3A_1288 = arith.constant 0 : i32
      %dma_start3A_1289 = tpu.memref_slice %arg6[%dma_start3A_1286, %dma_start3A_1287, %dma_start3A_1288] : memref<16x32x128xf32, #tpu.memory_space<vmem>> -> memref<1x32x128xf32, #tpu.memory_space<vmem>>
      %dma_start3A_1290 = tpu.memref_squeeze %dma_start3A_1289 : memref<1x32x128xf32, #tpu.memory_space<vmem>> -> memref<32x128xf32, #tpu.memory_space<vmem>>
      %dma_start3A_1291 = arith.constant 0 : i32
      %dma_start3A_1292 = tpu.memref_slice %arg2[%dma_start3A_1291, %multiple_of3A_1285] : memref<32x1000000xf32, #tpu.memory_space<hbm>> -> memref<32x128xf32, #tpu.memory_space<hbm>>
      %dma_start3A_1293 = arith.constant 0 : i32
      %dma_start3A_1294 = arith.constant 0 : i32
      %dma_start3A_1295 = tpu.memref_slice %arg6[%dma_start3A_1286, %dma_start3A_1293, %dma_start3A_1294] : memref<16x32x128xf32, #tpu.memory_space<vmem>> -> memref<1x32x128xf32, #tpu.memory_space<vmem>>
      %dma_start3A_1296 = tpu.memref_squeeze %dma_start3A_1295 : memref<1x32x128xf32, #tpu.memory_space<vmem>> -> memref<32x128xf32, #tpu.memory_space<vmem>>
      %dma_start3A_1297 = arith.constant 0 : i32
      %dma_start3A_1298 = tpu.memref_slice %arg2[%dma_start3A_1297, %multiple_of3A_1285] : memref<32x1000000xf32, #tpu.memory_space<hbm>> -> memref<32x128xf32, #tpu.memory_space<hbm>>
      tpu.enqueue_dma source(%dma_start3A_1298 : memref<32x128xf32, #tpu.memory_space<hbm>>) target(%dma_start3A_1296 : memref<32x128xf32, #tpu.memory_space<vmem>>) target_semaphore(%arg20 : memref<!tpu.dma_semaphore, #tpu.memory_space<semaphore_mem>>)
      %dma_wait3A_1299 = arith.constant 13 : i32
      %dma_wait3A_1300 = arith.constant 0 : i32
      %dma_wait3A_1301 = arith.constant 0 : i32
      %dma_wait3A_1302 = tpu.memref_slice %arg6[%dma_wait3A_1299, %dma_wait3A_1300, %dma_wait3A_1301] : memref<16x32x128xf32, #tpu.memory_space<vmem>> -> memref<1x32x128xf32, #tpu.memory_space<vmem>>
      %dma_wait3A_1303 = tpu.memref_squeeze %dma_wait3A_1302 : memref<1x32x128xf32, #tpu.memory_space<vmem>> -> memref<32x128xf32, #tpu.memory_space<vmem>>
      %dma_wait3A_1304 = arith.constant 0 : i32
      %dma_wait3A_1305 = arith.constant 0 : i32
      %dma_wait3A_1306 = tpu.memref_slice %arg2[%dma_wait3A_1304, %dma_wait3A_1305] : memref<32x1000000xf32, #tpu.memory_space<hbm>> -> memref<32x128xf32, #tpu.memory_space<hbm>>
      %dma_wait3A_1307 = arith.constant 0 : i32
      %dma_wait3A_1308 = arith.constant 0 : i32
      %dma_wait3A_1309 = tpu.memref_slice %arg6[%dma_wait3A_1299, %dma_wait3A_1307, %dma_wait3A_1308] : memref<16x32x128xf32, #tpu.memory_space<vmem>> -> memref<1x32x128xf32, #tpu.memory_space<vmem>>
      %dma_wait3A_1310 = tpu.memref_squeeze %dma_wait3A_1309 : memref<1x32x128xf32, #tpu.memory_space<vmem>> -> memref<32x128xf32, #tpu.memory_space<vmem>>
      %dma_wait3A_1311 = arith.constant 0 : i32
      %dma_wait3A_1312 = arith.constant 0 : i32
      %dma_wait3A_1313 = tpu.memref_slice %arg2[%dma_wait3A_1311, %dma_wait3A_1312] : memref<32x1000000xf32, #tpu.memory_space<hbm>> -> memref<32x128xf32, #tpu.memory_space<hbm>>
      tpu.wait_dma2 semaphore(%arg21 : memref<!tpu.dma_semaphore, #tpu.memory_space<semaphore_mem>>) src(%dma_wait3A_1313 : memref<32x128xf32, #tpu.memory_space<hbm>>) dst(%dma_wait3A_1310 : memref<32x128xf32, #tpu.memory_space<vmem>>)
      %slice3A_1314 = vector.extract_strided_slice %get3A_533 {offsets = [13], sizes = [1], strides = [1]} : vector<16xi32> to vector<1xi32>
      %squeeze3A_1315 = vector.extract %slice3A_1314[0] : i32 from vector<1xi32>
      %and3A_1316 = arith.constant 127 : i32
      %and3A_1317 = arith.andi %squeeze3A_1315, %and3A_1316 : i32
      %broadcast_in_dim3A_1318 = vector.broadcast %and3A_1317 : i32 to vector<16xi32>
      %mul3A_1319 = arith.constant 16 : i32
      %mul3A_1320 = arith.muli %scan3A_529, %mul3A_1319 : i32
      %add3A_1321 = arith.constant 13 : i32
      %add3A_1322 = arith.addi %mul3A_1320, %add3A_1321 : i32
      %broadcast_in_dim3A_1323 = vector.broadcast %add3A_1322 : i32 to vector<16xi32>
      %gather3A_1324 = arith.constant 13 : i32
      %gather3A_1325 = arith.constant 0 : i32
      %gather3A_1326 = arith.constant 0 : i32
      %gather3A_1327 = tpu.memref_slice %arg6[%gather3A_1324, %gather3A_1325, %gather3A_1326] : memref<16x32x128xf32, #tpu.memory_space<vmem>> -> memref<1x32x128xf32, #tpu.memory_space<vmem>>
      %gather3A_1328 = tpu.memref_squeeze %gather3A_1327 : memref<1x32x128xf32, #tpu.memory_space<vmem>> -> memref<32x128xf32, #tpu.memory_space<vmem>>
      %gather3A_1329 = tpu.vector_load_idx %gather3A_1328[%iota3A, %broadcast_in_dim3A_1318] : memref<32x128xf32, #tpu.memory_space<vmem>>[vector<16xi32>, vector<16xi32>], vector<16xf32>,
      tpu.vector_store_idx %arg7[%iota3A, %broadcast_in_dim3A_1323], %gather3A_1329 : memref<32x512xf32, #tpu.memory_space<vmem>>[vector<16xi32>, vector<16xi32>], vector<16xf32>,
      %gather3A_1330 = arith.constant 13 : i32
      %gather3A_1331 = arith.constant 0 : i32
      %gather3A_1332 = arith.constant 0 : i32
      %gather3A_1333 = tpu.memref_slice %arg6[%gather3A_1330, %gather3A_1331, %gather3A_1332] : memref<16x32x128xf32, #tpu.memory_space<vmem>> -> memref<1x32x128xf32, #tpu.memory_space<vmem>>
      %gather3A_1334 = tpu.memref_squeeze %gather3A_1333 : memref<1x32x128xf32, #tpu.memory_space<vmem>> -> memref<32x128xf32, #tpu.memory_space<vmem>>
      %gather3A_1335 = tpu.vector_load_idx %gather3A_1334[%add3A_5, %broadcast_in_dim3A_1318] : memref<32x128xf32, #tpu.memory_space<vmem>>[vector<16xi32>, vector<16xi32>], vector<16xf32>,
      tpu.vector_store_idx %arg7[%add3A_5, %broadcast_in_dim3A_1323], %gather3A_1335 : memref<32x512xf32, #tpu.memory_space<vmem>>[vector<16xi32>, vector<16xi32>], vector<16xf32>,
      %slice3A_1336 = vector.extract_strided_slice %get3A_540 {offsets = [13], sizes = [1], strides = [1]} : vector<16xi32> to vector<1xi32>
      %squeeze3A_1337 = vector.extract %slice3A_1336[0] : i32 from vector<1xi32>
      %shift_right_arithmetic3A_1338 = arith.constant 7 : i32
      %shift_right_arithmetic3A_1339 = arith.shrsi %squeeze3A_1337, %shift_right_arithmetic3A_1338 : i32
      %shift_left3A_1340 = arith.constant 7 : i32
      %shift_left3A_1341 = arith.shli %shift_right_arithmetic3A_1339, %shift_left3A_1340 : i32
      %multiple_of3A_1342 = tpu.assume_multiple %shift_left3A_1341, 128 : i32
      %dma_start3A_1343 = arith.constant 13 : i32
      %dma_start3A_1344 = arith.constant 0 : i32
      %dma_start3A_1345 = arith.constant 0 : i32
      %dma_start3A_1346 = tpu.memref_slice %arg6[%dma_start3A_1343, %dma_start3A_1344, %dma_start3A_1345] : memref<16x32x128xf32, #tpu.memory_space<vmem>> -> memref<1x32x128xf32, #tpu.memory_space<vmem>>
      %dma_start3A_1347 = tpu.memref_squeeze %dma_start3A_1346 : memref<1x32x128xf32, #tpu.memory_space<vmem>> -> memref<32x128xf32, #tpu.memory_space<vmem>>
      %dma_start3A_1348 = arith.constant 0 : i32
      %dma_start3A_1349 = tpu.memref_slice %arg2[%dma_start3A_1348, %multiple_of3A_1342] : memref<32x1000000xf32, #tpu.memory_space<hbm>> -> memref<32x128xf32, #tpu.memory_space<hbm>>
      %dma_start3A_1350 = arith.constant 0 : i32
      %dma_start3A_1351 = arith.constant 0 : i32
      %dma_start3A_1352 = tpu.memref_slice %arg6[%dma_start3A_1343, %dma_start3A_1350, %dma_start3A_1351] : memref<16x32x128xf32, #tpu.memory_space<vmem>> -> memref<1x32x128xf32, #tpu.memory_space<vmem>>
      %dma_start3A_1353 = tpu.memref_squeeze %dma_start3A_1352 : memref<1x32x128xf32, #tpu.memory_space<vmem>> -> memref<32x128xf32, #tpu.memory_space<vmem>>
      %dma_start3A_1354 = arith.constant 0 : i32
      %dma_start3A_1355 = tpu.memref_slice %arg2[%dma_start3A_1354, %multiple_of3A_1342] : memref<32x1000000xf32, #tpu.memory_space<hbm>> -> memref<32x128xf32, #tpu.memory_space<hbm>>
      tpu.enqueue_dma source(%dma_start3A_1355 : memref<32x128xf32, #tpu.memory_space<hbm>>) target(%dma_start3A_1353 : memref<32x128xf32, #tpu.memory_space<vmem>>) target_semaphore(%arg21 : memref<!tpu.dma_semaphore, #tpu.memory_space<semaphore_mem>>)
      %dma_wait3A_1356 = arith.constant 14 : i32
      %dma_wait3A_1357 = arith.constant 0 : i32
      %dma_wait3A_1358 = arith.constant 0 : i32
      %dma_wait3A_1359 = tpu.memref_slice %arg6[%dma_wait3A_1356, %dma_wait3A_1357, %dma_wait3A_1358] : memref<16x32x128xf32, #tpu.memory_space<vmem>> -> memref<1x32x128xf32, #tpu.memory_space<vmem>>
      %dma_wait3A_1360 = tpu.memref_squeeze %dma_wait3A_1359 : memref<1x32x128xf32, #tpu.memory_space<vmem>> -> memref<32x128xf32, #tpu.memory_space<vmem>>
      %dma_wait3A_1361 = arith.constant 0 : i32
      %dma_wait3A_1362 = arith.constant 0 : i32
      %dma_wait3A_1363 = tpu.memref_slice %arg2[%dma_wait3A_1361, %dma_wait3A_1362] : memref<32x1000000xf32, #tpu.memory_space<hbm>> -> memref<32x128xf32, #tpu.memory_space<hbm>>
      %dma_wait3A_1364 = arith.constant 0 : i32
      %dma_wait3A_1365 = arith.constant 0 : i32
      %dma_wait3A_1366 = tpu.memref_slice %arg6[%dma_wait3A_1356, %dma_wait3A_1364, %dma_wait3A_1365] : memref<16x32x128xf32, #tpu.memory_space<vmem>> -> memref<1x32x128xf32, #tpu.memory_space<vmem>>
      %dma_wait3A_1367 = tpu.memref_squeeze %dma_wait3A_1366 : memref<1x32x128xf32, #tpu.memory_space<vmem>> -> memref<32x128xf32, #tpu.memory_space<vmem>>
      %dma_wait3A_1368 = arith.constant 0 : i32
      %dma_wait3A_1369 = arith.constant 0 : i32
      %dma_wait3A_1370 = tpu.memref_slice %arg2[%dma_wait3A_1368, %dma_wait3A_1369] : memref<32x1000000xf32, #tpu.memory_space<hbm>> -> memref<32x128xf32, #tpu.memory_space<hbm>>
      tpu.wait_dma2 semaphore(%arg22 : memref<!tpu.dma_semaphore, #tpu.memory_space<semaphore_mem>>) src(%dma_wait3A_1370 : memref<32x128xf32, #tpu.memory_space<hbm>>) dst(%dma_wait3A_1367 : memref<32x128xf32, #tpu.memory_space<vmem>>)
      %slice3A_1371 = vector.extract_strided_slice %get3A_533 {offsets = [14], sizes = [1], strides = [1]} : vector<16xi32> to vector<1xi32>
      %squeeze3A_1372 = vector.extract %slice3A_1371[0] : i32 from vector<1xi32>
      %and3A_1373 = arith.constant 127 : i32
      %and3A_1374 = arith.andi %squeeze3A_1372, %and3A_1373 : i32
      %broadcast_in_dim3A_1375 = vector.broadcast %and3A_1374 : i32 to vector<16xi32>
      %mul3A_1376 = arith.constant 16 : i32
      %mul3A_1377 = arith.muli %scan3A_529, %mul3A_1376 : i32
      %add3A_1378 = arith.constant 14 : i32
      %add3A_1379 = arith.addi %mul3A_1377, %add3A_1378 : i32
      %broadcast_in_dim3A_1380 = vector.broadcast %add3A_1379 : i32 to vector<16xi32>
      %gather3A_1381 = arith.constant 14 : i32
      %gather3A_1382 = arith.constant 0 : i32
      %gather3A_1383 = arith.constant 0 : i32
      %gather3A_1384 = tpu.memref_slice %arg6[%gather3A_1381, %gather3A_1382, %gather3A_1383] : memref<16x32x128xf32, #tpu.memory_space<vmem>> -> memref<1x32x128xf32, #tpu.memory_space<vmem>>
      %gather3A_1385 = tpu.memref_squeeze %gather3A_1384 : memref<1x32x128xf32, #tpu.memory_space<vmem>> -> memref<32x128xf32, #tpu.memory_space<vmem>>
      %gather3A_1386 = tpu.vector_load_idx %gather3A_1385[%iota3A, %broadcast_in_dim3A_1375] : memref<32x128xf32, #tpu.memory_space<vmem>>[vector<16xi32>, vector<16xi32>], vector<16xf32>,
      tpu.vector_store_idx %arg7[%iota3A, %broadcast_in_dim3A_1380], %gather3A_1386 : memref<32x512xf32, #tpu.memory_space<vmem>>[vector<16xi32>, vector<16xi32>], vector<16xf32>,
      %gather3A_1387 = arith.constant 14 : i32
      %gather3A_1388 = arith.constant 0 : i32
      %gather3A_1389 = arith.constant 0 : i32
      %gather3A_1390 = tpu.memref_slice %arg6[%gather3A_1387, %gather3A_1388, %gather3A_1389] : memref<16x32x128xf32, #tpu.memory_space<vmem>> -> memref<1x32x128xf32, #tpu.memory_space<vmem>>
      %gather3A_1391 = tpu.memref_squeeze %gather3A_1390 : memref<1x32x128xf32, #tpu.memory_space<vmem>> -> memref<32x128xf32, #tpu.memory_space<vmem>>
      %gather3A_1392 = tpu.vector_load_idx %gather3A_1391[%add3A_5, %broadcast_in_dim3A_1375] : memref<32x128xf32, #tpu.memory_space<vmem>>[vector<16xi32>, vector<16xi32>], vector<16xf32>,
      tpu.vector_store_idx %arg7[%add3A_5, %broadcast_in_dim3A_1380], %gather3A_1392 : memref<32x512xf32, #tpu.memory_space<vmem>>[vector<16xi32>, vector<16xi32>], vector<16xf32>,
      %slice3A_1393 = vector.extract_strided_slice %get3A_540 {offsets = [14], sizes = [1], strides = [1]} : vector<16xi32> to vector<1xi32>
      %squeeze3A_1394 = vector.extract %slice3A_1393[0] : i32 from vector<1xi32>
      %shift_right_arithmetic3A_1395 = arith.constant 7 : i32
      %shift_right_arithmetic3A_1396 = arith.shrsi %squeeze3A_1394, %shift_right_arithmetic3A_1395 : i32
      %shift_left3A_1397 = arith.constant 7 : i32
      %shift_left3A_1398 = arith.shli %shift_right_arithmetic3A_1396, %shift_left3A_1397 : i32
      %multiple_of3A_1399 = tpu.assume_multiple %shift_left3A_1398, 128 : i32
      %dma_start3A_1400 = arith.constant 14 : i32
      %dma_start3A_1401 = arith.constant 0 : i32
      %dma_start3A_1402 = arith.constant 0 : i32
      %dma_start3A_1403 = tpu.memref_slice %arg6[%dma_start3A_1400, %dma_start3A_1401, %dma_start3A_1402] : memref<16x32x128xf32, #tpu.memory_space<vmem>> -> memref<1x32x128xf32, #tpu.memory_space<vmem>>
      %dma_start3A_1404 = tpu.memref_squeeze %dma_start3A_1403 : memref<1x32x128xf32, #tpu.memory_space<vmem>> -> memref<32x128xf32, #tpu.memory_space<vmem>>
      %dma_start3A_1405 = arith.constant 0 : i32
      %dma_start3A_1406 = tpu.memref_slice %arg2[%dma_start3A_1405, %multiple_of3A_1399] : memref<32x1000000xf32, #tpu.memory_space<hbm>> -> memref<32x128xf32, #tpu.memory_space<hbm>>
      %dma_start3A_1407 = arith.constant 0 : i32
      %dma_start3A_1408 = arith.constant 0 : i32
      %dma_start3A_1409 = tpu.memref_slice %arg6[%dma_start3A_1400, %dma_start3A_1407, %dma_start3A_1408] : memref<16x32x128xf32, #tpu.memory_space<vmem>> -> memref<1x32x128xf32, #tpu.memory_space<vmem>>
      %dma_start3A_1410 = tpu.memref_squeeze %dma_start3A_1409 : memref<1x32x128xf32, #tpu.memory_space<vmem>> -> memref<32x128xf32, #tpu.memory_space<vmem>>
      %dma_start3A_1411 = arith.constant 0 : i32
      %dma_start3A_1412 = tpu.memref_slice %arg2[%dma_start3A_1411, %multiple_of3A_1399] : memref<32x1000000xf32, #tpu.memory_space<hbm>> -> memref<32x128xf32, #tpu.memory_space<hbm>>
      tpu.enqueue_dma source(%dma_start3A_1412 : memref<32x128xf32, #tpu.memory_space<hbm>>) target(%dma_start3A_1410 : memref<32x128xf32, #tpu.memory_space<vmem>>) target_semaphore(%arg22 : memref<!tpu.dma_semaphore, #tpu.memory_space<semaphore_mem>>)
      %dma_wait3A_1413 = arith.constant 15 : i32
      %dma_wait3A_1414 = arith.constant 0 : i32
      %dma_wait3A_1415 = arith.constant 0 : i32
      %dma_wait3A_1416 = tpu.memref_slice %arg6[%dma_wait3A_1413, %dma_wait3A_1414, %dma_wait3A_1415] : memref<16x32x128xf32, #tpu.memory_space<vmem>> -> memref<1x32x128xf32, #tpu.memory_space<vmem>>
      %dma_wait3A_1417 = tpu.memref_squeeze %dma_wait3A_1416 : memref<1x32x128xf32, #tpu.memory_space<vmem>> -> memref<32x128xf32, #tpu.memory_space<vmem>>
      %dma_wait3A_1418 = arith.constant 0 : i32
      %dma_wait3A_1419 = arith.constant 0 : i32
      %dma_wait3A_1420 = tpu.memref_slice %arg2[%dma_wait3A_1418, %dma_wait3A_1419] : memref<32x1000000xf32, #tpu.memory_space<hbm>> -> memref<32x128xf32, #tpu.memory_space<hbm>>
      %dma_wait3A_1421 = arith.constant 0 : i32
      %dma_wait3A_1422 = arith.constant 0 : i32
      %dma_wait3A_1423 = tpu.memref_slice %arg6[%dma_wait3A_1413, %dma_wait3A_1421, %dma_wait3A_1422] : memref<16x32x128xf32, #tpu.memory_space<vmem>> -> memref<1x32x128xf32, #tpu.memory_space<vmem>>
      %dma_wait3A_1424 = tpu.memref_squeeze %dma_wait3A_1423 : memref<1x32x128xf32, #tpu.memory_space<vmem>> -> memref<32x128xf32, #tpu.memory_space<vmem>>
      %dma_wait3A_1425 = arith.constant 0 : i32
      %dma_wait3A_1426 = arith.constant 0 : i32
      %dma_wait3A_1427 = tpu.memref_slice %arg2[%dma_wait3A_1425, %dma_wait3A_1426] : memref<32x1000000xf32, #tpu.memory_space<hbm>> -> memref<32x128xf32, #tpu.memory_space<hbm>>
      tpu.wait_dma2 semaphore(%arg23 : memref<!tpu.dma_semaphore, #tpu.memory_space<semaphore_mem>>) src(%dma_wait3A_1427 : memref<32x128xf32, #tpu.memory_space<hbm>>) dst(%dma_wait3A_1424 : memref<32x128xf32, #tpu.memory_space<vmem>>)
      %slice3A_1428 = vector.extract_strided_slice %get3A_533 {offsets = [15], sizes = [1], strides = [1]} : vector<16xi32> to vector<1xi32>
      %squeeze3A_1429 = vector.extract %slice3A_1428[0] : i32 from vector<1xi32>
      %and3A_1430 = arith.constant 127 : i32
      %and3A_1431 = arith.andi %squeeze3A_1429, %and3A_1430 : i32
      %broadcast_in_dim3A_1432 = vector.broadcast %and3A_1431 : i32 to vector<16xi32>
      %mul3A_1433 = arith.constant 16 : i32
      %mul3A_1434 = arith.muli %scan3A_529, %mul3A_1433 : i32
      %add3A_1435 = arith.constant 15 : i32
      %add3A_1436 = arith.addi %mul3A_1434, %add3A_1435 : i32
      %broadcast_in_dim3A_1437 = vector.broadcast %add3A_1436 : i32 to vector<16xi32>
      %gather3A_1438 = arith.constant 15 : i32
      %gather3A_1439 = arith.constant 0 : i32
      %gather3A_1440 = arith.constant 0 : i32
      %gather3A_1441 = tpu.memref_slice %arg6[%gather3A_1438, %gather3A_1439, %gather3A_1440] : memref<16x32x128xf32, #tpu.memory_space<vmem>> -> memref<1x32x128xf32, #tpu.memory_space<vmem>>
      %gather3A_1442 = tpu.memref_squeeze %gather3A_1441 : memref<1x32x128xf32, #tpu.memory_space<vmem>> -> memref<32x128xf32, #tpu.memory_space<vmem>>
      %gather3A_1443 = tpu.vector_load_idx %gather3A_1442[%iota3A, %broadcast_in_dim3A_1432] : memref<32x128xf32, #tpu.memory_space<vmem>>[vector<16xi32>, vector<16xi32>], vector<16xf32>,
      tpu.vector_store_idx %arg7[%iota3A, %broadcast_in_dim3A_1437], %gather3A_1443 : memref<32x512xf32, #tpu.memory_space<vmem>>[vector<16xi32>, vector<16xi32>], vector<16xf32>,
      %gather3A_1444 = arith.constant 15 : i32
      %gather3A_1445 = arith.constant 0 : i32
      %gather3A_1446 = arith.constant 0 : i32
      %gather3A_1447 = tpu.memref_slice %arg6[%gather3A_1444, %gather3A_1445, %gather3A_1446] : memref<16x32x128xf32, #tpu.memory_space<vmem>> -> memref<1x32x128xf32, #tpu.memory_space<vmem>>
      %gather3A_1448 = tpu.memref_squeeze %gather3A_1447 : memref<1x32x128xf32, #tpu.memory_space<vmem>> -> memref<32x128xf32, #tpu.memory_space<vmem>>
      %gather3A_1449 = tpu.vector_load_idx %gather3A_1448[%add3A_5, %broadcast_in_dim3A_1432] : memref<32x128xf32, #tpu.memory_space<vmem>>[vector<16xi32>, vector<16xi32>], vector<16xf32>,
      tpu.vector_store_idx %arg7[%add3A_5, %broadcast_in_dim3A_1437], %gather3A_1449 : memref<32x512xf32, #tpu.memory_space<vmem>>[vector<16xi32>, vector<16xi32>], vector<16xf32>,
    }
    %scan3A_304 = arith.constant 32 : i32
    %dma_wait3A = arith.constant 0 : i32
    %dma_wait3A_305 = arith.constant 0 : i32
    %dma_wait3A_306 = arith.constant 0 : i32
    %dma_wait3A_307 = tpu.memref_slice %arg6[%dma_wait3A, %dma_wait3A_305, %dma_wait3A_306] : memref<16x32x128xf32, #tpu.memory_space<vmem>> -> memref<1x32x128xf32, #tpu.memory_space<vmem>>
    %dma_wait3A_308 = tpu.memref_squeeze %dma_wait3A_307 : memref<1x32x128xf32, #tpu.memory_space<vmem>> -> memref<32x128xf32, #tpu.memory_space<vmem>>
    %dma_wait3A_309 = arith.constant 0 : i32
    %dma_wait3A_310 = arith.constant 0 : i32
    %dma_wait3A_311 = tpu.memref_slice %arg2[%dma_wait3A_309, %dma_wait3A_310] : memref<32x1000000xf32, #tpu.memory_space<hbm>> -> memref<32x128xf32, #tpu.memory_space<hbm>>
    %dma_wait3A_312 = arith.constant 0 : i32
    %dma_wait3A_313 = arith.constant 0 : i32
    %dma_wait3A_314 = tpu.memref_slice %arg6[%dma_wait3A, %dma_wait3A_312, %dma_wait3A_313] : memref<16x32x128xf32, #tpu.memory_space<vmem>> -> memref<1x32x128xf32, #tpu.memory_space<vmem>>
    %dma_wait3A_315 = tpu.memref_squeeze %dma_wait3A_314 : memref<1x32x128xf32, #tpu.memory_space<vmem>> -> memref<32x128xf32, #tpu.memory_space<vmem>>
    %dma_wait3A_316 = arith.constant 0 : i32
    %dma_wait3A_317 = arith.constant 0 : i32
    %dma_wait3A_318 = tpu.memref_slice %arg2[%dma_wait3A_316, %dma_wait3A_317] : memref<32x1000000xf32, #tpu.memory_space<hbm>> -> memref<32x128xf32, #tpu.memory_space<hbm>>
    tpu.wait_dma2 semaphore(%arg8 : memref<!tpu.dma_semaphore, #tpu.memory_space<semaphore_mem>>) src(%dma_wait3A_318 : memref<32x128xf32, #tpu.memory_space<hbm>>) dst(%dma_wait3A_315 : memref<32x128xf32, #tpu.memory_space<vmem>>)
    %dma_wait3A_319 = arith.constant 1 : i32
    %dma_wait3A_320 = arith.constant 0 : i32
    %dma_wait3A_321 = arith.constant 0 : i32
    %dma_wait3A_322 = tpu.memref_slice %arg6[%dma_wait3A_319, %dma_wait3A_320, %dma_wait3A_321] : memref<16x32x128xf32, #tpu.memory_space<vmem>> -> memref<1x32x128xf32, #tpu.memory_space<vmem>>
    %dma_wait3A_323 = tpu.memref_squeeze %dma_wait3A_322 : memref<1x32x128xf32, #tpu.memory_space<vmem>> -> memref<32x128xf32, #tpu.memory_space<vmem>>
    %dma_wait3A_324 = arith.constant 0 : i32
    %dma_wait3A_325 = arith.constant 0 : i32
    %dma_wait3A_326 = tpu.memref_slice %arg2[%dma_wait3A_324, %dma_wait3A_325] : memref<32x1000000xf32, #tpu.memory_space<hbm>> -> memref<32x128xf32, #tpu.memory_space<hbm>>
    %dma_wait3A_327 = arith.constant 0 : i32
    %dma_wait3A_328 = arith.constant 0 : i32
    %dma_wait3A_329 = tpu.memref_slice %arg6[%dma_wait3A_319, %dma_wait3A_327, %dma_wait3A_328] : memref<16x32x128xf32, #tpu.memory_space<vmem>> -> memref<1x32x128xf32, #tpu.memory_space<vmem>>
    %dma_wait3A_330 = tpu.memref_squeeze %dma_wait3A_329 : memref<1x32x128xf32, #tpu.memory_space<vmem>> -> memref<32x128xf32, #tpu.memory_space<vmem>>
    %dma_wait3A_331 = arith.constant 0 : i32
    %dma_wait3A_332 = arith.constant 0 : i32
    %dma_wait3A_333 = tpu.memref_slice %arg2[%dma_wait3A_331, %dma_wait3A_332] : memref<32x1000000xf32, #tpu.memory_space<hbm>> -> memref<32x128xf32, #tpu.memory_space<hbm>>
    tpu.wait_dma2 semaphore(%arg9 : memref<!tpu.dma_semaphore, #tpu.memory_space<semaphore_mem>>) src(%dma_wait3A_333 : memref<32x128xf32, #tpu.memory_space<hbm>>) dst(%dma_wait3A_330 : memref<32x128xf32, #tpu.memory_space<vmem>>)
    %dma_wait3A_334 = arith.constant 2 : i32
    %dma_wait3A_335 = arith.constant 0 : i32
    %dma_wait3A_336 = arith.constant 0 : i32
    %dma_wait3A_337 = tpu.memref_slice %arg6[%dma_wait3A_334, %dma_wait3A_335, %dma_wait3A_336] : memref<16x32x128xf32, #tpu.memory_space<vmem>> -> memref<1x32x128xf32, #tpu.memory_space<vmem>>
    %dma_wait3A_338 = tpu.memref_squeeze %dma_wait3A_337 : memref<1x32x128xf32, #tpu.memory_space<vmem>> -> memref<32x128xf32, #tpu.memory_space<vmem>>
    %dma_wait3A_339 = arith.constant 0 : i32
    %dma_wait3A_340 = arith.constant 0 : i32
    %dma_wait3A_341 = tpu.memref_slice %arg2[%dma_wait3A_339, %dma_wait3A_340] : memref<32x1000000xf32, #tpu.memory_space<hbm>> -> memref<32x128xf32, #tpu.memory_space<hbm>>
    %dma_wait3A_342 = arith.constant 0 : i32
    %dma_wait3A_343 = arith.constant 0 : i32
    %dma_wait3A_344 = tpu.memref_slice %arg6[%dma_wait3A_334, %dma_wait3A_342, %dma_wait3A_343] : memref<16x32x128xf32, #tpu.memory_space<vmem>> -> memref<1x32x128xf32, #tpu.memory_space<vmem>>
    %dma_wait3A_345 = tpu.memref_squeeze %dma_wait3A_344 : memref<1x32x128xf32, #tpu.memory_space<vmem>> -> memref<32x128xf32, #tpu.memory_space<vmem>>
    %dma_wait3A_346 = arith.constant 0 : i32
    %dma_wait3A_347 = arith.constant 0 : i32
    %dma_wait3A_348 = tpu.memref_slice %arg2[%dma_wait3A_346, %dma_wait3A_347] : memref<32x1000000xf32, #tpu.memory_space<hbm>> -> memref<32x128xf32, #tpu.memory_space<hbm>>
    tpu.wait_dma2 semaphore(%arg10 : memref<!tpu.dma_semaphore, #tpu.memory_space<semaphore_mem>>) src(%dma_wait3A_348 : memref<32x128xf32, #tpu.memory_space<hbm>>) dst(%dma_wait3A_345 : memref<32x128xf32, #tpu.memory_space<vmem>>)
    %dma_wait3A_349 = arith.constant 3 : i32
    %dma_wait3A_350 = arith.constant 0 : i32
    %dma_wait3A_351 = arith.constant 0 : i32
    %dma_wait3A_352 = tpu.memref_slice %arg6[%dma_wait3A_349, %dma_wait3A_350, %dma_wait3A_351] : memref<16x32x128xf32, #tpu.memory_space<vmem>> -> memref<1x32x128xf32, #tpu.memory_space<vmem>>
    %dma_wait3A_353 = tpu.memref_squeeze %dma_wait3A_352 : memref<1x32x128xf32, #tpu.memory_space<vmem>> -> memref<32x128xf32, #tpu.memory_space<vmem>>
    %dma_wait3A_354 = arith.constant 0 : i32
    %dma_wait3A_355 = arith.constant 0 : i32
    %dma_wait3A_356 = tpu.memref_slice %arg2[%dma_wait3A_354, %dma_wait3A_355] : memref<32x1000000xf32, #tpu.memory_space<hbm>> -> memref<32x128xf32, #tpu.memory_space<hbm>>
    %dma_wait3A_357 = arith.constant 0 : i32
    %dma_wait3A_358 = arith.constant 0 : i32
    %dma_wait3A_359 = tpu.memref_slice %arg6[%dma_wait3A_349, %dma_wait3A_357, %dma_wait3A_358] : memref<16x32x128xf32, #tpu.memory_space<vmem>> -> memref<1x32x128xf32, #tpu.memory_space<vmem>>
    %dma_wait3A_360 = tpu.memref_squeeze %dma_wait3A_359 : memref<1x32x128xf32, #tpu.memory_space<vmem>> -> memref<32x128xf32, #tpu.memory_space<vmem>>
    %dma_wait3A_361 = arith.constant 0 : i32
    %dma_wait3A_362 = arith.constant 0 : i32
    %dma_wait3A_363 = tpu.memref_slice %arg2[%dma_wait3A_361, %dma_wait3A_362] : memref<32x1000000xf32, #tpu.memory_space<hbm>> -> memref<32x128xf32, #tpu.memory_space<hbm>>
    tpu.wait_dma2 semaphore(%arg11 : memref<!tpu.dma_semaphore, #tpu.memory_space<semaphore_mem>>) src(%dma_wait3A_363 : memref<32x128xf32, #tpu.memory_space<hbm>>) dst(%dma_wait3A_360 : memref<32x128xf32, #tpu.memory_space<vmem>>)
    %dma_wait3A_364 = arith.constant 4 : i32
    %dma_wait3A_365 = arith.constant 0 : i32
    %dma_wait3A_366 = arith.constant 0 : i32
    %dma_wait3A_367 = tpu.memref_slice %arg6[%dma_wait3A_364, %dma_wait3A_365, %dma_wait3A_366] : memref<16x32x128xf32, #tpu.memory_space<vmem>> -> memref<1x32x128xf32, #tpu.memory_space<vmem>>
    %dma_wait3A_368 = tpu.memref_squeeze %dma_wait3A_367 : memref<1x32x128xf32, #tpu.memory_space<vmem>> -> memref<32x128xf32, #tpu.memory_space<vmem>>
    %dma_wait3A_369 = arith.constant 0 : i32
    %dma_wait3A_370 = arith.constant 0 : i32
    %dma_wait3A_371 = tpu.memref_slice %arg2[%dma_wait3A_369, %dma_wait3A_370] : memref<32x1000000xf32, #tpu.memory_space<hbm>> -> memref<32x128xf32, #tpu.memory_space<hbm>>
    %dma_wait3A_372 = arith.constant 0 : i32
    %dma_wait3A_373 = arith.constant 0 : i32
    %dma_wait3A_374 = tpu.memref_slice %arg6[%dma_wait3A_364, %dma_wait3A_372, %dma_wait3A_373] : memref<16x32x128xf32, #tpu.memory_space<vmem>> -> memref<1x32x128xf32, #tpu.memory_space<vmem>>
    %dma_wait3A_375 = tpu.memref_squeeze %dma_wait3A_374 : memref<1x32x128xf32, #tpu.memory_space<vmem>> -> memref<32x128xf32, #tpu.memory_space<vmem>>
    %dma_wait3A_376 = arith.constant 0 : i32
    %dma_wait3A_377 = arith.constant 0 : i32
    %dma_wait3A_378 = tpu.memref_slice %arg2[%dma_wait3A_376, %dma_wait3A_377] : memref<32x1000000xf32, #tpu.memory_space<hbm>> -> memref<32x128xf32, #tpu.memory_space<hbm>>
    tpu.wait_dma2 semaphore(%arg12 : memref<!tpu.dma_semaphore, #tpu.memory_space<semaphore_mem>>) src(%dma_wait3A_378 : memref<32x128xf32, #tpu.memory_space<hbm>>) dst(%dma_wait3A_375 : memref<32x128xf32, #tpu.memory_space<vmem>>)
    %dma_wait3A_379 = arith.constant 5 : i32
    %dma_wait3A_380 = arith.constant 0 : i32
    %dma_wait3A_381 = arith.constant 0 : i32
    %dma_wait3A_382 = tpu.memref_slice %arg6[%dma_wait3A_379, %dma_wait3A_380, %dma_wait3A_381] : memref<16x32x128xf32, #tpu.memory_space<vmem>> -> memref<1x32x128xf32, #tpu.memory_space<vmem>>
    %dma_wait3A_383 = tpu.memref_squeeze %dma_wait3A_382 : memref<1x32x128xf32, #tpu.memory_space<vmem>> -> memref<32x128xf32, #tpu.memory_space<vmem>>
    %dma_wait3A_384 = arith.constant 0 : i32
    %dma_wait3A_385 = arith.constant 0 : i32
    %dma_wait3A_386 = tpu.memref_slice %arg2[%dma_wait3A_384, %dma_wait3A_385] : memref<32x1000000xf32, #tpu.memory_space<hbm>> -> memref<32x128xf32, #tpu.memory_space<hbm>>
    %dma_wait3A_387 = arith.constant 0 : i32
    %dma_wait3A_388 = arith.constant 0 : i32
    %dma_wait3A_389 = tpu.memref_slice %arg6[%dma_wait3A_379, %dma_wait3A_387, %dma_wait3A_388] : memref<16x32x128xf32, #tpu.memory_space<vmem>> -> memref<1x32x128xf32, #tpu.memory_space<vmem>>
    %dma_wait3A_390 = tpu.memref_squeeze %dma_wait3A_389 : memref<1x32x128xf32, #tpu.memory_space<vmem>> -> memref<32x128xf32, #tpu.memory_space<vmem>>
    %dma_wait3A_391 = arith.constant 0 : i32
    %dma_wait3A_392 = arith.constant 0 : i32
    %dma_wait3A_393 = tpu.memref_slice %arg2[%dma_wait3A_391, %dma_wait3A_392] : memref<32x1000000xf32, #tpu.memory_space<hbm>> -> memref<32x128xf32, #tpu.memory_space<hbm>>
    tpu.wait_dma2 semaphore(%arg13 : memref<!tpu.dma_semaphore, #tpu.memory_space<semaphore_mem>>) src(%dma_wait3A_393 : memref<32x128xf32, #tpu.memory_space<hbm>>) dst(%dma_wait3A_390 : memref<32x128xf32, #tpu.memory_space<vmem>>)
    %dma_wait3A_394 = arith.constant 6 : i32
    %dma_wait3A_395 = arith.constant 0 : i32
    %dma_wait3A_396 = arith.constant 0 : i32
    %dma_wait3A_397 = tpu.memref_slice %arg6[%dma_wait3A_394, %dma_wait3A_395, %dma_wait3A_396] : memref<16x32x128xf32, #tpu.memory_space<vmem>> -> memref<1x32x128xf32, #tpu.memory_space<vmem>>
    %dma_wait3A_398 = tpu.memref_squeeze %dma_wait3A_397 : memref<1x32x128xf32, #tpu.memory_space<vmem>> -> memref<32x128xf32, #tpu.memory_space<vmem>>
    %dma_wait3A_399 = arith.constant 0 : i32
    %dma_wait3A_400 = arith.constant 0 : i32
    %dma_wait3A_401 = tpu.memref_slice %arg2[%dma_wait3A_399, %dma_wait3A_400] : memref<32x1000000xf32, #tpu.memory_space<hbm>> -> memref<32x128xf32, #tpu.memory_space<hbm>>
    %dma_wait3A_402 = arith.constant 0 : i32
    %dma_wait3A_403 = arith.constant 0 : i32
    %dma_wait3A_404 = tpu.memref_slice %arg6[%dma_wait3A_394, %dma_wait3A_402, %dma_wait3A_403] : memref<16x32x128xf32, #tpu.memory_space<vmem>> -> memref<1x32x128xf32, #tpu.memory_space<vmem>>
    %dma_wait3A_405 = tpu.memref_squeeze %dma_wait3A_404 : memref<1x32x128xf32, #tpu.memory_space<vmem>> -> memref<32x128xf32, #tpu.memory_space<vmem>>
    %dma_wait3A_406 = arith.constant 0 : i32
    %dma_wait3A_407 = arith.constant 0 : i32
    %dma_wait3A_408 = tpu.memref_slice %arg2[%dma_wait3A_406, %dma_wait3A_407] : memref<32x1000000xf32, #tpu.memory_space<hbm>> -> memref<32x128xf32, #tpu.memory_space<hbm>>
    tpu.wait_dma2 semaphore(%arg14 : memref<!tpu.dma_semaphore, #tpu.memory_space<semaphore_mem>>) src(%dma_wait3A_408 : memref<32x128xf32, #tpu.memory_space<hbm>>) dst(%dma_wait3A_405 : memref<32x128xf32, #tpu.memory_space<vmem>>)
    %dma_wait3A_409 = arith.constant 7 : i32
    %dma_wait3A_410 = arith.constant 0 : i32
    %dma_wait3A_411 = arith.constant 0 : i32
    %dma_wait3A_412 = tpu.memref_slice %arg6[%dma_wait3A_409, %dma_wait3A_410, %dma_wait3A_411] : memref<16x32x128xf32, #tpu.memory_space<vmem>> -> memref<1x32x128xf32, #tpu.memory_space<vmem>>
    %dma_wait3A_413 = tpu.memref_squeeze %dma_wait3A_412 : memref<1x32x128xf32, #tpu.memory_space<vmem>> -> memref<32x128xf32, #tpu.memory_space<vmem>>
    %dma_wait3A_414 = arith.constant 0 : i32
    %dma_wait3A_415 = arith.constant 0 : i32
    %dma_wait3A_416 = tpu.memref_slice %arg2[%dma_wait3A_414, %dma_wait3A_415] : memref<32x1000000xf32, #tpu.memory_space<hbm>> -> memref<32x128xf32, #tpu.memory_space<hbm>>
    %dma_wait3A_417 = arith.constant 0 : i32
    %dma_wait3A_418 = arith.constant 0 : i32
    %dma_wait3A_419 = tpu.memref_slice %arg6[%dma_wait3A_409, %dma_wait3A_417, %dma_wait3A_418] : memref<16x32x128xf32, #tpu.memory_space<vmem>> -> memref<1x32x128xf32, #tpu.memory_space<vmem>>
    %dma_wait3A_420 = tpu.memref_squeeze %dma_wait3A_419 : memref<1x32x128xf32, #tpu.memory_space<vmem>> -> memref<32x128xf32, #tpu.memory_space<vmem>>
    %dma_wait3A_421 = arith.constant 0 : i32
    %dma_wait3A_422 = arith.constant 0 : i32
    %dma_wait3A_423 = tpu.memref_slice %arg2[%dma_wait3A_421, %dma_wait3A_422] : memref<32x1000000xf32, #tpu.memory_space<hbm>> -> memref<32x128xf32, #tpu.memory_space<hbm>>
    tpu.wait_dma2 semaphore(%arg15 : memref<!tpu.dma_semaphore, #tpu.memory_space<semaphore_mem>>) src(%dma_wait3A_423 : memref<32x128xf32, #tpu.memory_space<hbm>>) dst(%dma_wait3A_420 : memref<32x128xf32, #tpu.memory_space<vmem>>)
    %dma_wait3A_424 = arith.constant 8 : i32
    %dma_wait3A_425 = arith.constant 0 : i32
    %dma_wait3A_426 = arith.constant 0 : i32
    %dma_wait3A_427 = tpu.memref_slice %arg6[%dma_wait3A_424, %dma_wait3A_425, %dma_wait3A_426] : memref<16x32x128xf32, #tpu.memory_space<vmem>> -> memref<1x32x128xf32, #tpu.memory_space<vmem>>
    %dma_wait3A_428 = tpu.memref_squeeze %dma_wait3A_427 : memref<1x32x128xf32, #tpu.memory_space<vmem>> -> memref<32x128xf32, #tpu.memory_space<vmem>>
    %dma_wait3A_429 = arith.constant 0 : i32
    %dma_wait3A_430 = arith.constant 0 : i32
    %dma_wait3A_431 = tpu.memref_slice %arg2[%dma_wait3A_429, %dma_wait3A_430] : memref<32x1000000xf32, #tpu.memory_space<hbm>> -> memref<32x128xf32, #tpu.memory_space<hbm>>
    %dma_wait3A_432 = arith.constant 0 : i32
    %dma_wait3A_433 = arith.constant 0 : i32
    %dma_wait3A_434 = tpu.memref_slice %arg6[%dma_wait3A_424, %dma_wait3A_432, %dma_wait3A_433] : memref<16x32x128xf32, #tpu.memory_space<vmem>> -> memref<1x32x128xf32, #tpu.memory_space<vmem>>
    %dma_wait3A_435 = tpu.memref_squeeze %dma_wait3A_434 : memref<1x32x128xf32, #tpu.memory_space<vmem>> -> memref<32x128xf32, #tpu.memory_space<vmem>>
    %dma_wait3A_436 = arith.constant 0 : i32
    %dma_wait3A_437 = arith.constant 0 : i32
    %dma_wait3A_438 = tpu.memref_slice %arg2[%dma_wait3A_436, %dma_wait3A_437] : memref<32x1000000xf32, #tpu.memory_space<hbm>> -> memref<32x128xf32, #tpu.memory_space<hbm>>
    tpu.wait_dma2 semaphore(%arg16 : memref<!tpu.dma_semaphore, #tpu.memory_space<semaphore_mem>>) src(%dma_wait3A_438 : memref<32x128xf32, #tpu.memory_space<hbm>>) dst(%dma_wait3A_435 : memref<32x128xf32, #tpu.memory_space<vmem>>)
    %dma_wait3A_439 = arith.constant 9 : i32
    %dma_wait3A_440 = arith.constant 0 : i32
    %dma_wait3A_441 = arith.constant 0 : i32
    %dma_wait3A_442 = tpu.memref_slice %arg6[%dma_wait3A_439, %dma_wait3A_440, %dma_wait3A_441] : memref<16x32x128xf32, #tpu.memory_space<vmem>> -> memref<1x32x128xf32, #tpu.memory_space<vmem>>
    %dma_wait3A_443 = tpu.memref_squeeze %dma_wait3A_442 : memref<1x32x128xf32, #tpu.memory_space<vmem>> -> memref<32x128xf32, #tpu.memory_space<vmem>>
    %dma_wait3A_444 = arith.constant 0 : i32
    %dma_wait3A_445 = arith.constant 0 : i32
    %dma_wait3A_446 = tpu.memref_slice %arg2[%dma_wait3A_444, %dma_wait3A_445] : memref<32x1000000xf32, #tpu.memory_space<hbm>> -> memref<32x128xf32, #tpu.memory_space<hbm>>
    %dma_wait3A_447 = arith.constant 0 : i32
    %dma_wait3A_448 = arith.constant 0 : i32
    %dma_wait3A_449 = tpu.memref_slice %arg6[%dma_wait3A_439, %dma_wait3A_447, %dma_wait3A_448] : memref<16x32x128xf32, #tpu.memory_space<vmem>> -> memref<1x32x128xf32, #tpu.memory_space<vmem>>
    %dma_wait3A_450 = tpu.memref_squeeze %dma_wait3A_449 : memref<1x32x128xf32, #tpu.memory_space<vmem>> -> memref<32x128xf32, #tpu.memory_space<vmem>>
    %dma_wait3A_451 = arith.constant 0 : i32
    %dma_wait3A_452 = arith.constant 0 : i32
    %dma_wait3A_453 = tpu.memref_slice %arg2[%dma_wait3A_451, %dma_wait3A_452] : memref<32x1000000xf32, #tpu.memory_space<hbm>> -> memref<32x128xf32, #tpu.memory_space<hbm>>
    tpu.wait_dma2 semaphore(%arg17 : memref<!tpu.dma_semaphore, #tpu.memory_space<semaphore_mem>>) src(%dma_wait3A_453 : memref<32x128xf32, #tpu.memory_space<hbm>>) dst(%dma_wait3A_450 : memref<32x128xf32, #tpu.memory_space<vmem>>)
    %dma_wait3A_454 = arith.constant 10 : i32
    %dma_wait3A_455 = arith.constant 0 : i32
    %dma_wait3A_456 = arith.constant 0 : i32
    %dma_wait3A_457 = tpu.memref_slice %arg6[%dma_wait3A_454, %dma_wait3A_455, %dma_wait3A_456] : memref<16x32x128xf32, #tpu.memory_space<vmem>> -> memref<1x32x128xf32, #tpu.memory_space<vmem>>
    %dma_wait3A_458 = tpu.memref_squeeze %dma_wait3A_457 : memref<1x32x128xf32, #tpu.memory_space<vmem>> -> memref<32x128xf32, #tpu.memory_space<vmem>>
    %dma_wait3A_459 = arith.constant 0 : i32
    %dma_wait3A_460 = arith.constant 0 : i32
    %dma_wait3A_461 = tpu.memref_slice %arg2[%dma_wait3A_459, %dma_wait3A_460] : memref<32x1000000xf32, #tpu.memory_space<hbm>> -> memref<32x128xf32, #tpu.memory_space<hbm>>
    %dma_wait3A_462 = arith.constant 0 : i32
    %dma_wait3A_463 = arith.constant 0 : i32
    %dma_wait3A_464 = tpu.memref_slice %arg6[%dma_wait3A_454, %dma_wait3A_462, %dma_wait3A_463] : memref<16x32x128xf32, #tpu.memory_space<vmem>> -> memref<1x32x128xf32, #tpu.memory_space<vmem>>
    %dma_wait3A_465 = tpu.memref_squeeze %dma_wait3A_464 : memref<1x32x128xf32, #tpu.memory_space<vmem>> -> memref<32x128xf32, #tpu.memory_space<vmem>>
    %dma_wait3A_466 = arith.constant 0 : i32
    %dma_wait3A_467 = arith.constant 0 : i32
    %dma_wait3A_468 = tpu.memref_slice %arg2[%dma_wait3A_466, %dma_wait3A_467] : memref<32x1000000xf32, #tpu.memory_space<hbm>> -> memref<32x128xf32, #tpu.memory_space<hbm>>
    tpu.wait_dma2 semaphore(%arg18 : memref<!tpu.dma_semaphore, #tpu.memory_space<semaphore_mem>>) src(%dma_wait3A_468 : memref<32x128xf32, #tpu.memory_space<hbm>>) dst(%dma_wait3A_465 : memref<32x128xf32, #tpu.memory_space<vmem>>)
    %dma_wait3A_469 = arith.constant 11 : i32
    %dma_wait3A_470 = arith.constant 0 : i32
    %dma_wait3A_471 = arith.constant 0 : i32
    %dma_wait3A_472 = tpu.memref_slice %arg6[%dma_wait3A_469, %dma_wait3A_470, %dma_wait3A_471] : memref<16x32x128xf32, #tpu.memory_space<vmem>> -> memref<1x32x128xf32, #tpu.memory_space<vmem>>
    %dma_wait3A_473 = tpu.memref_squeeze %dma_wait3A_472 : memref<1x32x128xf32, #tpu.memory_space<vmem>> -> memref<32x128xf32, #tpu.memory_space<vmem>>
    %dma_wait3A_474 = arith.constant 0 : i32
    %dma_wait3A_475 = arith.constant 0 : i32
    %dma_wait3A_476 = tpu.memref_slice %arg2[%dma_wait3A_474, %dma_wait3A_475] : memref<32x1000000xf32, #tpu.memory_space<hbm>> -> memref<32x128xf32, #tpu.memory_space<hbm>>
    %dma_wait3A_477 = arith.constant 0 : i32
    %dma_wait3A_478 = arith.constant 0 : i32
    %dma_wait3A_479 = tpu.memref_slice %arg6[%dma_wait3A_469, %dma_wait3A_477, %dma_wait3A_478] : memref<16x32x128xf32, #tpu.memory_space<vmem>> -> memref<1x32x128xf32, #tpu.memory_space<vmem>>
    %dma_wait3A_480 = tpu.memref_squeeze %dma_wait3A_479 : memref<1x32x128xf32, #tpu.memory_space<vmem>> -> memref<32x128xf32, #tpu.memory_space<vmem>>
    %dma_wait3A_481 = arith.constant 0 : i32
    %dma_wait3A_482 = arith.constant 0 : i32
    %dma_wait3A_483 = tpu.memref_slice %arg2[%dma_wait3A_481, %dma_wait3A_482] : memref<32x1000000xf32, #tpu.memory_space<hbm>> -> memref<32x128xf32, #tpu.memory_space<hbm>>
    tpu.wait_dma2 semaphore(%arg19 : memref<!tpu.dma_semaphore, #tpu.memory_space<semaphore_mem>>) src(%dma_wait3A_483 : memref<32x128xf32, #tpu.memory_space<hbm>>) dst(%dma_wait3A_480 : memref<32x128xf32, #tpu.memory_space<vmem>>)
    %dma_wait3A_484 = arith.constant 12 : i32
    %dma_wait3A_485 = arith.constant 0 : i32
    %dma_wait3A_486 = arith.constant 0 : i32
    %dma_wait3A_487 = tpu.memref_slice %arg6[%dma_wait3A_484, %dma_wait3A_485, %dma_wait3A_486] : memref<16x32x128xf32, #tpu.memory_space<vmem>> -> memref<1x32x128xf32, #tpu.memory_space<vmem>>
    %dma_wait3A_488 = tpu.memref_squeeze %dma_wait3A_487 : memref<1x32x128xf32, #tpu.memory_space<vmem>> -> memref<32x128xf32, #tpu.memory_space<vmem>>
    %dma_wait3A_489 = arith.constant 0 : i32
    %dma_wait3A_490 = arith.constant 0 : i32
    %dma_wait3A_491 = tpu.memref_slice %arg2[%dma_wait3A_489, %dma_wait3A_490] : memref<32x1000000xf32, #tpu.memory_space<hbm>> -> memref<32x128xf32, #tpu.memory_space<hbm>>
    %dma_wait3A_492 = arith.constant 0 : i32
    %dma_wait3A_493 = arith.constant 0 : i32
    %dma_wait3A_494 = tpu.memref_slice %arg6[%dma_wait3A_484, %dma_wait3A_492, %dma_wait3A_493] : memref<16x32x128xf32, #tpu.memory_space<vmem>> -> memref<1x32x128xf32, #tpu.memory_space<vmem>>
    %dma_wait3A_495 = tpu.memref_squeeze %dma_wait3A_494 : memref<1x32x128xf32, #tpu.memory_space<vmem>> -> memref<32x128xf32, #tpu.memory_space<vmem>>
    %dma_wait3A_496 = arith.constant 0 : i32
    %dma_wait3A_497 = arith.constant 0 : i32
    %dma_wait3A_498 = tpu.memref_slice %arg2[%dma_wait3A_496, %dma_wait3A_497] : memref<32x1000000xf32, #tpu.memory_space<hbm>> -> memref<32x128xf32, #tpu.memory_space<hbm>>
    tpu.wait_dma2 semaphore(%arg20 : memref<!tpu.dma_semaphore, #tpu.memory_space<semaphore_mem>>) src(%dma_wait3A_498 : memref<32x128xf32, #tpu.memory_space<hbm>>) dst(%dma_wait3A_495 : memref<32x128xf32, #tpu.memory_space<vmem>>)
    %dma_wait3A_499 = arith.constant 13 : i32
    %dma_wait3A_500 = arith.constant 0 : i32
    %dma_wait3A_501 = arith.constant 0 : i32
    %dma_wait3A_502 = tpu.memref_slice %arg6[%dma_wait3A_499, %dma_wait3A_500, %dma_wait3A_501] : memref<16x32x128xf32, #tpu.memory_space<vmem>> -> memref<1x32x128xf32, #tpu.memory_space<vmem>>
    %dma_wait3A_503 = tpu.memref_squeeze %dma_wait3A_502 : memref<1x32x128xf32, #tpu.memory_space<vmem>> -> memref<32x128xf32, #tpu.memory_space<vmem>>
    %dma_wait3A_504 = arith.constant 0 : i32
    %dma_wait3A_505 = arith.constant 0 : i32
    %dma_wait3A_506 = tpu.memref_slice %arg2[%dma_wait3A_504, %dma_wait3A_505] : memref<32x1000000xf32, #tpu.memory_space<hbm>> -> memref<32x128xf32, #tpu.memory_space<hbm>>
    %dma_wait3A_507 = arith.constant 0 : i32
    %dma_wait3A_508 = arith.constant 0 : i32
    %dma_wait3A_509 = tpu.memref_slice %arg6[%dma_wait3A_499, %dma_wait3A_507, %dma_wait3A_508] : memref<16x32x128xf32, #tpu.memory_space<vmem>> -> memref<1x32x128xf32, #tpu.memory_space<vmem>>
    %dma_wait3A_510 = tpu.memref_squeeze %dma_wait3A_509 : memref<1x32x128xf32, #tpu.memory_space<vmem>> -> memref<32x128xf32, #tpu.memory_space<vmem>>
    %dma_wait3A_511 = arith.constant 0 : i32
    %dma_wait3A_512 = arith.constant 0 : i32
    %dma_wait3A_513 = tpu.memref_slice %arg2[%dma_wait3A_511, %dma_wait3A_512] : memref<32x1000000xf32, #tpu.memory_space<hbm>> -> memref<32x128xf32, #tpu.memory_space<hbm>>
    tpu.wait_dma2 semaphore(%arg21 : memref<!tpu.dma_semaphore, #tpu.memory_space<semaphore_mem>>) src(%dma_wait3A_513 : memref<32x128xf32, #tpu.memory_space<hbm>>) dst(%dma_wait3A_510 : memref<32x128xf32, #tpu.memory_space<vmem>>)
    %dma_wait3A_514 = arith.constant 14 : i32
    %dma_wait3A_515 = arith.constant 0 : i32
    %dma_wait3A_516 = arith.constant 0 : i32
    %dma_wait3A_517 = tpu.memref_slice %arg6[%dma_wait3A_514, %dma_wait3A_515, %dma_wait3A_516] : memref<16x32x128xf32, #tpu.memory_space<vmem>> -> memref<1x32x128xf32, #tpu.memory_space<vmem>>
    %dma_wait3A_518 = tpu.memref_squeeze %dma_wait3A_517 : memref<1x32x128xf32, #tpu.memory_space<vmem>> -> memref<32x128xf32, #tpu.memory_space<vmem>>
    %dma_wait3A_519 = arith.constant 0 : i32
    %dma_wait3A_520 = arith.constant 0 : i32
    %dma_wait3A_521 = tpu.memref_slice %arg2[%dma_wait3A_519, %dma_wait3A_520] : memref<32x1000000xf32, #tpu.memory_space<hbm>> -> memref<32x128xf32, #tpu.memory_space<hbm>>
    %dma_wait3A_522 = arith.constant 0 : i32
    %dma_wait3A_523 = arith.constant 0 : i32
    %dma_wait3A_524 = tpu.memref_slice %arg6[%dma_wait3A_514, %dma_wait3A_522, %dma_wait3A_523] : memref<16x32x128xf32, #tpu.memory_space<vmem>> -> memref<1x32x128xf32, #tpu.memory_space<vmem>>
    %dma_wait3A_525 = tpu.memref_squeeze %dma_wait3A_524 : memref<1x32x128xf32, #tpu.memory_space<vmem>> -> memref<32x128xf32, #tpu.memory_space<vmem>>
    %dma_wait3A_526 = arith.constant 0 : i32
    %dma_wait3A_527 = arith.constant 0 : i32
    %dma_wait3A_528 = tpu.memref_slice %arg2[%dma_wait3A_526, %dma_wait3A_527] : memref<32x1000000xf32, #tpu.memory_space<hbm>> -> memref<32x128xf32, #tpu.memory_space<hbm>>
    tpu.wait_dma2 semaphore(%arg22 : memref<!tpu.dma_semaphore, #tpu.memory_space<semaphore_mem>>) src(%dma_wait3A_528 : memref<32x128xf32, #tpu.memory_space<hbm>>) dst(%dma_wait3A_525 : memref<32x128xf32, #tpu.memory_space<vmem>>)
    "tpu.region"() ({
      %run_scoped3A = tpu.sem_alloc : memref<!tpu.dma_semaphore, #tpu.memory_space<semaphore_mem>>
      %dma_start3A_529 = arith.constant 0 : i32
      %dma_start3A_530 = tpu.memref_slice %arg4[%dma_start3A_529, %mul3A_2] : memref<32x16384xf32, #tpu.memory_space<hbm>> -> memref<32x512xf32, #tpu.memory_space<hbm>>
      %dma_start3A_531 = arith.constant 0 : i32
      %dma_start3A_532 = tpu.memref_slice %arg4[%dma_start3A_531, %mul3A_2] : memref<32x16384xf32, #tpu.memory_space<hbm>> -> memref<32x512xf32, #tpu.memory_space<hbm>>
      tpu.enqueue_dma source(%arg7 : memref<32x512xf32, #tpu.memory_space<vmem>>) target(%dma_start3A_532 : memref<32x512xf32, #tpu.memory_space<hbm>>) target_semaphore(%run_scoped3A : memref<!tpu.dma_semaphore, #tpu.memory_space<semaphore_mem>>)
      %dma_wait3A_533 = arith.constant 0 : i32
      %dma_wait3A_534 = tpu.memref_slice %arg4[%dma_wait3A_533, %mul3A_2] : memref<32x16384xf32, #tpu.memory_space<hbm>> -> memref<32x512xf32, #tpu.memory_space<hbm>>
      %dma_wait3A_535 = arith.constant 0 : i32
      %dma_wait3A_536 = tpu.memref_slice %arg4[%dma_wait3A_535, %mul3A_2] : memref<32x16384xf32, #tpu.memory_space<hbm>> -> memref<32x512xf32, #tpu.memory_space<hbm>>
      tpu.wait_dma2 semaphore(%run_scoped3A : memref<!tpu.dma_semaphore, #tpu.memory_space<semaphore_mem>>) src(%arg7 : memref<32x512xf32, #tpu.memory_space<vmem>>) dst(%dma_wait3A_536 : memref<32x512xf32, #tpu.memory_space<hbm>>)
      tpu.yield
    }) : () -> ()
    return
  }
}

module attributes {stable_mosaic.version = 14 : i64} {
  func.func @_tc_linear_t_body(%arg0: i32, %arg1: memref<32x2048xf32, #tpu.memory_space<vmem>>, %arg2: memref<32x32xf32, #tpu.memory_space<vmem>>, %arg3: memref<32x1xf32, #tpu.memory_space<vmem>>, %arg4: memref<32x32xf32, #tpu.memory_space<vmem>>, %arg5: memref<32x1xf32, #tpu.memory_space<vmem>>, %arg6: memref<32x2048xf32, #tpu.memory_space<vmem>>, %arg7: memref<32x2048xf32, #tpu.memory_space<vmem>>) attributes {dimension_semantics = [#tpu.dimension_semantics<arbitrary>], iteration_bounds = array<i64: 8>, scalar_prefetch = 0 : i64, scratch_operands = 0 : i64, tpu.core_type = #tpu.core_type<tc>, window_params = [{transform_indices = @transform_0, window_bounds = array<i64: 32, 2048>}, {pipeline_mode = #tpu.pipeline_mode<synchronous>, transform_indices = @transform_1, window_bounds = array<i64: 32, 32>}, {pipeline_mode = #tpu.pipeline_mode<synchronous>, transform_indices = @transform_2, window_bounds = array<i64: 32, 1>}, {pipeline_mode = #tpu.pipeline_mode<synchronous>, transform_indices = @transform_3, window_bounds = array<i64: 32, 32>}, {pipeline_mode = #tpu.pipeline_mode<synchronous>, transform_indices = @transform_4, window_bounds = array<i64: 32, 1>}, {transform_indices = @transform_5, window_bounds = array<i64: 32, 2048>}, {transform_indices = @transform_6, window_bounds = array<i64: 32, 2048>}]} {
    %get3A = arith.constant 0 : index
    %get3A_0 = arith.constant 0 : index
    %get3A_1 = vector.load %arg1[%get3A, %get3A_0] : memref<32x2048xf32, #tpu.memory_space<vmem>>, vector<32x2048xf32>
    %get3A_2 = arith.constant 0 : index
    %get3A_3 = arith.constant 0 : index
    %get3A_4 = vector.load %arg2[%get3A_2, %get3A_3] : memref<32x32xf32, #tpu.memory_space<vmem>>, vector<32x32xf32>
    %dot_general3A = arith.constant dense<0.000000e+00> : vector<32x2048xf32>
    %dot_general3A_5 = tpu.matmul %get3A_4, %get3A_1, %dot_general3A {dimension_numbers = #tpu.dot_dimension_numbers<[1], [0], [0], [1], [0, 0, 1, 1], [], []>, transpose_lhs_hint = false} : vector<32x32xf32>, vector<32x2048xf32>, vector<32x2048xf32> -> vector<32x2048xf32>
    %get3A_6 = arith.constant 0 : index
    %get3A_7 = arith.constant 0 : index
    %get3A_8 = vector.load %arg3[%get3A_6, %get3A_7] : memref<32x1xf32, #tpu.memory_space<vmem>>, vector<32x1xf32>
    %add3A = vector.broadcast %get3A_8 : vector<32x1xf32> to vector<32x2048xf32>
    %add3A_9 = arith.addf %dot_general3A_5, %add3A : vector<32x2048xf32>
    %swap3A = arith.constant 0 : index
    %swap3A_10 = arith.constant 0 : index
    %swap3A_11 = vector.load %arg6[%swap3A, %swap3A_10] : memref<32x2048xf32, #tpu.memory_space<vmem>>, vector<32x2048xf32>
    tpu.vector_store %arg6[%swap3A, %swap3A_10], %add3A_9 {strides = array<i32>} : memref<32x2048xf32, #tpu.memory_space<vmem>>, vector<32x2048xf32>,
    %get3A_12 = arith.constant 0 : index
    %get3A_13 = arith.constant 0 : index
    %get3A_14 = vector.load %arg4[%get3A_12, %get3A_13] : memref<32x32xf32, #tpu.memory_space<vmem>>, vector<32x32xf32>
    %dot_general3A_15 = arith.constant dense<0.000000e+00> : vector<32x2048xf32>
    %dot_general3A_16 = tpu.matmul %get3A_14, %get3A_1, %dot_general3A_15 {dimension_numbers = #tpu.dot_dimension_numbers<[1], [0], [0], [1], [0, 0, 1, 1], [], []>, transpose_lhs_hint = false} : vector<32x32xf32>, vector<32x2048xf32>, vector<32x2048xf32> -> vector<32x2048xf32>
    %get3A_17 = arith.constant 0 : index
    %get3A_18 = arith.constant 0 : index
    %get3A_19 = vector.load %arg5[%get3A_17, %get3A_18] : memref<32x1xf32, #tpu.memory_space<vmem>>, vector<32x1xf32>
    %add3A_20 = vector.broadcast %get3A_19 : vector<32x1xf32> to vector<32x2048xf32>
    %add3A_21 = arith.addf %dot_general3A_16, %add3A_20 : vector<32x2048xf32>
    %swap3A_22 = arith.constant 0 : index
    %swap3A_23 = arith.constant 0 : index
    %swap3A_24 = vector.load %arg7[%swap3A_22, %swap3A_23] : memref<32x2048xf32, #tpu.memory_space<vmem>>, vector<32x2048xf32>
    tpu.vector_store %arg7[%swap3A_22, %swap3A_23], %add3A_21 {strides = array<i32>} : memref<32x2048xf32, #tpu.memory_space<vmem>>, vector<32x2048xf32>,
    return
  }
  func.func @transform_0(%arg0: i32) -> (i32, i32) {
    %c0_i32 = arith.constant 0 : i32
    %c0_i32_0 = arith.constant 0 : i32
    return %c0_i32, %arg0 : i32, i32
  }
  func.func @transform_1(%arg0: i32) -> (i32, i32) {
    %c0_i32 = arith.constant 0 : i32
    %c0_i32_0 = arith.constant 0 : i32
    %c0_i32_1 = arith.constant 0 : i32
    return %c0_i32, %c0_i32_0 : i32, i32
  }
  func.func @transform_2(%arg0: i32) -> (i32, i32) {
    %c0_i32 = arith.constant 0 : i32
    %c0_i32_0 = arith.constant 0 : i32
    %c0_i32_1 = arith.constant 0 : i32
    return %c0_i32, %c0_i32_0 : i32, i32
  }
  func.func @transform_3(%arg0: i32) -> (i32, i32) {
    %c0_i32 = arith.constant 0 : i32
    %c0_i32_0 = arith.constant 0 : i32
    %c0_i32_1 = arith.constant 0 : i32
    return %c0_i32, %c0_i32_0 : i32, i32
  }
  func.func @transform_4(%arg0: i32) -> (i32, i32) {
    %c0_i32 = arith.constant 0 : i32
    %c0_i32_0 = arith.constant 0 : i32
    %c0_i32_1 = arith.constant 0 : i32
    return %c0_i32, %c0_i32_0 : i32, i32
  }
  func.func @transform_5(%arg0: i32) -> (i32, i32) {
    %c0_i32 = arith.constant 0 : i32
    %c0_i32_0 = arith.constant 0 : i32
    return %c0_i32, %arg0 : i32, i32
  }
  func.func @transform_6(%arg0: i32) -> (i32, i32) {
    %c0_i32 = arith.constant 0 : i32
    %c0_i32_0 = arith.constant 0 : i32
    return %c0_i32, %arg0 : i32, i32
  }
}

</mosaic_0001>

<sc_bundles>
// kernel: kernel.4.cloned.1.call-start
scs
__scs_entry_jumppad:
0x0: {  	(pc) =	sbr.rel $0x88, $3  }
0x1: {  	(tag) =	ssettag $0x0;
	lr =	simm.s32 $0x1  }
0x2: {  	[smem:$0x3F9B] =	sst lr;
	_ =	strace $0xD0000000  }
0x3: {  	_ = 	snop  }
0x4: {  	_ = 	snop  }
0x5: {  	_ = 	snop  }
0x6: {  	_ = 	snop  }
0x7: {  	_ = 	snop  }
__scs_overlays_trampoline_lowered:
0x8: {  	[smem:$0x3FAA] =	sst s0  }
0x9: {  	[smem:$0x3FAB] =	sst s1  }
0xa: {  	[smem:$0x3FAC] =	sst s2  }
0xb: {  	[smem:$0x3FAD] =	sst s3  }
0xc: {  	[smem:$0x3FAE] =	sst s4  }
0xd: {  	[smem:$0x3FAF] =	sst s5  }
0xe: {  	[smem:$0x3FB0] =	sst s6  }
0xf: {  	[smem:$0x3FB1] =	sst s7  }
0x10: {  	[smem:$0x3FB2] =	sst s8  }
0x11: {  	[smem:$0x3FB3] =	sst s9;
	s0 =	simm.s32 @!p0 $0x0  }
0x12: {  	s1 =	sld [smem:$0x3F99];
	s0 =	simm.s32 @p0 $0x1  }
0x13: {  	[smem:$0x3FB4] =	sst s0;
	s0 =	simm.s32 @!p1 $0x0  }
0x14: {  	s2 =	sld [smem:$0x3F98];
	s0 =	simm.s32 @p1 $0x1  }
0x15: {  	[smem:$0x3FB5] =	sst s0;
	s0 =	simm.s32 @!p2 $0x0  }
0x16: {  	s3 =	sld [smem:$0x3FDB];
	s0 =	simm.s32 @p2 $0x1  }
0x17: {  	s4 =	simm.s32 $0x1BF5;
	[smem:$0x3FB7] =	sst s0  }
0x18: {  	s0 =	sld [smem:$0x3F9A];
	_ =	swait.ge [sflag:s4], $0x0  }
0x19: {  	s7 =	sld [smem:$0x3F9B]  }
0x1a: {  	s8 =	sadd.s32 $0xFFFFE003, lr  }
0x1b: {  	s9 =	sadd.s32 $0xFFFFFEF7, lr;
	s5 =	simm.s32 $0xFFFFFFFF;
	p2 =	slt.u32 s8, $0xFFFFF086  }
0x1c: {  	p1 =	slt.u32 s9, $0xF7A;
	s5 =	simm.s32 @!p2 $0x0  }
0x1d: {  	s5 =	simm.s32 @p1 $0x1;
	p0 =	seq.s32 s7, s2  }
0x1e: {  	s7 =	smul.u32 @!p0 $0xF7A, s2;
	p2 =	seq.s32 @!p0 s5, $0x0  }
0x1f: {  	s9 =	smul.u32 $0xF7A, s1;
	s8 =	simm.s32 @!p0 $0x1BF5;
	p2 =	por !p2, p0  }
0x20: {  	[sflag:s8] =	ssyncset.s32 @!p0 $0xFFFFF086;
	s6 =	sadd.s32 @!p0 s3, s7;
	s7 =	simm.s32 @!p0 $0x108  }
0x21: {  	s3 =	sadd.s32 s3, s9;
	s6 =	sadd.s32 @!p0 $0x88, s6;
	s7 =	simm.s32 @p2 $0x1082  }
0x22: {  	[simem:s7], [sflag:s8] =	dma.local @!p0 [hbm:s6], $0xF7A  }
0x23: {  	s9 =	sor.u32 $0xD0000000, s2;
	s6 =	simm.s32 $0x108;
	_ =	swait.ge @!p0 [sflag:s8], $0x0  }
0x24: {  	s3 =	sadd.s32 $0x88, s3;
	s6 =	simm.s32 @!p1 $0x1082;
	[sflag:s4] =	ssyncset.s32 $0xFFFFF086  }
0x25: {  	[simem:s6], [sflag:s4] =	dma.local [hbm:s3], $0xF7A  }
0x26: {  	[smem:$0x3F9B] =	sst s1;
	(tag) =	ssettag s2;
	_ =	strace s9  }
0x27: {  	s1 =	sld [smem:$0x3FAB]  }
0x28: {  	s2 =	sld [smem:$0x3FAC]  }
0x29: {  	s4 =	sld [smem:$0x3FAE]  }
0x2a: {  	p0 =	seq.s32 s5, $0x0;
	s5 =	sld [smem:$0x3FAF]  }
0x2b: {  	s6 =	sld [smem:$0x3FB0]  }
0x2c: {  	s7 =	sld [smem:$0x3FB1]  }
0x2d: {  	s3 =	simm.s32 $0x108;
	s8 =	sld [smem:$0x3FB2]  }
0x2e: {  	s3 =	simm.s32 @!p0 $0x1082;
	s9 =	sld [smem:$0x3FB3]  }
0x2f: {  	lr =	sadd.s32 s0, s3;
	s0 =	sld [smem:$0x3FAA]  }
0x30: {  	s3 =	sld [smem:$0x3FAD]  }
0x31: {  	[smem:$0x3FB6] =	sst s10  }
0x32: {  	s10 =	sld [smem:$0x3FB4];
	_ =	sdelay $0x3  }
0x33: {  	p0 =	seq.s32 s10, $0x1;
	s10 =	sld [smem:$0x3FB6];
	_ =	sdelay $0x3  }
0x34: {  	[smem:$0x3FB6] =	sst s10  }
0x35: {  	s10 =	sld [smem:$0x3FB5];
	_ =	sdelay $0x3  }
0x36: {  	p1 =	seq.s32 s10, $0x1;
	s10 =	sld [smem:$0x3FB6];
	_ =	sdelay $0x3  }
0x37: {  	[smem:$0x3FB6] =	sst s10  }
0x38: {  	s10 =	sld [smem:$0x3FB7]  }
0x39: {  	_ = 	snop;
	(pc) =	sbr.ind lr, $3  }
0x3a: {  	_ = 	snop  }
0x3b: {  	_ = 	snop  }
0x3c: {  	p2 =	seq.s32 s10, $0x1;
	s10 =	sld [smem:$0x3FB6]  }
0x3d: {  	_ =	shalt  }
0x3e: {  	_ =	shalt  }
0x3f: {  	_ =	shalt  }
0x40: {  	_ =	shalt  }
0x41: {  	_ =	shalt  }
0x42: {  	_ =	shalt  }
0x43: {  	_ =	shalt  }
0x44: {  	_ =	shalt  }
0x45: {  	_ =	shalt  }
0x46: {  	_ =	shalt  }
0x47: {  	_ =	shalt  }
0x48: {  	_ =	shalt  }
0x49: {  	_ =	shalt  }
0x4a: {  	_ =	shalt  }
0x4b: {  	_ =	shalt  }
0x4c: {  	_ =	shalt  }
0x4d: {  	_ =	shalt  }
0x4e: {  	_ =	shalt  }
0x4f: {  	_ =	shalt  }
0x50: {  	_ =	shalt  }
0x51: {  	_ =	shalt  }
0x52: {  	_ =	shalt  }
0x53: {  	_ =	shalt  }
0x54: {  	_ =	shalt  }
0x55: {  	_ =	shalt  }
0x56: {  	_ =	shalt  }
0x57: {  	_ =	shalt  }
0x58: {  	_ =	shalt  }
0x59: {  	_ =	shalt  }
0x5a: {  	_ =	shalt  }
0x5b: {  	_ =	shalt  }
0x5c: {  	_ =	shalt  }
0x5d: {  	_ =	shalt  }
0x5e: {  	_ =	shalt  }
0x5f: {  	_ =	shalt  }
0x60: {  	_ =	shalt  }
0x61: {  	_ =	shalt  }
0x62: {  	_ =	shalt  }
0x63: {  	_ =	shalt  }
0x64: {  	_ =	shalt  }
0x65: {  	_ =	shalt  }
0x66: {  	_ =	shalt  }
0x67: {  	_ =	shalt  }
0x68: {  	_ =	shalt  }
0x69: {  	_ =	shalt  }
0x6a: {  	_ =	shalt  }
0x6b: {  	_ =	shalt  }
0x6c: {  	_ =	shalt  }
0x6d: {  	_ =	shalt  }
0x6e: {  	_ =	shalt  }
0x6f: {  	_ =	shalt  }
0x70: {  	_ =	shalt  }
0x71: {  	_ =	shalt  }
0x72: {  	_ =	shalt  }
0x73: {  	_ =	shalt  }
0x74: {  	_ =	shalt  }
0x75: {  	_ =	shalt  }
0x76: {  	_ =	shalt  }
0x77: {  	_ =	shalt  }
0x78: {  	_ =	shalt  }
0x79: {  	_ =	shalt  }
0x7a: {  	_ =	shalt  }
0x7b: {  	_ =	shalt  }
0x7c: {  	_ =	shalt  }
0x7d: {  	_ =	shalt  }
0x7e: {  	_ =	shalt  }
0x7f: {  	_ =	shalt  }
0x80: {  	_ =	shalt  }
0x81: {  	_ =	shalt  }
0x82: {  	_ =	shalt  }
0x83: {  	_ =	shalt  }
0x84: {  	_ =	shalt  }
0x85: {  	_ =	shalt  }
0x86: {  	_ =	shalt  }
0x87: {  	_ =	shalt  }
.Lfunc_end0:
.L_simem_size_0:
called_computation_lowered:
.L_overlay_start_0:
0x88: {  	s2 =	sld [smem:$0x3FD9]  }
0x89: {  	s3 =	sld [smem:$0x3FFE];
	_ =	sdelay $0x1  }
0x8a: {  	s1 =	srdreg.scid  }
0x8b: {  	s0 =	sand.u32 $0x1, s1  }
0x8c: {  	s15 =	sshll.u32 s0, $0xA;
	s2 =	sadd.s32 s3, s2  }
0x8d: {  	s2 =	sadd.s32 s2, s15  }
0x8e: {  	[smem:$0x3FC2] =	sst s2  }
0x8f: {  	_ = 	snop  }
0x90: {  	s2 =	sld [smem:$0x3FD0];
	_ =	sdelay $0x1  }
0x91: {  	s16 =	sld [smem:$0x3FC9]  }
0x92: {  	s5 =	simm.s32 $0xA;
	s6 =	simm.s32 $0x10;
	s4 =	sld [smem:$0x3FC8]  }
0x93: {  	[smem:s6], [sflag:s5] =	dma.local [hbm:s2], $0x1  }
0x94: {  	_ =	swait.eq [sflag:s5], $0x1  }
0x95: {  	[sflag:s5] =	ssyncset.done $0x0  }
0x96: {  	[sflag:s5] =	ssyncadd.s32 $0xFFFFFFFF  }
0x97: {  	s17 =	sld [smem:$0x11];
	(tm) =	ssettm $0x1  }
0x98: {  	s18 =	sld [smem:$0x3FFB];
	_ =	sdelay $0x3  }
0x99: {  	_ =	strace s18  }
0x9a: {  	s5 =	sld [smem:$0x3FFC];
	_ =	sdelay $0x3  }
0x9b: {  	_ =	strace s5  }
0x9c: {  	s5 =	sld [smem:$0x3FFD];
	_ =	sdelay $0x3  }
0x9d: {  	_ =	strace s5  }
0x9e: {  	_ =	strace $0x8FFFFFFF  }
0x9f: {  	s19 =	sld [smem:$0x3FDB];
	_ =	sdelay $0x1  }
0xa0: {  	s20 =	simm.s32 $_scs_section_size  }
0xa1: {  	s7 =	simm.s32 $_size__tile_overlayer_lowered;
	s8 =	simm.s32 $_tile_overlayer_lowered  }
0xa2: {  	s23 =	simm.s32 $0x1BFF;
	s22 =	sshll.u32 s8, $0x1;
	s5 =	sadd.s32 s20, s19  }
0xa3: {  	s9 =	simm.s32 $0x0;
	s21 =	sshll.u32 s7, $0x1;
	s7 =	sadd.s32 s22, s5  }
0xa4: {  	[timem:s9], [sflag:s23] =	dma.local [hbm:s7], s21  }
0xa5: {  	_ =	swait.ge [sflag:s23], s21  }
0xa6: {  	s6 =	ssub.s32 $0x0, s21;
	[sflag:s23] =	ssyncset.done $0x0  }
0xa7: {  	[sflag:s23] =	ssyncadd.s32 s6;
	_ =	sdelay $0x1  }
0xa8: {  	s24 =	simm.s32 $0x1B8B  }
0xa9: {  	_ =	swait.ge [sflag:s24], $0x1  }
0xaa: {  	[sflag:s24] =	ssyncset.done $0x0  }
0xab: {  	s25 =	simm.s32 $0x1B8E;
	[sflag:s24] =	ssyncadd.s32 $0xFFFFFFFF  }
0xac: {  	s26 =	simm.s32 $execute0_lowered;
	[smem:$0x3FD2] =	sst s25  }
0xad: {  	s6 =	sshll.u32 s26, $0x1;
	_ =	strace $0x80000046;
	[dreg:$0x1] =	wrdreg $0xFFFFFFFF  }
0xae: {  	s28 =	simm.s32 $_size_execute0_lowered;
	s5 =	sadd.s32 s5, s6;
	[dreg:$0x0] =	wrdreg $0x0  }
0xaf: {  	s6 =	sshll.u32 s28, $0x1;
	[dreg:$0x2] =	wrdreg s5  }
0xb0: {  	[dreg:$0x3] =	wrdreg s6  }
0xb1: {  	[dreg:$0x4] =	wrdreg $0xC0  }
0xb2: {  	_ =	task [dreg:s9], $0x5FFFF  }
0xb3: {  	[dreg:$0x1] =	wrdreg $0xFFFFFFFF  }
0xb4: {  	[dreg:$0x0] =	wrdreg $0x60  }
0xb5: {  	[dreg:$0x2] =	wrdreg s4  }
0xb6: {  	[dreg:$0x3] =	wrdreg s16  }
0xb7: {  	[dreg:$0x4] =	wrdreg s17  }
0xb8: {  	[dreg:$0x5] =	wrdreg $0x9  }
0xb9: {  	_ =	task.clear_ibuf [dreg:s9], $0x6FFFF;
	_ =	strace $0x90000046  }
0xba: {  	s29 =	simm.s32 $0x9;
	_ =	strace $0x80000048  }
0xbb: {  	_ =	swait.ge [sflag:s29], $0x1  }
0xbc: {  	[sflag:s29] =	ssyncadd.s32 $0xFFFFFFFF  }
0xbd: {  	_ =	strace $0x90000048  }
0xbe: {  	_ =	sfence  }
0xbf: {  	s30 =	sld [smem:$0x0];
	_ =	sdelay $0x2  }
0xc0: {  	s31 =	sshll.u32 s1, $0xD;
	s1 =	sshrl.u32 s1, $0x2  }
0xc1: {  	s3 =	sand.u32 $0x4000, s31;
	s1 =	sadd.s32 s1, s30  }
0xc2: {  	s0 =	sor.u32 s3, s0;
	s1 =	sshll.u32 s1, $0x11  }
0xc3: {  	s0 =	sor.u32 s1, s0  }
0xc4: {  	s0 =	sadd.s32 $0x8F2B, s0  }
0xc5: {  	[sflag:s0] =	ssyncadd.remote.s32 $0x1  }
0xc6: {  	_ =	sfence.sel $0xFFFF  }
0xc7: {  	[dreg:$0x0] =	wrdreg $0xFFFFFFFF;
	(pc) =	sbr.abs _section_cstart, $3  }
0xc8: {  	[dreg:$0x1] =	wrdreg $0xFFFFFFFF  }
0xc9: {  	_ =	task.clear_ibuf [dreg:s9], $0x2FFFF;
	_ =	strace $0x9FFFFFFF  }
0xca: {  	(tm) =	ssettm $0x7FFFFFFF  }
0xcb: {  	_ =	shalt  }
tec
execute0_lowered:
.L_overlay_start_1:
0x0: {  	(tag) =	ssettag $0x1  }
0x1: {  	v0 =	vlaneseq.u32;
	v1 =	vimm.s32 $0x1380  }
0x2: {  	s21 =	rddreg [dreg:$0x0];
	vm0 =	vcmask $0x300;
	v2 =	vimm.s32 $0x3380;
	vm1 =	vcmask $0x704  }
0x3: {  	s0 =	rddreg [dreg:$0x1];
	vm15 =	vcmask $0xB08;
	v1 =	vsel vm0, $0x0, v1;
	v2 =	vsel vm0, $0x2000, v2  }
0x4: {  	s1 =	rddreg [dreg:$0x2];
	s2 =	srdreg.scid;
	vm4 =	vcmask $0xF0C;
	v1 =	vsel vm1, $0x80, v1;
	v2 =	vsel vm1, $0x2080, v2  }
0x5: {  	s5 =	simm.s32 $0x0;
	s4 =	stileid.u32;
	s9 =	simm.s32 $0x7A1400;
	vm5 =	vcmask $0x1310;
	v1 =	vsel vm15, $0x100, v1;
	v2 =	vsel vm15, $0x2100, v2  }
0x6: {  	s8 =	simm.s32 $0x400;
	s16 =	simm.s32 $0x200;
	s22 =	simm.s32 $0x5200;
	vm6 =	vcmask $0x1714;
	v1 =	vsel vm4, $0x180, v1;
	v2 =	vsel vm4, $0x2180, v2  }
0x7: {  	s24 =	simm.s32 $0x6200;
	s30 =	simm.s32 $0x7200;
	s6 =	simm.s32 $0x8200;
	vm7 =	vcmask $0x1B18;
	v1 =	vsel vm5, $0x200, v1;
	v2 =	vsel vm5, $0x2200, v2  }
0x8: {  	s13 =	simm.s32 $0x9200;
	s12 =	simm.s32 $0xA200;
	s10 =	simm.s32 $0xB200;
	vm8 =	vcmask $0x1F1C;
	v1 =	vsel vm6, $0x280, v1;
	v2 =	vsel vm6, $0x2280, v2  }
0x9: {  	s7 =	simm.s32 $0xC200;
	s11 =	simm.s32 $0xD200;
	s14 =	simm.s32 $0xE200;
	vm9 =	vcmask $0x2320;
	v1 =	vsel vm7, $0x300, v1;
	v2 =	vsel vm7, $0x2300, v2  }
0xa: {  	s19 =	simm.s32 $0xF200;
	vm10 =	vcmask $0x2724;
	s28 =	simm.s32 $0x10200;
	s2 =	sand.u32 $0x1, s2;
	v1 =	vsel vm8, $0x380, v1;
	v2 =	vsel vm8, $0x2380, v2  }
0xb: {  	vm11 =	vcmask $0x2B28;
	s4 =	sshll.u32 s4, $0xA;
	[smem:$0x7FF] =	sst s5;
	s3 =	ssub.s32 $0x2, s2;
	v1 =	vsel vm9, $0x1000, v1;
	v2 =	vsel vm9, $0x3000, v2  }
0xc: {  	vm12 =	vcmask $0x2F2C;
	s5 =	simm.s32 $0x3200;
	s2 =	sshll.u32 s2, $0x9;
	s26 =	sshrl.u32 s3, $0x1;
	v1 =	vsel vm10, $0x1080, v1;
	v2 =	vsel vm10, $0x3080, v2  }
0xd: {  	vm13 =	vcmask $0x3330;
	_ =	strace $0x80000047;
	s2 =	sor.u32 s2, s4;
	s3 =	ssub.s32 s3, s26;
	v1 =	vsel vm11, $0x1100, v1;
	v2 =	vsel vm11, $0x3100, v2  }
0xe: {  	vm14 =	vcmask $0x3734;
	s4 =	sshrl.u32 s2, $0x3;
	s29 =	sadd.s32 s1, s2;
	s2 =	simm.s32 $0x11;
	v1 =	vsel vm12, $0x1180, v1;
	v2 =	vsel vm12, $0x3180, v2  }
0xf: {  	v0 =	vmul.u32 $0x80, v0;
	s26 =	simm.s32 $0x4200;
	s0 =	sadd.s32 s0, s4;
	[dreg:$0xc] =	wrdreg s29;
	v1 =	vsel vm13, $0x1200, v1;
	v2 =	vsel vm13, $0x3200, v2  }
0x10: {  	vm15 =	vcmask $0x3B38;
	s1 =	simm.s32 $0x0;
	s31 =	smax.u32 s3, $0x1;
	[dreg:$0xb] =	wrdreg s0;
	v1 =	vsel vm14, $0x1280, v1;
	v3 =	vsel vm14, $0x3280, v2  }
0x11: {  	s3 =	simm.s32 $0x1200;
	s4 =	simm.s32 $0x2200;
	[dreg:$0xd] =	wrdreg s31;
	v2 =	vor.u32 $0x800, v0;
	v1 =	vsel vm15, $0x1300, v1;
	v3 =	vsel vm15, $0x3300, v3  }
.LBB2_1:
0x12: {  	[dreg:$0xe] =	wrdreg s1  }
0x13: {  	s1 =	simm.s32 $0x0;
	s0 =	rddreg [dreg:$0xb]  }
0x14: {  	[tilespmem:s1], [sflag:$0x11] =	stream.linear.gather [hbm4b:s0+s1], $0x200, $0x38;
	[tilespmem:$0x14200] =	vst v63  }
0x15: {  	_ =	swait.ge [sflag:s2], $0x200  }
0x16: {  	[sflag:s2] =	ssyncset.done $0x0  }
0x17: {  	[sflag:s2] =	ssyncadd.s32 $0xFFFFFE00  }
0x18: {  	v4 =	vld [tilespmem:$0x0];
	_ =	sdelay $0x4  }
0x19: {  	(v2sf) =	vpush v4, $0x0;
	_ =	sdelay $0x1  }
0x1a: {  	(v2sf) =	vpush v4, $0x1;
	_ =	sdelay $0x2  }
0x1b: {  	(v2sf) =	vpush v4, $0x2;
	_ =	sdelay $0x2  }
0x1c: {  	(v2sf) =	vpush v4, $0x3;
	_ =	sdelay $0x2  }
0x1d: {  	(v2sf) =	vpush v4, $0x4;
	_ =	sdelay $0x2  }
0x1e: {  	(v2sf) =	vpush v4, $0x5  }
0x1f: {  	s15 =	spop (v2sf)  }
0x20: {  	s0 =	sand.u32 $0xFFFFF80, s15  }
0x21: {  	(v2sf) =	vpush v4, $0x6;
	s17 =	spop (v2sf);
	s0 =	sadd.s32 s21, s0  }
0x22: {  	[tilespmem:s16], [sflag:$0x1] =	stream.strided.gather [hbm4b:s0+s8], $0x1000, s9, s8, $0x38;
	[tilespmem:$0x14200] =	vst v63  }
0x23: {  	s0 =	sand.u32 $0xFFFFF80, s17  }
0x24: {  	(v2sf) =	vpush v4, $0x7;
	s18 =	spop (v2sf);
	s0 =	sadd.s32 s21, s0  }
0x25: {  	[tilespmem:s3], [sflag:$0x2] =	stream.strided.gather [hbm4b:s0+s8], $0x1000, s9, s8, $0x38;
	[tilespmem:$0x14200] =	vst v63  }
0x26: {  	s0 =	sand.u32 $0xFFFFF80, s18  }
0x27: {  	(v2sf) =	vpush v4, $0x8;
	s20 =	spop (v2sf);
	s0 =	sadd.s32 s21, s0  }
0x28: {  	[tilespmem:s4], [sflag:$0x3] =	stream.strided.gather [hbm4b:s0+s8], $0x1000, s9, s8, $0x38;
	[tilespmem:$0x14200] =	vst v63  }
0x29: {  	s0 =	sand.u32 $0xFFFFF80, s20  }
0x2a: {  	(v2sf) =	vpush v4, $0x9;
	s23 =	spop (v2sf);
	s0 =	sadd.s32 s21, s0  }
0x2b: {  	[tilespmem:s5], [sflag:$0x4] =	stream.strided.gather [hbm4b:s0+s8], $0x1000, s9, s8, $0x38;
	[tilespmem:$0x14200] =	vst v63  }
0x2c: {  	s0 =	sand.u32 $0xFFFFF80, s23  }
0x2d: {  	(v2sf) =	vpush v4, $0xA;
	s25 =	spop (v2sf);
	s0 =	sadd.s32 s21, s0  }
0x2e: {  	[tilespmem:s26], [sflag:$0x5] =	stream.strided.gather [hbm4b:s0+s8], $0x1000, s9, s8, $0x38;
	[tilespmem:$0x14200] =	vst v63  }
0x2f: {  	s0 =	sand.u32 $0xFFFFF80, s25  }
0x30: {  	(v2sf) =	vpush v4, $0xB;
	s26 =	spop (v2sf);
	s0 =	sadd.s32 s21, s0  }
0x31: {  	[tilespmem:s22], [sflag:$0x6] =	stream.strided.gather [hbm4b:s0+s8], $0x1000, s9, s8, $0x38;
	[tilespmem:$0x14200] =	vst v63  }
0x32: {  	s0 =	sand.u32 $0xFFFFF80, s26  }
0x33: {  	(v2sf) =	vpush v4, $0xC;
	s29 =	spop (v2sf);
	s0 =	sadd.s32 s21, s0  }
0x34: {  	[tilespmem:s24], [sflag:$0x7] =	stream.strided.gather [hbm4b:s0+s8], $0x1000, s9, s8, $0x38;
	[tilespmem:$0x14200] =	vst v63  }
0x35: {  	s0 =	sand.u32 $0xFFFFF80, s29  }
0x36: {  	(v2sf) =	vpush v4, $0xD;
	s31 =	spop (v2sf);
	s0 =	sadd.s32 s21, s0  }
0x37: {  	[tilespmem:s30], [sflag:$0x8] =	stream.strided.gather [hbm4b:s0+s8], $0x1000, s9, s8, $0x38;
	[tilespmem:$0x14200] =	vst v63  }
0x38: {  	s0 =	sand.u32 $0xFFFFF80, s31  }
0x39: {  	(v2sf) =	vpush v4, $0xE;
	s2 =	spop (v2sf);
	s0 =	sadd.s32 s21, s0  }
0x3a: {  	[tilespmem:s6], [sflag:$0x9] =	stream.strided.gather [hbm4b:s0+s8], $0x1000, s9, s8, $0x38;
	[tilespmem:$0x14200] =	vst v63  }
0x3b: {  	s0 =	sand.u32 $0xFFFFF80, s2  }
0x3c: {  	s3 =	spop (v2sf);
	s0 =	sadd.s32 s21, s0  }
0x3d: {  	[tilespmem:s13], [sflag:$0xA] =	stream.strided.gather [hbm4b:s0+s8], $0x1000, s9, s8, $0x38;
	[tilespmem:$0x14200] =	vst v63  }
0x3e: {  	s0 =	sand.u32 $0xFFFFF80, s3  }
0x3f: {  	s4 =	spop (v2sf);
	s0 =	sadd.s32 s21, s0  }
0x40: {  	[tilespmem:s12], [sflag:$0xB] =	stream.strided.gather [hbm4b:s0+s8], $0x1000, s9, s8, $0x38;
	[tilespmem:$0x14200] =	vst v63  }
0x41: {  	s0 =	sand.u32 $0xFFFFF80, s4  }
0x42: {  	s5 =	spop (v2sf);
	s0 =	sadd.s32 s21, s0  }
0x43: {  	[tilespmem:s10], [sflag:$0xC] =	stream.strided.gather [hbm4b:s0+s8], $0x1000, s9, s8, $0x38;
	[tilespmem:$0x14200] =	vst v63  }
0x44: {  	s0 =	sand.u32 $0xFFFFF80, s5  }
0x45: {  	s6 =	spop (v2sf);
	s0 =	sadd.s32 s21, s0  }
0x46: {  	[tilespmem:s7], [sflag:$0xD] =	stream.strided.gather [hbm4b:s0+s8], $0x1000, s9, s8, $0x38;
	[tilespmem:$0x14200] =	vst v63  }
0x47: {  	s0 =	sand.u32 $0xFFFFF80, s6  }
0x48: {  	s7 =	spop (v2sf);
	s0 =	sadd.s32 s21, s0  }
0x49: {  	[tilespmem:s11], [sflag:$0xE] =	stream.strided.gather [hbm4b:s0+s8], $0x1000, s9, s8, $0x38;
	[tilespmem:$0x14200] =	vst v63  }
0x4a: {  	s0 =	sand.u32 $0xFFFFF80, s7  }
0x4b: {  	s0 =	sadd.s32 s21, s0  }
0x4c: {  	[tilespmem:s14], [sflag:$0xF] =	stream.strided.gather [hbm4b:s0+s8], $0x1000, s9, s8, $0x38;
	[tilespmem:$0x14200] =	vst v63  }
0x4d: {  	v4 =	vld [tilespmem:s1+$0x0];
	_ =	sdelay $0x4  }
0x4e: {  	(v2sf) =	vpush v4, $0xF  }
0x4f: {  	(v2sf) =	vpush v4, $0x0  }
0x50: {  	(v2sf) =	vpush v4, $0x1;
	_ =	sdelay $0x1  }
0x51: {  	(v2sf) =	vpush v4, $0x2;
	_ =	sdelay $0x1  }
0x52: {  	(v2sf) =	vpush v4, $0x3  }
0x53: {  	(v2sf) =	vpush v4, $0x4  }
0x54: {  	(v2sf) =	vpush v4, $0x5  }
0x55: {  	(v2sf) =	vpush v4, $0x6  }
0x56: {  	s10 =	simm.s32 $0x1;
	(v2sf) =	vpush v4, $0x7  }
0x57: {  	s11 =	smin.u32 s10, $0x1F;
	(v2sf) =	vpush v4, $0x8  }
0x58: {  	s0 =	sshll.u32 s11, $0x4;
	(v2sf) =	vpush v4, $0x9  }
0x59: {  	v5 =	vld [tilespmem:s0+$0x0];
	(v2sf) =	vpush v4, $0xA  }
0x5a: {  	(v2sf) =	vpush v4, $0xB  }
0x5b: {  	(v2sf) =	vpush v4, $0xC;
	s12 =	spop (v2sf)  }
0x5c: {  	(v2sf) =	vpush v4, $0xD;
	s0 =	sand.u32 $0xFFFFF80, s12;
	s13 =	spop (v2sf)  }
0x5d: {  	(v2sf) =	vpush v4, $0xE;
	s0 =	sadd.s32 s21, s0;
	s14 =	spop (v2sf)  }
0x5e: {  	(v2sf) =	vpush v5, $0x1;
	[tilespmem:s19], [sflag:$0x10] =	stream.strided.gather [hbm4b:s0+s8], $0x1000, s9, s8, $0x38;
	[tilespmem:$0x14200] =	vst v63  }
0x5f: {  	[dreg:$0xf] =	wrdreg s12;
	s15 =	sand.u32 $0x7F, s13;
	(v2sf) =	vpush v5, $0x0;
	s3 =	spop (v2sf)  }
0x60: {  	s17 =	simm.s32 $0x0;
	v4 =	vor.u32 s15, v0;
	_ =	swait.ge [sflag:s10], $0x1000  }
0x61: {  	v6 =	vmov s17;
	(v2sf) =	vpush v5, $0x2;
	s25 =	spop (v2sf)  }
0x62: {  	v7 =	vshll.u32 v6, $0x3;
	s24 =	spop (v2sf)  }
0x63: {  	v6 =	vand.u32 $0x70, v6;
	v7 =	vand.u32 $0xC00, v7;
	[sflag:s10] =	ssyncset.done $0x0;
	s30 =	spop (v2sf)  }
0x64: {  	v6 =	vor.u32 v6, v7;
	[sflag:s10] =	ssyncadd.s32 $0xFFFFF000;
	s10 =	spop (v2sf)  }
0x65: {  	v7 =	vor.u32 v1, v6;
	v4 =	vld.idx.msk [tilespmem:v4+s16+$0x0], $0xffff;
	s17 =	spop (v2sf)  }
0x66: {  	v8 =	vor.u32 s15, v2;
	(v2sf) =	vpush v5, $0x3;
	s13 =	spop (v2sf)  }
0x67: {  	(v2sf) =	vpush v5, $0x4;
	s12 =	spop (v2sf)  }
0x68: {  	(v2sf) =	vpush v5, $0x5;
	s18 =	spop (v2sf)  }
0x69: {  	(v2sf) =	vpush v5, $0x6;
	s19 =	spop (v2sf)  }
0x6a: {  	(v2sf) =	vpush v5, $0x7;
	[tilespmem:v7+s28+$0x0] =	vst.idx.msk $0xffff, v4;
	s20 =	spop (v2sf)  }
0x6b: {  	v6 =	vor.u32 v3, v6;
	(v2sf) =	vpush v5, $0x8;
	v4 =	vld.idx.msk [tilespmem:v8+s16+$0x0], $0xffff;
	s22 =	spop (v2sf)  }
0x6c: {  	[dreg:$0x14] =	wrdreg s18;
	(v2sf) =	vpush v5, $0x9;
	s23 =	spop (v2sf)  }
0x6d: {  	s29 =	simm.s32 $0x1;
	[dreg:$0x13] =	wrdreg s19;
	(v2sf) =	vpush v5, $0xA;
	s7 =	spop (v2sf)  }
0x6e: {  	s31 =	simm.s32 $0x2;
	[dreg:$0x12] =	wrdreg s20;
	(v2sf) =	vpush v5, $0xB;
	s26 =	spop (v2sf)  }
0x6f: {  	s5 =	sand.u32 $0x7F, s14;
	[dreg:$0x11] =	wrdreg s22;
	(v2sf) =	vpush v5, $0xC;
	s11 =	sand.u32 $0xFFFFF80, s26  }
0x70: {  	v7 =	vor.u32 s5, v0;
	[dreg:$0x10] =	wrdreg s23;
	(v2sf) =	vpush v5, $0xD;
	[tilespmem:v6+s28+$0x0] =	vst.idx.msk $0xffff, v4;
	s22 =	spop (v2sf);
	s11 =	sadd.s32 s21, s11  }
0x71: {  	v4 =	vmov s29;
	(v2sf) =	vpush v5, $0xE;
	[tilespmem:s16], [sflag:$0x1] =	stream.strided.gather [hbm4b:s11+s8], $0x1000, s9, s8, $0x38;
	[tilespmem:$0x14200] =	vst v63  }
0x72: {  	v5 =	vshll.u32 v4, $0x3;
	_ =	swait.ge [sflag:s31], $0x1000  }
0x73: {  	v4 =	vand.u32 $0x71, v4;
	v5 =	vand.u32 $0xC00, v5;
	[sflag:s31] =	ssyncset.done $0x0  }
0x74: {  	s4 =	simm.s32 $0x1200;
	v4 =	vor.u32 v4, v5;
	[sflag:s31] =	ssyncadd.s32 $0xFFFFF000  }
0x75: {  	v6 =	vor.u32 v1, v4;
	v5 =	vld.idx.msk [tilespmem:v7+s4+$0x0], $0xffff  }
0x76: {  	v7 =	vor.u32 s5, v2  }
0x77: {  	s29 =	spop (v2sf)  }
0x78: {  	s26 =	spop (v2sf)  }
0x79: {  	s23 =	spop (v2sf)  }
0x7a: {  	s20 =	spop (v2sf);
	[tilespmem:v6+s28+$0x0] =	vst.idx.msk $0xffff, v5  }
0x7b: {  	v4 =	vor.u32 v3, v4;
	s19 =	spop (v2sf);
	v5 =	vld.idx.msk [tilespmem:v7+s4+$0x0], $0xffff  }
0x7c: {  	s18 =	spop (v2sf)  }
0x7d: {  	s14 =	spop (v2sf)  }
0x7e: {  	s16 =	spop (v2sf)  }
0x7f: {  	s0 =	sand.u32 $0xFFFFF80, s7;
	s11 =	spop (v2sf)  }
0x80: {  	s31 =	sand.u32 $0x7F, s3;
	s5 =	sadd.s32 s21, s0;
	s7 =	spop (v2sf);
	[tilespmem:v4+s28+$0x0] =	vst.idx.msk $0xffff, v5  }
0x81: {  	[tilespmem:s4], [sflag:$0x2] =	stream.strided.gather [hbm4b:s5+s8], $0x1000, s9, s8, $0x38;
	[tilespmem:$0x14200] =	vst v63  }
0x82: {  	s0 =	simm.s32 $0x2;
	v4 =	vor.u32 s31, v0;
	s5 =	spop (v2sf)  }
0x83: {  	v5 =	vmov s0;
	s4 =	simm.s32 $0x3;
	s3 =	spop (v2sf)  }
0x84: {  	v6 =	vshll.u32 v5, $0x3;
	_ =	swait.ge [sflag:s4], $0x1000  }
0x85: {  	v5 =	vand.u32 $0x72, v5;
	v6 =	vand.u32 $0xC00, v6;
	[sflag:s4] =	ssyncset.done $0x0  }
0x86: {  	s1 =	simm.s32 $0x2200;
	v5 =	vor.u32 v5, v6;
	[sflag:s4] =	ssyncadd.s32 $0xFFFFF000  }
0x87: {  	v6 =	vor.u32 v1, v5;
	v4 =	vld.idx.msk [tilespmem:v4+s1+$0x0], $0xffff  }
0x88: {  	v7 =	vor.u32 s31, v2;
	_ =	sdelay $0x3  }
0x89: {  	[tilespmem:v6+s28+$0x0] =	vst.idx.msk $0xffff, v4  }
0x8a: {  	v5 =	vor.u32 v3, v5;
	v4 =	vld.idx.msk [tilespmem:v7+s1+$0x0], $0xffff;
	_ =	sdelay $0x3  }
0x8b: {  	s22 =	sand.u32 $0xFFFFF80, s22  }
0x8c: {  	s25 =	sand.u32 $0x7F, s25;
	s22 =	sadd.s32 s21, s22;
	s4 =	simm.s32 $0x3;
	[tilespmem:v5+s28+$0x0] =	vst.idx.msk $0xffff, v4  }
0x8d: {  	v4 =	vor.u32 s25, v0;
	[tilespmem:s1], [sflag:$0x3] =	stream.strided.gather [hbm4b:s22+s8], $0x1000, s9, s8, $0x38;
	[tilespmem:$0x14200] =	vst v63  }
0x8e: {  	v5 =	vmov s4;
	s22 =	simm.s32 $0x4  }
0x8f: {  	v6 =	vshll.u32 v5, $0x3;
	_ =	swait.ge [sflag:s22], $0x1000  }
0x90: {  	v5 =	vand.u32 $0x73, v5;
	v6 =	vand.u32 $0xC00, v6;
	[sflag:s22] =	ssyncset.done $0x0  }
0x91: {  	s6 =	simm.s32 $0x3200;
	v5 =	vor.u32 v5, v6;
	[sflag:s22] =	ssyncadd.s32 $0xFFFFF000  }
0x92: {  	v6 =	vor.u32 v1, v5;
	v4 =	vld.idx.msk [tilespmem:v4+s6+$0x0], $0xffff  }
0x93: {  	v7 =	vor.u32 s25, v2;
	_ =	sdelay $0x3  }
0x94: {  	[tilespmem:v6+s28+$0x0] =	vst.idx.msk $0xffff, v4  }
0x95: {  	v5 =	vor.u32 v3, v5;
	v4 =	vld.idx.msk [tilespmem:v7+s6+$0x0], $0xffff;
	_ =	sdelay $0x3  }
0x96: {  	s31 =	sand.u32 $0x7F, s24;
	s1 =	sand.u32 $0xFFFFF80, s29  }
0x97: {  	s4 =	simm.s32 $0x4;
	s29 =	simm.s32 $0x5;
	s24 =	sadd.s32 s21, s1;
	[tilespmem:v5+s28+$0x0] =	vst.idx.msk $0xffff, v4;
	v4 =	vor.u32 s31, v0  }
0x98: {  	v5 =	vmov s4;
	[tilespmem:s6], [sflag:$0x4] =	stream.strided.gather [hbm4b:s24+s8], $0x1000, s9, s8, $0x38;
	[tilespmem:$0x14200] =	vst v63  }
0x99: {  	v6 =	vshll.u32 v5, $0x3;
	_ =	swait.ge [sflag:s29], $0x1000  }
0x9a: {  	v5 =	vand.u32 $0x74, v5;
	v6 =	vand.u32 $0xC00, v6;
	[sflag:s29] =	ssyncset.done $0x0  }
0x9b: {  	s2 =	simm.s32 $0x4200;
	v5 =	vor.u32 v5, v6;
	[sflag:s29] =	ssyncadd.s32 $0xFFFFF000  }
0x9c: {  	v6 =	vor.u32 v1, v5;
	v4 =	vld.idx.msk [tilespmem:v4+s2+$0x0], $0xffff  }
0x9d: {  	v7 =	vor.u32 s31, v2;
	_ =	sdelay $0x3  }
0x9e: {  	[tilespmem:v6+s28+$0x0] =	vst.idx.msk $0xffff, v4  }
0x9f: {  	v5 =	vor.u32 v3, v5;
	v4 =	vld.idx.msk [tilespmem:v7+s2+$0x0], $0xffff;
	_ =	sdelay $0x3  }
0xa0: {  	s31 =	sand.u32 $0x7F, s30;
	s4 =	simm.s32 $0x4200;
	s2 =	sand.u32 $0xFFFFF80, s26  }
0xa1: {  	s30 =	simm.s32 $0x6;
	s6 =	simm.s32 $0x5;
	s22 =	sadd.s32 s21, s2;
	[tilespmem:v5+s28+$0x0] =	vst.idx.msk $0xffff, v4;
	v4 =	vor.u32 s31, v0  }
0xa2: {  	v5 =	vmov s6;
	[tilespmem:s4], [sflag:$0x5] =	stream.strided.gather [hbm4b:s22+s8], $0x1000, s9, s8, $0x38;
	[tilespmem:$0x14200] =	vst v63  }
0xa3: {  	v6 =	vshll.u32 v5, $0x3;
	_ =	swait.ge [sflag:s30], $0x1000  }
0xa4: {  	v5 =	vand.u32 $0x75, v5;
	v6 =	vand.u32 $0xC00, v6;
	[sflag:s30] =	ssyncset.done $0x0  }
0xa5: {  	s26 =	simm.s32 $0x5200;
	v5 =	vor.u32 v5, v6;
	[sflag:s30] =	ssyncadd.s32 $0xFFFFF000  }
0xa6: {  	v6 =	vor.u32 v1, v5;
	v4 =	vld.idx.msk [tilespmem:v4+s26+$0x0], $0xffff  }
0xa7: {  	v7 =	vor.u32 s31, v2;
	_ =	sdelay $0x3  }
0xa8: {  	[tilespmem:v6+s28+$0x0] =	vst.idx.msk $0xffff, v4  }
0xa9: {  	v5 =	vor.u32 v3, v5;
	v4 =	vld.idx.msk [tilespmem:v7+s26+$0x0], $0xffff;
	_ =	sdelay $0x3  }
0xaa: {  	s2 =	sand.u32 $0xFFFFF80, s23;
	s31 =	sand.u32 $0x7F, s10  }
0xab: {  	s23 =	sadd.s32 s21, s2;
	s6 =	simm.s32 $0x7;
	s4 =	simm.s32 $0x6;
	[tilespmem:v5+s28+$0x0] =	vst.idx.msk $0xffff, v4;
	v4 =	vor.u32 s31, v0  }
0xac: {  	v5 =	vmov s4;
	[tilespmem:s26], [sflag:$0x6] =	stream.strided.gather [hbm4b:s23+s8], $0x1000, s9, s8, $0x38;
	[tilespmem:$0x14200] =	vst v63  }
0xad: {  	v6 =	vshll.u32 v5, $0x3;
	_ =	swait.ge [sflag:s6], $0x1000  }
0xae: {  	v5 =	vand.u32 $0x76, v5;
	v6 =	vand.u32 $0xC00, v6;
	[sflag:s6] =	ssyncset.done $0x0  }
0xaf: {  	s24 =	simm.s32 $0x6200;
	v5 =	vor.u32 v5, v6;
	[sflag:s6] =	ssyncadd.s32 $0xFFFFF000  }
0xb0: {  	v6 =	vor.u32 v1, v5;
	v4 =	vld.idx.msk [tilespmem:v4+s24+$0x0], $0xffff  }
0xb1: {  	v7 =	vor.u32 s31, v2;
	_ =	sdelay $0x3  }
0xb2: {  	[tilespmem:v6+s28+$0x0] =	vst.idx.msk $0xffff, v4  }
0xb3: {  	v5 =	vor.u32 v3, v5;
	v4 =	vld.idx.msk [tilespmem:v7+s24+$0x0], $0xffff;
	_ =	sdelay $0x3  }
0xb4: {  	s22 =	sand.u32 $0xFFFFF80, s20  }
0xb5: {  	s10 =	sand.u32 $0x7F, s17;
	s17 =	sadd.s32 s21, s22;
	s23 =	simm.s32 $0x7;
	[tilespmem:v5+s28+$0x0] =	vst.idx.msk $0xffff, v4  }
0xb6: {  	v4 =	vor.u32 s10, v0;
	[tilespmem:s24], [sflag:$0x7] =	stream.strided.gather [hbm4b:s17+s8], $0x1000, s9, s8, $0x38;
	[tilespmem:$0x14200] =	vst v63  }
0xb7: {  	v5 =	vmov s23;
	s24 =	simm.s32 $0x8  }
0xb8: {  	v6 =	vshll.u32 v5, $0x3;
	_ =	swait.ge [sflag:s24], $0x1000  }
0xb9: {  	v5 =	vand.u32 $0x77, v5;
	v6 =	vand.u32 $0xC00, v6;
	[sflag:s24] =	ssyncset.done $0x0  }
0xba: {  	s29 =	simm.s32 $0x7200;
	v5 =	vor.u32 v5, v6;
	[sflag:s24] =	ssyncadd.s32 $0xFFFFF000  }
0xbb: {  	v6 =	vor.u32 v1, v5;
	v4 =	vld.idx.msk [tilespmem:v4+s29+$0x0], $0xffff  }
0xbc: {  	v7 =	vor.u32 s10, v2;
	_ =	sdelay $0x3  }
0xbd: {  	[tilespmem:v6+s28+$0x0] =	vst.idx.msk $0xffff, v4  }
0xbe: {  	v5 =	vor.u32 v3, v5;
	v4 =	vld.idx.msk [tilespmem:v7+s29+$0x0], $0xffff;
	_ =	sdelay $0x3  }
0xbf: {  	s25 =	sand.u32 $0x7F, s13;
	s26 =	sand.u32 $0xFFFFF80, s19  }
0xc0: {  	s30 =	simm.s32 $0x8;
	s31 =	simm.s32 $0x9;
	s13 =	sadd.s32 s21, s26;
	[tilespmem:v5+s28+$0x0] =	vst.idx.msk $0xffff, v4;
	v4 =	vor.u32 s25, v0  }
0xc1: {  	v5 =	vmov s30;
	[tilespmem:s29], [sflag:$0x8] =	stream.strided.gather [hbm4b:s13+s8], $0x1000, s9, s8, $0x38;
	[tilespmem:$0x14200] =	vst v63  }
0xc2: {  	v6 =	vshll.u32 v5, $0x3;
	_ =	swait.ge [sflag:s31], $0x1000  }
0xc3: {  	v5 =	vand.u32 $0x78, v5;
	v6 =	vand.u32 $0xC00, v6;
	[sflag:s31] =	ssyncset.done $0x0  }
0xc4: {  	s15 =	simm.s32 $0x8200;
	v5 =	vor.u32 v5, v6;
	[sflag:s31] =	ssyncadd.s32 $0xFFFFF000  }
0xc5: {  	v6 =	vor.u32 v1, v5;
	v4 =	vld.idx.msk [tilespmem:v4+s15+$0x0], $0xffff  }
0xc6: {  	v7 =	vor.u32 s25, v2;
	_ =	sdelay $0x3  }
0xc7: {  	[tilespmem:v6+s28+$0x0] =	vst.idx.msk $0xffff, v4  }
0xc8: {  	v5 =	vor.u32 v3, v5;
	v4 =	vld.idx.msk [tilespmem:v7+s15+$0x0], $0xffff;
	_ =	sdelay $0x3  }
0xc9: {  	s2 =	sand.u32 $0xFFFFF80, s18  }
0xca: {  	s0 =	sand.u32 $0x7F, s12;
	s12 =	sadd.s32 s21, s2;
	s4 =	simm.s32 $0x9;
	[tilespmem:v5+s28+$0x0] =	vst.idx.msk $0xffff, v4  }
0xcb: {  	v4 =	vor.u32 s0, v0;
	[tilespmem:s15], [sflag:$0x9] =	stream.strided.gather [hbm4b:s12+s8], $0x1000, s9, s8, $0x38;
	[tilespmem:$0x14200] =	vst v63  }
0xcc: {  	v5 =	vmov s4;
	s12 =	simm.s32 $0xA  }
0xcd: {  	v6 =	vshll.u32 v5, $0x3;
	_ =	swait.ge [sflag:s12], $0x1000  }
0xce: {  	v5 =	vand.u32 $0x79, v5;
	v6 =	vand.u32 $0xC00, v6;
	[sflag:s12] =	ssyncset.done $0x0  }
0xcf: {  	s6 =	simm.s32 $0x9200;
	v5 =	vor.u32 v5, v6;
	[sflag:s12] =	ssyncadd.s32 $0xFFFFF000  }
0xd0: {  	v6 =	vor.u32 v1, v5;
	v4 =	vld.idx.msk [tilespmem:v4+s6+$0x0], $0xffff  }
0xd1: {  	v7 =	vor.u32 s0, v2;
	_ =	sdelay $0x3  }
0xd2: {  	[tilespmem:v6+s28+$0x0] =	vst.idx.msk $0xffff, v4  }
0xd3: {  	v5 =	vor.u32 v3, v5;
	v4 =	vld.idx.msk [tilespmem:v7+s6+$0x0], $0xffff;
	_ =	sdelay $0x2  }
0xd4: {  	s13 =	rddreg [dreg:$0x14]  }
0xd5: {  	s15 =	sand.u32 $0xFFFFF80, s14;
	s1 =	sand.u32 $0x7F, s13  }
0xd6: {  	s20 =	simm.s32 $0xB;
	s17 =	simm.s32 $0xA;
	s10 =	sadd.s32 s21, s15;
	[tilespmem:v5+s28+$0x0] =	vst.idx.msk $0xffff, v4;
	v4 =	vor.u32 s1, v0  }
0xd7: {  	v5 =	vmov s17;
	[tilespmem:s6], [sflag:$0xA] =	stream.strided.gather [hbm4b:s10+s8], $0x1000, s9, s8, $0x38;
	[tilespmem:$0x14200] =	vst v63  }
0xd8: {  	v6 =	vshll.u32 v5, $0x3;
	_ =	swait.ge [sflag:s20], $0x1000  }
0xd9: {  	v5 =	vand.u32 $0x7A, v5;
	v6 =	vand.u32 $0xC00, v6;
	[sflag:s20] =	ssyncset.done $0x0  }
0xda: {  	s18 =	simm.s32 $0xA200;
	v5 =	vor.u32 v5, v6;
	[sflag:s20] =	ssyncadd.s32 $0xFFFFF000  }
0xdb: {  	v6 =	vor.u32 v1, v5;
	v4 =	vld.idx.msk [tilespmem:v4+s18+$0x0], $0xffff  }
0xdc: {  	v7 =	vor.u32 s1, v2;
	_ =	sdelay $0x3  }
0xdd: {  	[tilespmem:v6+s28+$0x0] =	vst.idx.msk $0xffff, v4  }
0xde: {  	v5 =	vor.u32 v3, v5;
	v4 =	vld.idx.msk [tilespmem:v7+s18+$0x0], $0xffff;
	_ =	sdelay $0x2  }
0xdf: {  	s22 =	rddreg [dreg:$0x13]  }
0xe0: {  	s23 =	sand.u32 $0xFFFFF80, s16;
	s1 =	sand.u32 $0x7F, s22  }
0xe1: {  	s26 =	simm.s32 $0xC;
	s24 =	simm.s32 $0xB;
	s6 =	sadd.s32 s21, s23;
	[tilespmem:v5+s28+$0x0] =	vst.idx.msk $0xffff, v4;
	v4 =	vor.u32 s1, v0  }
0xe2: {  	v5 =	vmov s24;
	[tilespmem:s18], [sflag:$0xB] =	stream.strided.gather [hbm4b:s6+s8], $0x1000, s9, s8, $0x38;
	[tilespmem:$0x14200] =	vst v63  }
0xe3: {  	v6 =	vshll.u32 v5, $0x3;
	_ =	swait.ge [sflag:s26], $0x1000  }
0xe4: {  	v5 =	vand.u32 $0x7B, v5;
	v6 =	vand.u32 $0xC00, v6;
	[sflag:s26] =	ssyncset.done $0x0  }
0xe5: {  	s25 =	simm.s32 $0xB200;
	v5 =	vor.u32 v5, v6;
	[sflag:s26] =	ssyncadd.s32 $0xFFFFF000  }
0xe6: {  	v6 =	vor.u32 v1, v5;
	v4 =	vld.idx.msk [tilespmem:v4+s25+$0x0], $0xffff  }
0xe7: {  	v7 =	vor.u32 s1, v2;
	_ =	sdelay $0x3  }
0xe8: {  	[tilespmem:v6+s28+$0x0] =	vst.idx.msk $0xffff, v4  }
0xe9: {  	v5 =	vor.u32 v3, v5;
	v4 =	vld.idx.msk [tilespmem:v7+s25+$0x0], $0xffff;
	_ =	sdelay $0x2  }
0xea: {  	s29 =	rddreg [dreg:$0x12]  }
0xeb: {  	s30 =	sand.u32 $0xFFFFF80, s11;
	s1 =	sand.u32 $0x7F, s29  }
0xec: {  	s2 =	simm.s32 $0xC;
	s11 =	simm.s32 $0xD;
	s4 =	sadd.s32 s21, s30;
	[tilespmem:v5+s28+$0x0] =	vst.idx.msk $0xffff, v4;
	v4 =	vor.u32 s1, v0  }
0xed: {  	v5 =	vmov s2;
	[tilespmem:s25], [sflag:$0xC] =	stream.strided.gather [hbm4b:s4+s8], $0x1000, s9, s8, $0x38;
	[tilespmem:$0x14200] =	vst v63  }
0xee: {  	v6 =	vshll.u32 v5, $0x3;
	_ =	swait.ge [sflag:s11], $0x1000  }
0xef: {  	v5 =	vand.u32 $0x7C, v5;
	v6 =	vand.u32 $0xC00, v6;
	[sflag:s11] =	ssyncset.done $0x0  }
0xf0: {  	s12 =	simm.s32 $0xC200;
	v5 =	vor.u32 v5, v6;
	[sflag:s11] =	ssyncadd.s32 $0xFFFFF000  }
0xf1: {  	v6 =	vor.u32 v1, v5;
	v4 =	vld.idx.msk [tilespmem:v4+s12+$0x0], $0xffff  }
0xf2: {  	v7 =	vor.u32 s1, v2;
	_ =	sdelay $0x3  }
0xf3: {  	s14 =	simm.s32 $0xC200;
	[tilespmem:v6+s28+$0x0] =	vst.idx.msk $0xffff, v4  }
0xf4: {  	v5 =	vor.u32 v3, v5;
	v4 =	vld.idx.msk [tilespmem:v7+s14+$0x0], $0xffff;
	_ =	sdelay $0x2  }
0xf5: {  	s15 =	rddreg [dreg:$0x11]  }
0xf6: {  	s17 =	sand.u32 $0xFFFFF80, s7;
	s20 =	simm.s32 $0xD;
	s16 =	sand.u32 $0x7F, s15  }
0xf7: {  	s22 =	simm.s32 $0xE;
	s18 =	simm.s32 $0xC200;
	s2 =	sadd.s32 s21, s17;
	[tilespmem:v5+s28+$0x0] =	vst.idx.msk $0xffff, v4;
	v4 =	vor.u32 s16, v0  }
0xf8: {  	v5 =	vmov s20;
	[tilespmem:s18], [sflag:$0xD] =	stream.strided.gather [hbm4b:s2+s8], $0x1000, s9, s8, $0x38;
	[tilespmem:$0x14200] =	vst v63  }
0xf9: {  	v6 =	vshll.u32 v5, $0x3;
	_ =	swait.ge [sflag:s22], $0x1000  }
0xfa: {  	v5 =	vand.u32 $0x7D, v5;
	v6 =	vand.u32 $0xC00, v6;
	[sflag:s22] =	ssyncset.done $0x0  }
0xfb: {  	s31 =	simm.s32 $0xD200;
	v5 =	vor.u32 v5, v6;
	[sflag:s22] =	ssyncadd.s32 $0xFFFFF000  }
0xfc: {  	v6 =	vor.u32 v1, v5;
	v4 =	vld.idx.msk [tilespmem:v4+s31+$0x0], $0xffff  }
0xfd: {  	v7 =	vor.u32 s16, v2;
	_ =	sdelay $0x3  }
0xfe: {  	[tilespmem:v6+s28+$0x0] =	vst.idx.msk $0xffff, v4  }
0xff: {  	v5 =	vor.u32 v3, v5;
	v4 =	vld.idx.msk [tilespmem:v7+s31+$0x0], $0xffff;
	_ =	sdelay $0x2  }
0x100: {  	s23 =	rddreg [dreg:$0x10]  }
0x101: {  	s24 =	sand.u32 $0xFFFFF80, s5;
	s0 =	sand.u32 $0x7F, s23  }
0x102: {  	s26 =	simm.s32 $0xF;
	s1 =	sadd.s32 s21, s24;
	s25 =	simm.s32 $0xE;
	[tilespmem:v5+s28+$0x0] =	vst.idx.msk $0xffff, v4;
	v4 =	vor.u32 s0, v0  }
0x103: {  	v5 =	vmov s25;
	[tilespmem:s31], [sflag:$0xE] =	stream.strided.gather [hbm4b:s1+s8], $0x1000, s9, s8, $0x38;
	[tilespmem:$0x14200] =	vst v63  }
0x104: {  	v6 =	vshll.u32 v5, $0x3;
	_ =	swait.ge [sflag:s26], $0x1000  }
0x105: {  	v5 =	vand.u32 $0x7E, v5;
	v6 =	vand.u32 $0xC00, v6;
	[sflag:s26] =	ssyncset.done $0x0  }
0x106: {  	s13 =	simm.s32 $0xE200;
	v5 =	vor.u32 v5, v6;
	[sflag:s26] =	ssyncadd.s32 $0xFFFFF000  }
0x107: {  	v6 =	vor.u32 v1, v5;
	v4 =	vld.idx.msk [tilespmem:v4+s13+$0x0], $0xffff  }
0x108: {  	v7 =	vor.u32 s0, v2;
	_ =	sdelay $0x3  }
0x109: {  	[tilespmem:v6+s28+$0x0] =	vst.idx.msk $0xffff, v4  }
0x10a: {  	v5 =	vor.u32 v3, v5;
	v4 =	vld.idx.msk [tilespmem:v7+s13+$0x0], $0xffff;
	_ =	sdelay $0x2  }
0x10b: {  	s29 =	rddreg [dreg:$0xf]  }
0x10c: {  	s30 =	sand.u32 $0xFFFFF80, s3;
	s0 =	sand.u32 $0x7F, s29  }
0x10d: {  	s1 =	sadd.s32 s21, s30;
	s31 =	simm.s32 $0x10;
	[tilespmem:v5+s28+$0x0] =	vst.idx.msk $0xffff, v4;
	v4 =	vor.u32 s0, v0  }
0x10e: {  	v5 =	vmov s26;
	[tilespmem:s13], [sflag:$0xF] =	stream.strided.gather [hbm4b:s1+s8], $0x1000, s9, s8, $0x38;
	[tilespmem:$0x14200] =	vst v63  }
0x10f: {  	v6 =	vshll.u32 v5, $0x3;
	_ =	swait.ge [sflag:s31], $0x1000  }
0x110: {  	v5 =	vand.u32 $0x7F, v5;
	v6 =	vand.u32 $0xC00, v6;
	[sflag:s31] =	ssyncset.done $0x0  }
0x111: {  	s19 =	simm.s32 $0xF200;
	v5 =	vor.u32 v5, v6;
	[sflag:s31] =	ssyncadd.s32 $0xFFFFF000  }
0x112: {  	v6 =	vor.u32 v1, v5;
	v4 =	vld.idx.msk [tilespmem:v4+s19+$0x0], $0xffff  }
0x113: {  	v7 =	vor.u32 s0, v2;
	_ =	sdelay $0x3  }
0x114: {  	[tilespmem:v6+s28+$0x0] =	vst.idx.msk $0xffff, v4  }
0x115: {  	s17 =	simm.s32 $0x0;
	s15 =	simm.s32 $0x1F;
	s16 =	simm.s32 $0x1;
	v5 =	vor.u32 v3, v5;
	v4 =	vld.idx.msk [tilespmem:v7+s19+$0x0], $0xffff  }
.LBB2_2:
0x116: {  	_ =	sdelay $0x3  }
0x117: {  	s17 =	sadd.s32 $0x10, s17;
	[tilespmem:v5+s28+$0x0] =	vst.idx.msk $0xffff, v4  }
0x118: {  	v4 =	vld [tilespmem:s17+$0x0];
	_ =	sdelay $0x4  }
0x119: {  	(v2sf) =	vpush v4, $0xF  }
0x11a: {  	(v2sf) =	vpush v4, $0x0  }
0x11b: {  	(v2sf) =	vpush v4, $0x1;
	_ =	sdelay $0x1  }
0x11c: {  	(v2sf) =	vpush v4, $0x2;
	_ =	sdelay $0x1  }
0x11d: {  	(v2sf) =	vpush v4, $0x3  }
0x11e: {  	(v2sf) =	vpush v4, $0x4  }
0x11f: {  	(v2sf) =	vpush v4, $0x5  }
0x120: {  	(v2sf) =	vpush v4, $0x6  }
0x121: {  	s16 =	sadd.s32 $0x1, s16;
	(v2sf) =	vpush v4, $0x7  }
0x122: {  	s0 =	smin.u32 s16, $0x1F;
	(v2sf) =	vpush v4, $0x8  }
0x123: {  	s0 =	sshll.u32 s0, $0x4;
	(v2sf) =	vpush v4, $0x9  }
0x124: {  	v5 =	vld [tilespmem:s0+$0x0];
	(v2sf) =	vpush v4, $0xA  }
0x125: {  	(v2sf) =	vpush v4, $0xB  }
0x126: {  	s18 =	smov.u32 s15;
	(v2sf) =	vpush v4, $0xC;
	s14 =	spop (v2sf)  }
0x127: {  	s23 =	simm.s32 $0x1;
	(v2sf) =	vpush v4, $0xD;
	s2 =	sand.u32 $0xFFFFF80, s14;
	s3 =	spop (v2sf)  }
0x128: {  	(v2sf) =	vpush v4, $0xE;
	s0 =	sand.u32 $0x7F, s14;
	s2 =	sadd.s32 s21, s2;
	s20 =	spop (v2sf)  }
0x129: {  	(v2sf) =	vpush v5, $0x1;
	[tilespmem:s19], [sflag:$0x10] =	stream.strided.gather [hbm4b:s2+s8], $0x1000, s9, s8, $0x38;
	[tilespmem:$0x14200] =	vst v63  }
0x12a: {  	s4 =	sand.u32 $0x7F, s3;
	[dreg:$0x4] =	wrdreg s0;
	(v2sf) =	vpush v5, $0x0;
	s22 =	spop (v2sf)  }
0x12b: {  	s1 =	sadd.s32 $0xFFFFFFF1, s18;
	v6 =	vor.u32 s4, v0;
	_ =	swait.ge [sflag:s23], $0x1000  }
0x12c: {  	v4 =	vmov s1;
	(v2sf) =	vpush v5, $0x2;
	s24 =	spop (v2sf)  }
0x12d: {  	v7 =	vshll.u32 v4, $0x3;
	s25 =	spop (v2sf)  }
0x12e: {  	v4 =	vand.u32 $0x70, v4;
	v7 =	vand.u32 $0xC00, v7;
	[sflag:s23] =	ssyncset.done $0x0;
	s26 =	spop (v2sf)  }
0x12f: {  	s11 =	simm.s32 $0x200;
	v4 =	vor.u32 v4, v7;
	[sflag:s23] =	ssyncadd.s32 $0xFFFFF000;
	(v2sf) =	vpush v5, $0x3;
	s29 =	spop (v2sf)  }
0x130: {  	v7 =	vor.u32 v1, v4;
	v6 =	vld.idx.msk [tilespmem:v6+s11+$0x0], $0xffff;
	(v2sf) =	vpush v5, $0x4;
	s31 =	spop (v2sf)  }
0x131: {  	v8 =	vor.u32 s4, v2;
	(v2sf) =	vpush v5, $0x5;
	s2 =	spop (v2sf)  }
0x132: {  	(v2sf) =	vpush v5, $0x6;
	s5 =	spop (v2sf)  }
0x133: {  	(v2sf) =	vpush v5, $0x7;
	s6 =	spop (v2sf)  }
0x134: {  	s3 =	sand.u32 $0x7F, s20;
	(v2sf) =	vpush v5, $0x8;
	s14 =	spop (v2sf)  }
0x135: {  	s1 =	sand.u32 $0x7F, s22;
	s13 =	sand.u32 $0x7F, s24;
	[tilespmem:v7+s28+$0x0] =	vst.idx.msk $0xffff, v6;
	(v2sf) =	vpush v5, $0x9;
	s19 =	spop (v2sf)  }
0x136: {  	v4 =	vor.u32 v3, v4;
	s12 =	sand.u32 $0x7F, s25;
	s10 =	sand.u32 $0x7F, s26;
	v6 =	vld.idx.msk [tilespmem:v8+s11+$0x0], $0xffff;
	(v2sf) =	vpush v5, $0xA;
	s20 =	spop (v2sf)  }
0x137: {  	s7 =	sand.u32 $0x7F, s29;
	s4 =	sand.u32 $0x7F, s31;
	(v2sf) =	vpush v5, $0xB;
	s22 =	spop (v2sf)  }
0x138: {  	s31 =	sand.u32 $0x7F, s5;
	s25 =	sand.u32 $0x7F, s14;
	s24 =	spop (v2sf)  }
0x139: {  	s14 =	simm.s32 $0x2;
	s0 =	sand.u32 $0x7F, s20;
	(v2sf) =	vpush v5, $0xC;
	s5 =	spop (v2sf)  }
0x13a: {  	[dreg:$0x6] =	wrdreg s0;
	s0 =	sand.u32 $0x7F, s22;
	s5 =	sand.u32 $0xFFFFF80, s5  }
0x13b: {  	(v2sf) =	vpush v5, $0xD;
	[dreg:$0x5] =	wrdreg s0;
	[tilespmem:v4+s28+$0x0] =	vst.idx.msk $0xffff, v6;
	s26 =	spop (v2sf);
	s5 =	sadd.s32 s21, s5  }
0x13c: {  	(v2sf) =	vpush v5, $0xE;
	[tilespmem:s11], [sflag:$0x1] =	stream.strided.gather [hbm4b:s5+s8], $0x1000, s9, s8, $0x38;
	[tilespmem:$0x14200] =	vst v63  }
0x13d: {  	s29 =	sand.u32 $0x7F, s6;
	s6 =	sadd.s32 $0xFFFFFFF2, s18;
	v5 =	vor.u32 s3, v0;
	_ =	swait.ge [sflag:s14], $0x1000  }
0x13e: {  	s23 =	sand.u32 $0x7F, s19;
	v4 =	vmov s6;
	s19 =	spop (v2sf)  }
0x13f: {  	v6 =	vshll.u32 v4, $0x3;
	[sflag:s14] =	ssyncset.done $0x0;
	s20 =	spop (v2sf)  }
0x140: {  	v4 =	vand.u32 $0x71, v4;
	v6 =	vand.u32 $0xC00, v6;
	[sflag:s14] =	ssyncadd.s32 $0xFFFFF000;
	s6 =	spop (v2sf)  }
0x141: {  	v4 =	vor.u32 v4, v6;
	s0 =	sand.u32 $0xFFFFF80, s20;
	s20 =	simm.s32 $0x1200;
	s11 =	spop (v2sf)  }
0x142: {  	s22 =	sand.u32 $0xFFFFF80, s24;
	v6 =	vor.u32 v1, v4;
	s24 =	sand.u32 $0xFFFFF80, s19;
	v5 =	vld.idx.msk [tilespmem:v5+s20+$0x0], $0xffff;
	s19 =	spop (v2sf)  }
0x143: {  	v7 =	vor.u32 s3, v2;
	s5 =	spop (v2sf)  }
0x144: {  	s14 =	sand.u32 $0xFFFFF80, s6;
	s6 =	sand.u32 $0xFFFFF80, s19;
	s19 =	spop (v2sf)  }
0x145: {  	s3 =	sand.u32 $0xFFFFF80, s19;
	s19 =	spop (v2sf)  }
0x146: {  	s30 =	spop (v2sf)  }
0x147: {  	[tilespmem:v6+s28+$0x0] =	vst.idx.msk $0xffff, v5;
	s30 =	sand.u32 $0xFFFFF80, s30  }
0x148: {  	v4 =	vor.u32 v3, v4;
	v5 =	vld.idx.msk [tilespmem:v7+s20+$0x0], $0xffff;
	[dreg:$0xa] =	wrdreg s30;
	s30 =	spop (v2sf)  }
0x149: {  	s30 =	sand.u32 $0xFFFFF80, s30  }
0x14a: {  	[dreg:$0x9] =	wrdreg s30;
	s30 =	spop (v2sf)  }
0x14b: {  	s30 =	sand.u32 $0xFFFFF80, s30  }
0x14c: {  	[dreg:$0x8] =	wrdreg s30;
	s30 =	spop (v2sf)  }
0x14d: {  	s22 =	sadd.s32 s21, s22;
	[tilespmem:v4+s28+$0x0] =	vst.idx.msk $0xffff, v5;
	s30 =	sand.u32 $0xFFFFF80, s30  }
0x14e: {  	[tilespmem:s20], [sflag:$0x2] =	stream.strided.gather [hbm4b:s22+s8], $0x1000, s9, s8, $0x38;
	[tilespmem:$0x14200] =	vst v63  }
0x14f: {  	v6 =	vor.u32 s1, v0;
	[dreg:$0x7] =	wrdreg s30;
	s30 =	sadd.s32 $0xFFFFFFF3, s18  }
0x150: {  	s20 =	simm.s32 $0x3;
	v4 =	vmov s30  }
0x151: {  	_ =	swait.ge [sflag:s20], $0x1000;
	v5 =	vshll.u32 v4, $0x3  }
0x152: {  	[sflag:s20] =	ssyncset.done $0x0;
	v4 =	vand.u32 $0x72, v4;
	v5 =	vand.u32 $0xC00, v5  }
0x153: {  	[sflag:s20] =	ssyncadd.s32 $0xFFFFF000;
	s20 =	simm.s32 $0x2200;
	v4 =	vor.u32 v4, v5  }
0x154: {  	v6 =	vld.idx.msk [tilespmem:v6+s20+$0x0], $0xffff;
	v5 =	vor.u32 v1, v4  }
0x155: {  	v7 =	vor.u32 s1, v2;
	_ =	sdelay $0x3  }
0x156: {  	[tilespmem:v5+s28+$0x0] =	vst.idx.msk $0xffff, v6  }
0x157: {  	v4 =	vor.u32 v3, v4;
	v5 =	vld.idx.msk [tilespmem:v7+s20+$0x0], $0xffff;
	_ =	sdelay $0x3  }
0x158: {  	s26 =	sand.u32 $0xFFFFF80, s26;
	s22 =	sadd.s32 $0xFFFFFFF4, s18  }
0x159: {  	s1 =	sadd.s32 s21, s26;
	[tilespmem:v4+s28+$0x0] =	vst.idx.msk $0xffff, v5;
	v4 =	vor.u32 s13, v0;
	v5 =	vmov s22;
	s22 =	simm.s32 $0x4  }
0x15a: {  	[tilespmem:s20], [sflag:$0x3] =	stream.strided.gather [hbm4b:s1+s8], $0x1000, s9, s8, $0x38;
	[tilespmem:$0x14200] =	vst v63  }
0x15b: {  	v6 =	vshll.u32 v5, $0x3;
	_ =	swait.ge [sflag:s22], $0x1000  }
0x15c: {  	v5 =	vand.u32 $0x73, v5;
	v6 =	vand.u32 $0xC00, v6;
	[sflag:s22] =	ssyncset.done $0x0  }
0x15d: {  	s20 =	simm.s32 $0x3200;
	v5 =	vor.u32 v5, v6;
	[sflag:s22] =	ssyncadd.s32 $0xFFFFF000  }
0x15e: {  	v6 =	vor.u32 v1, v5;
	v4 =	vld.idx.msk [tilespmem:v4+s20+$0x0], $0xffff  }
0x15f: {  	v7 =	vor.u32 s13, v2;
	_ =	sdelay $0x3  }
0x160: {  	[tilespmem:v6+s28+$0x0] =	vst.idx.msk $0xffff, v4  }
0x161: {  	v5 =	vor.u32 v3, v5;
	v4 =	vld.idx.msk [tilespmem:v7+s20+$0x0], $0xffff;
	_ =	sdelay $0x4  }
0x162: {  	s13 =	sadd.s32 $0xFFFFFFF5, s18;
	s1 =	sadd.s32 s21, s24;
	[tilespmem:v5+s28+$0x0] =	vst.idx.msk $0xffff, v4  }
0x163: {  	v4 =	vor.u32 s12, v0;
	[tilespmem:s20], [sflag:$0x4] =	stream.strided.gather [hbm4b:s1+s8], $0x1000, s9, s8, $0x38;
	[tilespmem:$0x14200] =	vst v63  }
0x164: {  	v5 =	vmov s13;
	s20 =	simm.s32 $0x5  }
0x165: {  	v6 =	vshll.u32 v5, $0x3;
	_ =	swait.ge [sflag:s20], $0x1000  }
0x166: {  	v5 =	vand.u32 $0x74, v5;
	v6 =	vand.u32 $0xC00, v6;
	[sflag:s20] =	ssyncset.done $0x0  }
0x167: {  	s26 =	simm.s32 $0x4200;
	v5 =	vor.u32 v5, v6;
	[sflag:s20] =	ssyncadd.s32 $0xFFFFF000  }
0x168: {  	v6 =	vor.u32 v1, v5;
	v4 =	vld.idx.msk [tilespmem:v4+s26+$0x0], $0xffff  }
0x169: {  	v7 =	vor.u32 s12, v2;
	_ =	sdelay $0x3  }
0x16a: {  	[tilespmem:v6+s28+$0x0] =	vst.idx.msk $0xffff, v4  }
0x16b: {  	v5 =	vor.u32 v3, v5;
	v4 =	vld.idx.msk [tilespmem:v7+s26+$0x0], $0xffff;
	_ =	sdelay $0x3  }
0x16c: {  	s20 =	sadd.s32 $0xFFFFFFF6, s18  }
0x16d: {  	s0 =	sadd.s32 s21, s0;
	[tilespmem:v5+s28+$0x0] =	vst.idx.msk $0xffff, v4;
	v4 =	vor.u32 s10, v0;
	v5 =	vmov s20;
	s20 =	simm.s32 $0x6  }
0x16e: {  	[tilespmem:s26], [sflag:$0x5] =	stream.strided.gather [hbm4b:s0+s8], $0x1000, s9, s8, $0x38;
	[tilespmem:$0x14200] =	vst v63  }
0x16f: {  	v6 =	vshll.u32 v5, $0x3;
	_ =	swait.ge [sflag:s20], $0x1000  }
0x170: {  	v5 =	vand.u32 $0x75, v5;
	v6 =	vand.u32 $0xC00, v6;
	[sflag:s20] =	ssyncset.done $0x0  }
0x171: {  	s22 =	simm.s32 $0x5200;
	v5 =	vor.u32 v5, v6;
	[sflag:s20] =	ssyncadd.s32 $0xFFFFF000  }
0x172: {  	v6 =	vor.u32 v1, v5;
	v4 =	vld.idx.msk [tilespmem:v4+s22+$0x0], $0xffff  }
0x173: {  	v7 =	vor.u32 s10, v2;
	_ =	sdelay $0x3  }
0x174: {  	[tilespmem:v6+s28+$0x0] =	vst.idx.msk $0xffff, v4  }
0x175: {  	v5 =	vor.u32 v3, v5;
	v4 =	vld.idx.msk [tilespmem:v7+s22+$0x0], $0xffff;
	_ =	sdelay $0x3  }
0x176: {  	s20 =	sadd.s32 $0xFFFFFFF7, s18  }
0x177: {  	s1 =	sadd.s32 s21, s14;
	[tilespmem:v5+s28+$0x0] =	vst.idx.msk $0xffff, v4;
	v4 =	vor.u32 s7, v0;
	v5 =	vmov s20;
	s20 =	simm.s32 $0x7  }
0x178: {  	[tilespmem:s22], [sflag:$0x6] =	stream.strided.gather [hbm4b:s1+s8], $0x1000, s9, s8, $0x38;
	[tilespmem:$0x14200] =	vst v63  }
0x179: {  	v6 =	vshll.u32 v5, $0x3;
	_ =	swait.ge [sflag:s20], $0x1000  }
0x17a: {  	v5 =	vand.u32 $0x76, v5;
	v6 =	vand.u32 $0xC00, v6;
	[sflag:s20] =	ssyncset.done $0x0  }
0x17b: {  	s24 =	simm.s32 $0x6200;
	v5 =	vor.u32 v5, v6;
	[sflag:s20] =	ssyncadd.s32 $0xFFFFF000  }
0x17c: {  	v6 =	vor.u32 v1, v5;
	v4 =	vld.idx.msk [tilespmem:v4+s24+$0x0], $0xffff  }
0x17d: {  	v7 =	vor.u32 s7, v2;
	_ =	sdelay $0x3  }
0x17e: {  	[tilespmem:v6+s28+$0x0] =	vst.idx.msk $0xffff, v4  }
0x17f: {  	v5 =	vor.u32 v3, v5;
	v4 =	vld.idx.msk [tilespmem:v7+s24+$0x0], $0xffff;
	_ =	sdelay $0x3  }
0x180: {  	s11 =	sand.u32 $0xFFFFF80, s11  }
0x181: {  	s1 =	sadd.s32 s21, s11;
	s20 =	sadd.s32 $0xFFFFFFF8, s18;
	[tilespmem:v5+s28+$0x0] =	vst.idx.msk $0xffff, v4  }
0x182: {  	v4 =	vor.u32 s4, v0;
	[tilespmem:s24], [sflag:$0x7] =	stream.strided.gather [hbm4b:s1+s8], $0x1000, s9, s8, $0x38;
	[tilespmem:$0x14200] =	vst v63  }
0x183: {  	v5 =	vmov s20;
	s1 =	simm.s32 $0x8  }
0x184: {  	v6 =	vshll.u32 v5, $0x3;
	_ =	swait.ge [sflag:s1], $0x1000  }
0x185: {  	v5 =	vand.u32 $0x77, v5;
	v6 =	vand.u32 $0xC00, v6;
	[sflag:s1] =	ssyncset.done $0x0  }
0x186: {  	s30 =	simm.s32 $0x7200;
	v5 =	vor.u32 v5, v6;
	[sflag:s1] =	ssyncadd.s32 $0xFFFFF000  }
0x187: {  	v6 =	vor.u32 v1, v5;
	v4 =	vld.idx.msk [tilespmem:v4+s30+$0x0], $0xffff  }
0x188: {  	v7 =	vor.u32 s4, v2;
	_ =	sdelay $0x3  }
0x189: {  	[tilespmem:v6+s28+$0x0] =	vst.idx.msk $0xffff, v4  }
0x18a: {  	v5 =	vor.u32 v3, v5;
	v4 =	vld.idx.msk [tilespmem:v7+s30+$0x0], $0xffff;
	_ =	sdelay $0x3  }
0x18b: {  	s2 =	sand.u32 $0x7F, s2  }
0x18c: {  	s4 =	sadd.s32 s21, s6;
	s6 =	sadd.s32 $0xFFFFFFF9, s18;
	s20 =	simm.s32 $0x9;
	[tilespmem:v5+s28+$0x0] =	vst.idx.msk $0xffff, v4;
	v4 =	vor.u32 s2, v0  }
0x18d: {  	v5 =	vmov s6;
	[tilespmem:s30], [sflag:$0x8] =	stream.strided.gather [hbm4b:s4+s8], $0x1000, s9, s8, $0x38;
	[tilespmem:$0x14200] =	vst v63  }
0x18e: {  	v6 =	vshll.u32 v5, $0x3;
	_ =	swait.ge [sflag:s20], $0x1000  }
0x18f: {  	v5 =	vand.u32 $0x78, v5;
	v6 =	vand.u32 $0xC00, v6;
	[sflag:s20] =	ssyncset.done $0x0  }
0x190: {  	s1 =	simm.s32 $0x8200;
	v5 =	vor.u32 v5, v6;
	[sflag:s20] =	ssyncadd.s32 $0xFFFFF000  }
0x191: {  	v6 =	vor.u32 v1, v5;
	v4 =	vld.idx.msk [tilespmem:v4+s1+$0x0], $0xffff  }
0x192: {  	v7 =	vor.u32 s2, v2;
	_ =	sdelay $0x3  }
0x193: {  	[tilespmem:v6+s28+$0x0] =	vst.idx.msk $0xffff, v4  }
0x194: {  	v5 =	vor.u32 v3, v5;
	v4 =	vld.idx.msk [tilespmem:v7+s1+$0x0], $0xffff;
	_ =	sdelay $0x3  }
0x195: {  	s5 =	sand.u32 $0xFFFFF80, s5  }
0x196: {  	s6 =	sadd.s32 s21, s5;
	s20 =	sadd.s32 $0xFFFFFFFA, s18;
	[tilespmem:v5+s28+$0x0] =	vst.idx.msk $0xffff, v4  }
0x197: {  	v4 =	vor.u32 s31, v0;
	[tilespmem:s1], [sflag:$0x9] =	stream.strided.gather [hbm4b:s6+s8], $0x1000, s9, s8, $0x38;
	[tilespmem:$0x14200] =	vst v63  }
0x198: {  	v5 =	vmov s20;
	s1 =	simm.s32 $0xA  }
0x199: {  	v6 =	vshll.u32 v5, $0x3;
	_ =	swait.ge [sflag:s1], $0x1000  }
0x19a: {  	v5 =	vand.u32 $0x79, v5;
	v6 =	vand.u32 $0xC00, v6;
	[sflag:s1] =	ssyncset.done $0x0  }
0x19b: {  	s13 =	simm.s32 $0x9200;
	v5 =	vor.u32 v5, v6;
	[sflag:s1] =	ssyncadd.s32 $0xFFFFF000  }
0x19c: {  	v6 =	vor.u32 v1, v5;
	v4 =	vld.idx.msk [tilespmem:v4+s13+$0x0], $0xffff  }
0x19d: {  	v7 =	vor.u32 s31, v2;
	_ =	sdelay $0x3  }
0x19e: {  	[tilespmem:v6+s28+$0x0] =	vst.idx.msk $0xffff, v4  }
0x19f: {  	v5 =	vor.u32 v3, v5;
	v4 =	vld.idx.msk [tilespmem:v7+s13+$0x0], $0xffff;
	_ =	sdelay $0x4  }
0x1a0: {  	s2 =	sadd.s32 s21, s3;
	s3 =	sadd.s32 $0xFFFFFFFB, s18;
	s4 =	simm.s32 $0xB;
	[tilespmem:v5+s28+$0x0] =	vst.idx.msk $0xffff, v4;
	v4 =	vor.u32 s29, v0  }
0x1a1: {  	v5 =	vmov s3;
	[tilespmem:s13], [sflag:$0xA] =	stream.strided.gather [hbm4b:s2+s8], $0x1000, s9, s8, $0x38;
	[tilespmem:$0x14200] =	vst v63  }
0x1a2: {  	v6 =	vshll.u32 v5, $0x3;
	_ =	swait.ge [sflag:s4], $0x1000  }
0x1a3: {  	v5 =	vand.u32 $0x7A, v5;
	v6 =	vand.u32 $0xC00, v6;
	[sflag:s4] =	ssyncset.done $0x0  }
0x1a4: {  	s12 =	simm.s32 $0xA200;
	v5 =	vor.u32 v5, v6;
	[sflag:s4] =	ssyncadd.s32 $0xFFFFF000  }
0x1a5: {  	v6 =	vor.u32 v1, v5;
	v4 =	vld.idx.msk [tilespmem:v4+s12+$0x0], $0xffff  }
0x1a6: {  	v7 =	vor.u32 s29, v2;
	_ =	sdelay $0x3  }
0x1a7: {  	[tilespmem:v6+s28+$0x0] =	vst.idx.msk $0xffff, v4  }
0x1a8: {  	v5 =	vor.u32 v3, v5;
	v4 =	vld.idx.msk [tilespmem:v7+s12+$0x0], $0xffff;
	_ =	sdelay $0x3  }
0x1a9: {  	s19 =	sand.u32 $0xFFFFF80, s19  }
0x1aa: {  	s5 =	sadd.s32 s21, s19;
	s20 =	simm.s32 $0xC;
	s6 =	sadd.s32 $0xFFFFFFFC, s18;
	[tilespmem:v5+s28+$0x0] =	vst.idx.msk $0xffff, v4;
	v4 =	vor.u32 s25, v0  }
0x1ab: {  	v5 =	vmov s6;
	[tilespmem:s12], [sflag:$0xB] =	stream.strided.gather [hbm4b:s5+s8], $0x1000, s9, s8, $0x38;
	[tilespmem:$0x14200] =	vst v63  }
0x1ac: {  	v6 =	vshll.u32 v5, $0x3;
	_ =	swait.ge [sflag:s20], $0x1000  }
0x1ad: {  	v5 =	vand.u32 $0x7B, v5;
	v6 =	vand.u32 $0xC00, v6;
	[sflag:s20] =	ssyncset.done $0x0  }
0x1ae: {  	s10 =	simm.s32 $0xB200;
	v5 =	vor.u32 v5, v6;
	[sflag:s20] =	ssyncadd.s32 $0xFFFFF000  }
0x1af: {  	v6 =	vor.u32 v1, v5;
	v4 =	vld.idx.msk [tilespmem:v4+s10+$0x0], $0xffff  }
0x1b0: {  	v7 =	vor.u32 s25, v2;
	_ =	sdelay $0x3  }
0x1b1: {  	[tilespmem:v6+s28+$0x0] =	vst.idx.msk $0xffff, v4  }
0x1b2: {  	v5 =	vor.u32 v3, v5;
	v4 =	vld.idx.msk [tilespmem:v7+s10+$0x0], $0xffff;
	_ =	sdelay $0x3  }
0x1b3: {  	s25 =	rddreg [dreg:$0xa]  }
0x1b4: {  	s31 =	simm.s32 $0xD;
	s29 =	sadd.s32 $0xFFFFFFFD, s18;
	s0 =	sadd.s32 s21, s25;
	[tilespmem:v5+s28+$0x0] =	vst.idx.msk $0xffff, v4;
	v4 =	vor.u32 s23, v0  }
0x1b5: {  	v5 =	vmov s29;
	[tilespmem:s10], [sflag:$0xC] =	stream.strided.gather [hbm4b:s0+s8], $0x1000, s9, s8, $0x38;
	[tilespmem:$0x14200] =	vst v63  }
0x1b6: {  	v6 =	vshll.u32 v5, $0x3;
	_ =	swait.ge [sflag:s31], $0x1000  }
0x1b7: {  	v5 =	vand.u32 $0x7C, v5;
	v6 =	vand.u32 $0xC00, v6;
	[sflag:s31] =	ssyncset.done $0x0  }
0x1b8: {  	s7 =	simm.s32 $0xC200;
	v5 =	vor.u32 v5, v6;
	[sflag:s31] =	ssyncadd.s32 $0xFFFFF000  }
0x1b9: {  	v6 =	vor.u32 v1, v5;
	v4 =	vld.idx.msk [tilespmem:v4+s7+$0x0], $0xffff  }
0x1ba: {  	v7 =	vor.u32 s23, v2;
	_ =	sdelay $0x3  }
0x1bb: {  	[tilespmem:v6+s28+$0x0] =	vst.idx.msk $0xffff, v4  }
0x1bc: {  	v5 =	vor.u32 v3, v5;
	v4 =	vld.idx.msk [tilespmem:v7+s7+$0x0], $0xffff;
	_ =	sdelay $0x2  }
0x1bd: {  	s1 =	rddreg [dreg:$0x9]  }
0x1be: {  	s3 =	rddreg [dreg:$0x6]  }
0x1bf: {  	s2 =	sadd.s32 $0xFFFFFFFE, s18;
	s4 =	simm.s32 $0xE;
	s0 =	sadd.s32 s21, s1;
	[tilespmem:v5+s28+$0x0] =	vst.idx.msk $0xffff, v4;
	v4 =	vor.u32 s3, v0  }
0x1c0: {  	v5 =	vmov s2;
	[tilespmem:s7], [sflag:$0xD] =	stream.strided.gather [hbm4b:s0+s8], $0x1000, s9, s8, $0x38;
	[tilespmem:$0x14200] =	vst v63  }
0x1c1: {  	v6 =	vshll.u32 v5, $0x3;
	_ =	swait.ge [sflag:s4], $0x1000  }
0x1c2: {  	v5 =	vand.u32 $0x7D, v5;
	v6 =	vand.u32 $0xC00, v6;
	[sflag:s4] =	ssyncset.done $0x0  }
0x1c3: {  	s11 =	simm.s32 $0xD200;
	v5 =	vor.u32 v5, v6;
	[sflag:s4] =	ssyncadd.s32 $0xFFFFF000  }
0x1c4: {  	v6 =	vor.u32 v1, v5;
	v4 =	vld.idx.msk [tilespmem:v4+s11+$0x0], $0xffff  }
0x1c5: {  	v7 =	vor.u32 s3, v2;
	_ =	sdelay $0x3  }
0x1c6: {  	[tilespmem:v6+s28+$0x0] =	vst.idx.msk $0xffff, v4  }
0x1c7: {  	v5 =	vor.u32 v3, v5;
	v4 =	vld.idx.msk [tilespmem:v7+s11+$0x0], $0xffff;
	_ =	sdelay $0x2  }
0x1c8: {  	s5 =	rddreg [dreg:$0x8]  }
0x1c9: {  	s20 =	rddreg [dreg:$0x5]  }
0x1ca: {  	s6 =	sadd.s32 $0xFFFFFFFF, s18;
	s23 =	simm.s32 $0xF;
	s0 =	sadd.s32 s21, s5;
	[tilespmem:v5+s28+$0x0] =	vst.idx.msk $0xffff, v4;
	v4 =	vor.u32 s20, v0  }
0x1cb: {  	v5 =	vmov s6;
	[tilespmem:s11], [sflag:$0xE] =	stream.strided.gather [hbm4b:s0+s8], $0x1000, s9, s8, $0x38;
	[tilespmem:$0x14200] =	vst v63  }
0x1cc: {  	v6 =	vshll.u32 v5, $0x3;
	_ =	swait.ge [sflag:s23], $0x1000  }
0x1cd: {  	v5 =	vand.u32 $0x7E, v5;
	v6 =	vand.u32 $0xC00, v6;
	[sflag:s23] =	ssyncset.done $0x0  }
0x1ce: {  	s14 =	simm.s32 $0xE200;
	v5 =	vor.u32 v5, v6;
	[sflag:s23] =	ssyncadd.s32 $0xFFFFF000  }
0x1cf: {  	v6 =	vor.u32 v1, v5;
	v4 =	vld.idx.msk [tilespmem:v4+s14+$0x0], $0xffff  }
0x1d0: {  	v7 =	vor.u32 s20, v2;
	_ =	sdelay $0x3  }
0x1d1: {  	[tilespmem:v6+s28+$0x0] =	vst.idx.msk $0xffff, v4  }
0x1d2: {  	v5 =	vor.u32 v3, v5;
	v4 =	vld.idx.msk [tilespmem:v7+s14+$0x0], $0xffff;
	_ =	sdelay $0x2  }
0x1d3: {  	s25 =	rddreg [dreg:$0x7]  }
0x1d4: {  	s29 =	rddreg [dreg:$0x4]  }
0x1d5: {  	s31 =	simm.s32 $0x10;
	s0 =	sadd.s32 s21, s25;
	[tilespmem:v5+s28+$0x0] =	vst.idx.msk $0xffff, v4;
	v4 =	vor.u32 s29, v0  }
0x1d6: {  	v5 =	vmov s18;
	[tilespmem:s14], [sflag:$0xF] =	stream.strided.gather [hbm4b:s0+s8], $0x1000, s9, s8, $0x38;
	[tilespmem:$0x14200] =	vst v63  }
0x1d7: {  	v6 =	vshll.u32 v5, $0x3;
	_ =	swait.ge [sflag:s31], $0x1000  }
0x1d8: {  	v5 =	vand.u32 $0x7F, v5;
	v6 =	vand.u32 $0xC00, v6;
	[sflag:s31] =	ssyncset.done $0x0  }
0x1d9: {  	s19 =	simm.s32 $0xF200;
	v5 =	vor.u32 v5, v6;
	[sflag:s31] =	ssyncadd.s32 $0xFFFFF000  }
0x1da: {  	v6 =	vor.u32 v1, v5;
	v4 =	vld.idx.msk [tilespmem:v4+s19+$0x0], $0xffff  }
0x1db: {  	p0 =	sne.s32 s15, $0x1FF;
	v7 =	vor.u32 s29, v2  }
.Ltmp0:
0x1dc: {  	_ = 	snop;
	(pc) =	sbr.rel @p0 .LBB2_2-.Ltmp0, $3  }
0x1dd: {  	_ =	sdelay $0x1  }
0x1de: {  	[tilespmem:v6+s28+$0x0] =	vst.idx.msk $0xffff, v4  }
0x1df: {  	s15 =	sadd.s32 $0x10, s15;
	v5 =	vor.u32 v3, v5;
	v4 =	vld.idx.msk [tilespmem:v7+s19+$0x0], $0xffff  }
0x1e0: {  	_ =	sdelay $0x3  }
0x1e1: {  	s0 =	simm.s32 $0x1;
	[tilespmem:v5+s28+$0x0] =	vst.idx.msk $0xffff, v4  }
0x1e2: {  	_ =	swait.ge [sflag:s0], $0x1000  }
0x1e3: {  	[sflag:s0] =	ssyncset.done $0x0  }
0x1e4: {  	s29 =	simm.s32 $0x2;
	[sflag:s0] =	ssyncadd.s32 $0xFFFFF000  }
0x1e5: {  	_ =	swait.ge [sflag:s29], $0x1000  }
0x1e6: {  	[sflag:s29] =	ssyncset.done $0x0  }
0x1e7: {  	s31 =	simm.s32 $0x3;
	[sflag:s29] =	ssyncadd.s32 $0xFFFFF000  }
0x1e8: {  	_ =	swait.ge [sflag:s31], $0x1000  }
0x1e9: {  	[sflag:s31] =	ssyncset.done $0x0  }
0x1ea: {  	s1 =	simm.s32 $0x4;
	[sflag:s31] =	ssyncadd.s32 $0xFFFFF000  }
0x1eb: {  	_ =	swait.ge [sflag:s1], $0x1000  }
0x1ec: {  	[sflag:s1] =	ssyncset.done $0x0  }
0x1ed: {  	s2 =	simm.s32 $0x5;
	[sflag:s1] =	ssyncadd.s32 $0xFFFFF000  }
0x1ee: {  	_ =	swait.ge [sflag:s2], $0x1000  }
0x1ef: {  	[sflag:s2] =	ssyncset.done $0x0  }
0x1f0: {  	s3 =	simm.s32 $0x6;
	[sflag:s2] =	ssyncadd.s32 $0xFFFFF000  }
0x1f1: {  	_ =	swait.ge [sflag:s3], $0x1000  }
0x1f2: {  	[sflag:s3] =	ssyncset.done $0x0  }
0x1f3: {  	s4 =	simm.s32 $0x7;
	[sflag:s3] =	ssyncadd.s32 $0xFFFFF000  }
0x1f4: {  	_ =	swait.ge [sflag:s4], $0x1000  }
0x1f5: {  	[sflag:s4] =	ssyncset.done $0x0  }
0x1f6: {  	s5 =	simm.s32 $0x8;
	[sflag:s4] =	ssyncadd.s32 $0xFFFFF000  }
0x1f7: {  	_ =	swait.ge [sflag:s5], $0x1000  }
0x1f8: {  	[sflag:s5] =	ssyncset.done $0x0  }
0x1f9: {  	s6 =	simm.s32 $0x9;
	[sflag:s5] =	ssyncadd.s32 $0xFFFFF000  }
0x1fa: {  	_ =	swait.ge [sflag:s6], $0x1000  }
0x1fb: {  	[sflag:s6] =	ssyncset.done $0x0  }
0x1fc: {  	s15 =	simm.s32 $0xA;
	[sflag:s6] =	ssyncadd.s32 $0xFFFFF000  }
0x1fd: {  	_ =	swait.ge [sflag:s15], $0x1000  }
0x1fe: {  	[sflag:s15] =	ssyncset.done $0x0  }
0x1ff: {  	s16 =	simm.s32 $0xB;
	[sflag:s15] =	ssyncadd.s32 $0xFFFFF000  }
0x200: {  	_ =	swait.ge [sflag:s16], $0x1000  }
0x201: {  	[sflag:s16] =	ssyncset.done $0x0  }
0x202: {  	s17 =	simm.s32 $0xC;
	[sflag:s16] =	ssyncadd.s32 $0xFFFFF000  }
0x203: {  	_ =	swait.ge [sflag:s17], $0x1000  }
0x204: {  	[sflag:s17] =	ssyncset.done $0x0  }
0x205: {  	s18 =	simm.s32 $0xD;
	[sflag:s17] =	ssyncadd.s32 $0xFFFFF000  }
0x206: {  	_ =	swait.ge [sflag:s18], $0x1000  }
0x207: {  	[sflag:s18] =	ssyncset.done $0x0  }
0x208: {  	s20 =	simm.s32 $0xE;
	[sflag:s18] =	ssyncadd.s32 $0xFFFFF000  }
0x209: {  	_ =	swait.ge [sflag:s20], $0x1000  }
0x20a: {  	[sflag:s20] =	ssyncset.done $0x0  }
0x20b: {  	s23 =	simm.s32 $0xF;
	[sflag:s20] =	ssyncadd.s32 $0xFFFFF000  }
0x20c: {  	_ =	swait.ge [sflag:s23], $0x1000  }
0x20d: {  	s1 =	simm.s32 $0x1000;
	[sflag:s23] =	ssyncset.done $0x0  }
0x20e: {  	s2 =	simm.s32 $0x20000;
	s25 =	rddreg [dreg:$0xc];
	[sflag:s23] =	ssyncadd.s32 $0xFFFFF000  }
0x20f: {  	[hbm4b:s25+s1] =	stream.strided.scatter [tilespmem:s28], [sflag:$0x11], $0x4000, s2, s1, $0x38;
	[tilespmem:$0x14200] =	vst v63  }
0x210: {  	s2 =	simm.s32 $0x11  }
0x211: {  	_ =	swait.ge [sflag:s2], $0x4000  }
0x212: {  	s29 =	rddreg [dreg:$0xe]  }
0x213: {  	s31 =	rddreg [dreg:$0xd];
	s1 =	sadd.s32 $0x1, s29  }
0x214: {  	p0 =	sne.s32 s1, s31  }
.Ltmp1:
0x215: {  	_ = 	snop;
	(pc) =	sbr.rel @p0 .LBB2_1-.Ltmp1, $4  }
0x216: {  	_ = 	snop  }
0x217: {  	s3 =	simm.s32 $0x1200  }
0x218: {  	s4 =	simm.s32 $0x2200;
	s5 =	simm.s32 $0x3200;
	[sflag:s2] =	ssyncset.done $0x0  }
0x219: {  	s6 =	simm.s32 $0x8200;
	s16 =	simm.s32 $0x200;
	[sflag:s2] =	ssyncadd.s32 $0xFFFFC000  }
0x21a: {  	_ =	sfence.sel $0x180000  }
0x21b: {  	[bflag:$0x0] =	sbarrier.arrive $0xFFFF  }
0x21c: {  	_ =	strace $0x90000047  }
0x21d: {  	s0 =	stileid.u32;
	[bflag:$0x2] =	sbarrier.arrive $0xFFFF  }
0x21e: {  	p0 =	sne.s32 s0, $0x0;
	s0 =	rddreg [dreg:$0x3]  }
0x21f: {  	s0 =	sadd.s32 @!p0 $0x100000, s0  }
0x220: {  	[sflag:s0] =	ssyncadd.tile.s32 @!p0 $0x1;
	_ =	shalt  }
.Lfunc_end2:
_tile_overlayer_lowered:
.L_overlay_start_2:
0x221: {  	(tag) =	ssettag $0x2  }
0x222: {  	s0 =	rddreg [dreg:$0x0];
	s2 =	stileid.u32  }
0x223: {  	s1 =	rddreg [dreg:$0x1];
	p0 =	sne.s32 s2, $0x0  }
0x224: {  	s3 =	rddreg [dreg:$0x2];
	[bflag:$0x3] =	sbarrier.arrive $0xFFFF;
	s2 =	simm.s32 @!p0 $0x1C11  }
0x225: {  	[timem:s3], [sflag:s2] =	dma.local @!p0 [hbm:s0], s1  }
0x226: {  	s0 =	simm.s32 @!p0 $0x11  }
0x227: {  	_ =	swait.ge @!p0 [sflag:s0], s1  }
0x228: {  	s1 =	ssub.s32 @!p0 $0x0, s1;
	[sflag:s0] =	ssyncset.done @!p0 $0x0  }
0x229: {  	[sflag:s0] =	ssyncadd.s32 @!p0 s1  }
0x22a: {  	[bflag:$0x3] =	sbarrier.arrive $0xFFFF  }
0x22b: {  	_ =	shalt  }

</sc_bundles>
